<compile_context>
chip_gen: v7x
topology: tpu7x:2x2x1
jax: 0.10.2.dev20260603
libtpu: 0.0.44.dev20260713+nightly
codegen_flags: <defaults>
</compile_context>

<pallas_src>
import functools

import jax
import jax.numpy as jnp
from jax import lax
from jax.experimental import pallas as pl
from jax.experimental.pallas import tpu as pltpu
from jax.experimental.pallas import tpu_sc as plsc

N = 10000
D = 128
E = 320000

_info = plsc.get_sparse_core_info()
NC = _info.num_cores
NS = _info.num_subcores
NW = NC * NS
CH = 125
NCH = E // NW // CH
NBUF = 8
AHD = 4
RPT = 624

BDT = jnp.bfloat16

_mesh = plsc.VectorSubcoreMesh(core_axis_name="c", subcore_axis_name="s")


@functools.partial(
    pl.kernel,
    out_type=jax.ShapeDtypeStruct((NC, N, D), BDT),
    mesh=_mesh,
    scratch_types=[
        pltpu.VMEM((NCH, CH), jnp.int32),
        pltpu.VMEM((NCH, CH), jnp.int32),
        pltpu.VMEM((NBUF, CH, D), BDT),
        pltpu.VMEM_SHARED((N, D), BDT),
        [pltpu.SemaphoreType.DMA] * NBUF,
        [pltpu.SemaphoreType.DMA] * NBUF,
        pltpu.SemaphoreType.DMA,
    ],
    compiler_params=pltpu.CompilerParams(use_tc_tiling_on_sc=False),
)
def _edge_agg(h_hbm, src_hbm, dst_hbm, zero_hbm, out_hbm, src_b, dst_b, rows,
              acc, sem_g, sem_s, sem_i):
    c = lax.axis_index("c")
    s = lax.axis_index("s")
    wid = s * NC + c

    pltpu.async_copy(zero_hbm.at[pl.ds(s * RPT, RPT)],
                     acc.at[pl.ds(s * RPT, RPT)], sem_i)
    pltpu.async_copy(src_hbm.at[wid], src_b, sem_i)
    pltpu.async_copy(dst_hbm.at[wid], dst_b, sem_i)

    @pl.when(s == NS - 1)
    def _():
        pltpu.async_copy(zero_hbm.at[pl.ds(NS * RPT, N - NS * RPT)],
                         acc.at[pl.ds(NS * RPT, N - NS * RPT)], sem_i)
        pltpu.make_async_copy(zero_hbm.at[pl.ds(NS * RPT, N - NS * RPT)],
                              acc.at[pl.ds(NS * RPT, N - NS * RPT)],
                              sem_i).wait()

    pltpu.make_async_copy(zero_hbm.at[pl.ds(0, RPT)], acc.at[pl.ds(0, RPT)],
                          sem_i).wait()
    pltpu.make_async_copy(src_hbm.at[0], src_b, sem_i).wait()
    pltpu.make_async_copy(dst_hbm.at[0], dst_b, sem_i).wait()
    plsc.subcore_barrier()

    def _wait_gather(b):
        pltpu.make_async_copy(h_hbm.at[src_b.at[0]], rows.at[b],
                              sem_g[b]).wait()

    def _wait_scatter(b):
        pltpu.make_async_copy(rows.at[b], acc.at[dst_b.at[0]],
                              sem_s[b]).wait()

    for a in range(AHD):
        pltpu.async_copy(h_hbm.at[src_b.at[a]], rows.at[a], sem_g[a])

    def edge_body(g, carry):
        for b in range(NBUF):
            j = NBUF * g + b
            b2 = (b + AHD) % NBUF
            _wait_gather(b)
            pltpu.async_copy(rows.at[b], acc.at[dst_b.at[j]], sem_s[b],
                             add=True)

            @pl.when(j >= NBUF - AHD)
            def _():
                _wait_scatter(b2)

            @pl.when(j <= NCH - AHD - 1)
            def _():
                pltpu.async_copy(h_hbm.at[src_b.at[j + AHD]], rows.at[b2],
                                 sem_g[b2])
        return carry

    lax.fori_loop(0, NCH // NBUF, edge_body, 0)
    for a in range(NBUF - AHD):
        _wait_scatter((NCH - (NBUF - AHD) + a) % NBUF)
    plsc.subcore_barrier()

    pltpu.sync_copy(acc.at[pl.ds(s * RPT, RPT)],
                    out_hbm.at[c, pl.ds(s * RPT, RPT)])

    @pl.when(s == NS - 1)
    def _():
        pltpu.sync_copy(acc.at[pl.ds(NS * RPT, N - NS * RPT)],
                        out_hbm.at[c, pl.ds(NS * RPT, N - NS * RPT)])


_R = 1000


def _relu_sum_mm_kernel(p_ref, w_ref, o_ref):
    h = p_ref[0].astype(jnp.float32) + p_ref[1].astype(jnp.float32)
    r = jnp.maximum(
        jnp.dot(h, w_ref[...], preferred_element_type=jnp.float32,
                precision=jax.lax.Precision.HIGHEST), 0.0)
    o_ref[...] = r.astype(o_ref.dtype)


def _relu_sum_mm(p, W, out_dtype):
    return pl.pallas_call(
        _relu_sum_mm_kernel,
        grid=(N // _R,),
        in_specs=[pl.BlockSpec((NC, _R, D), lambda i: (0, i, 0)),
                  pl.BlockSpec((D, D), lambda i: (0, 0))],
        out_specs=pl.BlockSpec((_R, D), lambda i: (i, 0)),
        out_shape=jax.ShapeDtypeStruct((N, D), out_dtype),
    )(p, W)


def kernel(x, edge_index, W1, W2):
    src = edge_index[0].reshape(NW, NCH, CH)
    dst = edge_index[1].reshape(NW, NCH, CH)
    zeros = jnp.zeros((N, D), BDT)
    p1 = _edge_agg(x.astype(BDT), src, dst, zeros)
    h = _relu_sum_mm(p1, W1, BDT)
    p2 = _edge_agg(h, src, dst, zeros)
    return _relu_sum_mm(p2, W2, jnp.float32)

# --- scband reference (transcript-rebuilt; emitter-appended) ---
"""Pipeline reference for scband-neura-logic-57174604644834 (READ-ONLY COPY).

The authoritative reference and input builder live on the scoring server;
editing this copy changes nothing except your own understanding.
"""

import jax, jax.numpy as jnp
import numpy as np

N_NODES = 10000
D_FEAT = 128
N_EDGES = 320000


def setup_inputs(seed: int = 0) -> dict:
    key = jax.random.key(seed)
    k1, k2, k3, k4 = jax.random.split(key, 4)
    x = jax.random.normal(k1, (N_NODES, D_FEAT), dtype=jnp.float32)
    edge_index = jax.random.randint(k2, (2, N_EDGES), 0, N_NODES)
    W1 = jax.random.normal(k3, (D_FEAT, D_FEAT), dtype=jnp.float32) / np.sqrt(D_FEAT)
    W2 = jax.random.normal(k4, (D_FEAT, D_FEAT), dtype=jnp.float32) / np.sqrt(D_FEAT)
    return {"x": x, "edge_index": edge_index, "W1": W1, "W2": W2}


def _gcn_conv(x, src, dst, W, num_nodes):
    # PyG GCNConv(normalize=False, bias=False): linear transform then
    # scatter-add of source messages onto destination nodes (no self-loops
    # since add_self_loops follows normalize=False).
    h = x @ W
    return jax.ops.segment_sum(h[src], dst, num_segments=num_nodes)


def reference(x, edge_index, W1, W2):
    src = edge_index[0]
    dst = edge_index[1]
    n = x.shape[0]
    # Layer 1: GCNConv + ReLU activation (native_activations[RELU])
    h = jax.nn.relu(_gcn_conv(x, src, dst, W1, n))
    # Layer 2: GCNConv + ReLU activation
    out = jax.nn.relu(_gcn_conv(h, src, dst, W2, n))
    return out

if __name__ == "__main__":
    import jax
    _d = setup_inputs()
    print(jax.jit(kernel)(*tuple(_d.values())))

</pallas_src>

<mosaic_0001>
#map = affine_map<(d0, d1) -> (0, 0)>
#map1 = affine_map<(d0, d1) -> (0, 0, 0)>
module attributes {stable_mosaic.version = 14 : i64} {
  func.func @_edge_agg(%arg0: i32, %arg1: i32, %arg2: memref<10000x128xbf16, #tpu.memory_space<hbm>>, %arg3: memref<32x80x125xi32, #tpu.memory_space<hbm>>, %arg4: memref<32x80x125xi32, #tpu.memory_space<hbm>>, %arg5: memref<10000x128xbf16, #tpu.memory_space<hbm>>, %arg6: memref<2x10000x128xbf16, #tpu.memory_space<hbm>>, %arg7: memref<80x125xi32, #tpu.memory_space<vmem>>, %arg8: memref<80x125xi32, #tpu.memory_space<vmem>>, %arg9: memref<8x125x128xbf16, #tpu.memory_space<vmem>>, %arg10: memref<10000x128xbf16, #tpu.memory_space<vmem_shared>>, %arg11: memref<!tpu.dma_semaphore, #tpu.memory_space<semaphore_mem>>, %arg12: memref<!tpu.dma_semaphore, #tpu.memory_space<semaphore_mem>>, %arg13: memref<!tpu.dma_semaphore, #tpu.memory_space<semaphore_mem>>, %arg14: memref<!tpu.dma_semaphore, #tpu.memory_space<semaphore_mem>>, %arg15: memref<!tpu.dma_semaphore, #tpu.memory_space<semaphore_mem>>, %arg16: memref<!tpu.dma_semaphore, #tpu.memory_space<semaphore_mem>>, %arg17: memref<!tpu.dma_semaphore, #tpu.memory_space<semaphore_mem>>, %arg18: memref<!tpu.dma_semaphore, #tpu.memory_space<semaphore_mem>>, %arg19: memref<!tpu.dma_semaphore, #tpu.memory_space<semaphore_mem>>, %arg20: memref<!tpu.dma_semaphore, #tpu.memory_space<semaphore_mem>>, %arg21: memref<!tpu.dma_semaphore, #tpu.memory_space<semaphore_mem>>, %arg22: memref<!tpu.dma_semaphore, #tpu.memory_space<semaphore_mem>>, %arg23: memref<!tpu.dma_semaphore, #tpu.memory_space<semaphore_mem>>, %arg24: memref<!tpu.dma_semaphore, #tpu.memory_space<semaphore_mem>>, %arg25: memref<!tpu.dma_semaphore, #tpu.memory_space<semaphore_mem>>, %arg26: memref<!tpu.dma_semaphore, #tpu.memory_space<semaphore_mem>>, %arg27: memref<!tpu.dma_semaphore, #tpu.memory_space<semaphore_mem>>) attributes {dimension_semantics = [#tpu.dimension_semantics<core_parallel>, #tpu.dimension_semantics<subcore_parallel>], iteration_bounds = array<i64: 2, 16>, scalar_prefetch = 0 : i64, scratch_operands = 21 : i64, tpu.core_type = #tpu.core_type<sc_vector_subcore>, window_params = [{transform_indices = #map}, {transform_indices = #map1}, {transform_indices = #map1}, {transform_indices = #map}, {transform_indices = #map1}]} {
    %mul3A = arith.constant 2 : i32
    %mul3A_0 = arith.muli %arg1, %mul3A : i32
    %add3A = arith.addi %mul3A_0, %arg0 : i32
    %mul3A_1 = arith.constant 624 : i32
    %mul3A_2 = arith.muli %arg1, %mul3A_1 : i32
    %mul3A_3 = arith.constant 624 : i32
    %mul3A_4 = arith.muli %arg1, %mul3A_3 : i32
    %dma_start3A = arith.constant 0 : i32
    %dma_start3A_5 = tpu.memref_slice %arg10[%mul3A_4, %dma_start3A] : memref<10000x128xbf16, #tpu.memory_space<vmem_shared>> -> memref<624x128xbf16, #tpu.memory_space<vmem_shared>>
    %dma_start3A_6 = arith.constant 0 : i32
    %dma_start3A_7 = tpu.memref_slice %arg5[%mul3A_2, %dma_start3A_6] : memref<10000x128xbf16, #tpu.memory_space<hbm>> -> memref<624x128xbf16, #tpu.memory_space<hbm>>
    tpu.enqueue_dma source(%dma_start3A_7 : memref<624x128xbf16, #tpu.memory_space<hbm>>) target(%dma_start3A_5 : memref<624x128xbf16, #tpu.memory_space<vmem_shared>>) target_semaphore(%arg27 : memref<!tpu.dma_semaphore, #tpu.memory_space<semaphore_mem>>)
    %dma_start3A_8 = arith.constant 0 : i32
    %dma_start3A_9 = arith.constant 0 : i32
    %dma_start3A_10 = tpu.memref_slice %arg3[%add3A, %dma_start3A_8, %dma_start3A_9] : memref<32x80x125xi32, #tpu.memory_space<hbm>> -> memref<1x80x125xi32, #tpu.memory_space<hbm>>
    %dma_start3A_11 = tpu.memref_squeeze %dma_start3A_10 : memref<1x80x125xi32, #tpu.memory_space<hbm>> -> memref<80x125xi32, #tpu.memory_space<hbm>>
    %dma_start3A_12 = arith.constant 0 : i32
    %dma_start3A_13 = arith.constant 0 : i32
    %dma_start3A_14 = tpu.memref_slice %arg3[%add3A, %dma_start3A_12, %dma_start3A_13] : memref<32x80x125xi32, #tpu.memory_space<hbm>> -> memref<1x80x125xi32, #tpu.memory_space<hbm>>
    %dma_start3A_15 = tpu.memref_squeeze %dma_start3A_14 : memref<1x80x125xi32, #tpu.memory_space<hbm>> -> memref<80x125xi32, #tpu.memory_space<hbm>>
    tpu.enqueue_dma source(%dma_start3A_15 : memref<80x125xi32, #tpu.memory_space<hbm>>) target(%arg7 : memref<80x125xi32, #tpu.memory_space<vmem>>) target_semaphore(%arg27 : memref<!tpu.dma_semaphore, #tpu.memory_space<semaphore_mem>>)
    %dma_start3A_16 = arith.constant 0 : i32
    %dma_start3A_17 = arith.constant 0 : i32
    %dma_start3A_18 = tpu.memref_slice %arg4[%add3A, %dma_start3A_16, %dma_start3A_17] : memref<32x80x125xi32, #tpu.memory_space<hbm>> -> memref<1x80x125xi32, #tpu.memory_space<hbm>>
    %dma_start3A_19 = tpu.memref_squeeze %dma_start3A_18 : memref<1x80x125xi32, #tpu.memory_space<hbm>> -> memref<80x125xi32, #tpu.memory_space<hbm>>
    %dma_start3A_20 = arith.constant 0 : i32
    %dma_start3A_21 = arith.constant 0 : i32
    %dma_start3A_22 = tpu.memref_slice %arg4[%add3A, %dma_start3A_20, %dma_start3A_21] : memref<32x80x125xi32, #tpu.memory_space<hbm>> -> memref<1x80x125xi32, #tpu.memory_space<hbm>>
    %dma_start3A_23 = tpu.memref_squeeze %dma_start3A_22 : memref<1x80x125xi32, #tpu.memory_space<hbm>> -> memref<80x125xi32, #tpu.memory_space<hbm>>
    tpu.enqueue_dma source(%dma_start3A_23 : memref<80x125xi32, #tpu.memory_space<hbm>>) target(%arg8 : memref<80x125xi32, #tpu.memory_space<vmem>>) target_semaphore(%arg27 : memref<!tpu.dma_semaphore, #tpu.memory_space<semaphore_mem>>)
    %eq3A = arith.constant 15 : i32
    %eq3A_24 = arith.cmpi eq, %arg1, %eq3A : i32
    %convert_element_type3A = arith.extui %eq3A_24 : i1 to i32
    %cond3A = arith.constant 0 : i32
    %cond3A_25 = arith.cmpi ne, %convert_element_type3A, %cond3A : i32
    scf.if %cond3A_25 {
      %dma_start3A_160 = arith.constant 9984 : i32
      %dma_start3A_161 = arith.constant 0 : i32
      %dma_start3A_162 = tpu.memref_slice %arg10[%dma_start3A_160, %dma_start3A_161] : memref<10000x128xbf16, #tpu.memory_space<vmem_shared>> -> memref<16x128xbf16, #tpu.memory_space<vmem_shared>>
      %dma_start3A_163 = arith.constant 9984 : i32
      %dma_start3A_164 = arith.constant 0 : i32
      %dma_start3A_165 = tpu.memref_slice %arg5[%dma_start3A_163, %dma_start3A_164] : memref<10000x128xbf16, #tpu.memory_space<hbm>> -> memref<16x128xbf16, #tpu.memory_space<hbm>>
      tpu.enqueue_dma source(%dma_start3A_165 : memref<16x128xbf16, #tpu.memory_space<hbm>>) target(%dma_start3A_162 : memref<16x128xbf16, #tpu.memory_space<vmem_shared>>) target_semaphore(%arg27 : memref<!tpu.dma_semaphore, #tpu.memory_space<semaphore_mem>>)
      %dma_wait3A_166 = arith.constant 9984 : i32
      %dma_wait3A_167 = arith.constant 0 : i32
      %dma_wait3A_168 = tpu.memref_slice %arg10[%dma_wait3A_166, %dma_wait3A_167] : memref<10000x128xbf16, #tpu.memory_space<vmem_shared>> -> memref<16x128xbf16, #tpu.memory_space<vmem_shared>>
      %dma_wait3A_169 = arith.constant 9984 : i32
      %dma_wait3A_170 = arith.constant 0 : i32
      %dma_wait3A_171 = tpu.memref_slice %arg5[%dma_wait3A_169, %dma_wait3A_170] : memref<10000x128xbf16, #tpu.memory_space<hbm>> -> memref<16x128xbf16, #tpu.memory_space<hbm>>
      tpu.wait_dma2 semaphore(%arg27 : memref<!tpu.dma_semaphore, #tpu.memory_space<semaphore_mem>>) src(%dma_wait3A_171 : memref<16x128xbf16, #tpu.memory_space<hbm>>) dst(%dma_wait3A_168 : memref<16x128xbf16, #tpu.memory_space<vmem_shared>>)
    } else {
    }
    %dma_wait3A = arith.constant 0 : i32
    %dma_wait3A_26 = arith.constant 0 : i32
    %dma_wait3A_27 = tpu.memref_slice %arg10[%dma_wait3A, %dma_wait3A_26] : memref<10000x128xbf16, #tpu.memory_space<vmem_shared>> -> memref<624x128xbf16, #tpu.memory_space<vmem_shared>>
    %dma_wait3A_28 = arith.constant 0 : i32
    %dma_wait3A_29 = arith.constant 0 : i32
    %dma_wait3A_30 = tpu.memref_slice %arg5[%dma_wait3A_28, %dma_wait3A_29] : memref<10000x128xbf16, #tpu.memory_space<hbm>> -> memref<624x128xbf16, #tpu.memory_space<hbm>>
    tpu.wait_dma2 semaphore(%arg27 : memref<!tpu.dma_semaphore, #tpu.memory_space<semaphore_mem>>) src(%dma_wait3A_30 : memref<624x128xbf16, #tpu.memory_space<hbm>>) dst(%dma_wait3A_27 : memref<624x128xbf16, #tpu.memory_space<vmem_shared>>)
    %dma_wait3A_31 = arith.constant 0 : i32
    %dma_wait3A_32 = arith.constant 0 : i32
    %dma_wait3A_33 = arith.constant 0 : i32
    %dma_wait3A_34 = tpu.memref_slice %arg3[%dma_wait3A_31, %dma_wait3A_32, %dma_wait3A_33] : memref<32x80x125xi32, #tpu.memory_space<hbm>> -> memref<1x80x125xi32, #tpu.memory_space<hbm>>
    %dma_wait3A_35 = tpu.memref_squeeze %dma_wait3A_34 : memref<1x80x125xi32, #tpu.memory_space<hbm>> -> memref<80x125xi32, #tpu.memory_space<hbm>>
    %dma_wait3A_36 = arith.constant 0 : i32
    %dma_wait3A_37 = arith.constant 0 : i32
    %dma_wait3A_38 = tpu.memref_slice %arg3[%dma_wait3A_31, %dma_wait3A_36, %dma_wait3A_37] : memref<32x80x125xi32, #tpu.memory_space<hbm>> -> memref<1x80x125xi32, #tpu.memory_space<hbm>>
    %dma_wait3A_39 = tpu.memref_squeeze %dma_wait3A_38 : memref<1x80x125xi32, #tpu.memory_space<hbm>> -> memref<80x125xi32, #tpu.memory_space<hbm>>
    tpu.wait_dma2 semaphore(%arg27 : memref<!tpu.dma_semaphore, #tpu.memory_space<semaphore_mem>>) src(%dma_wait3A_39 : memref<80x125xi32, #tpu.memory_space<hbm>>) dst(%arg7 : memref<80x125xi32, #tpu.memory_space<vmem>>)
    %dma_wait3A_40 = arith.constant 0 : i32
    %dma_wait3A_41 = arith.constant 0 : i32
    %dma_wait3A_42 = arith.constant 0 : i32
    %dma_wait3A_43 = tpu.memref_slice %arg4[%dma_wait3A_40, %dma_wait3A_41, %dma_wait3A_42] : memref<32x80x125xi32, #tpu.memory_space<hbm>> -> memref<1x80x125xi32, #tpu.memory_space<hbm>>
    %dma_wait3A_44 = tpu.memref_squeeze %dma_wait3A_43 : memref<1x80x125xi32, #tpu.memory_space<hbm>> -> memref<80x125xi32, #tpu.memory_space<hbm>>
    %dma_wait3A_45 = arith.constant 0 : i32
    %dma_wait3A_46 = arith.constant 0 : i32
    %dma_wait3A_47 = tpu.memref_slice %arg4[%dma_wait3A_40, %dma_wait3A_45, %dma_wait3A_46] : memref<32x80x125xi32, #tpu.memory_space<hbm>> -> memref<1x80x125xi32, #tpu.memory_space<hbm>>
    %dma_wait3A_48 = tpu.memref_squeeze %dma_wait3A_47 : memref<1x80x125xi32, #tpu.memory_space<hbm>> -> memref<80x125xi32, #tpu.memory_space<hbm>>
    tpu.wait_dma2 semaphore(%arg27 : memref<!tpu.dma_semaphore, #tpu.memory_space<semaphore_mem>>) src(%dma_wait3A_48 : memref<80x125xi32, #tpu.memory_space<hbm>>) dst(%arg8 : memref<80x125xi32, #tpu.memory_space<vmem>>)
    %barrier3A = arith.constant 0 : index
    tpu.barrier barrier_id(%barrier3A)
    %dma_start3A_49 = arith.constant 0 : i32
    %dma_start3A_50 = arith.constant 0 : i32
    %dma_start3A_51 = arith.constant 0 : i32
    %dma_start3A_52 = arith.constant 0 : i32
    %dma_start3A_53 = tpu.memref_slice %arg9[%dma_start3A_50, %dma_start3A_51, %dma_start3A_52] : memref<8x125x128xbf16, #tpu.memory_space<vmem>> -> memref<1x125x128xbf16, #tpu.memory_space<vmem>>
    %dma_start3A_54 = tpu.memref_squeeze %dma_start3A_53 : memref<1x125x128xbf16, #tpu.memory_space<vmem>> -> memref<125x128xbf16, #tpu.memory_space<vmem>>
    %dma_start3A_55 = arith.constant 0 : i32
    %dma_start3A_56 = tpu.memref_slice %arg7[%dma_start3A_49, %dma_start3A_55] : memref<80x125xi32, #tpu.memory_space<vmem>> -> memref<1x125xi32, #tpu.memory_space<vmem>>
    %dma_start3A_57 = tpu.memref_squeeze %dma_start3A_56 : memref<1x125xi32, #tpu.memory_space<vmem>> -> memref<125xi32, #tpu.memory_space<vmem>>
    %dma_start3A_58 = arith.constant 0 : i32
    %dma_start3A_59 = arith.constant 0 : i32
    %dma_start3A_60 = tpu.memref_slice %arg2[%dma_start3A_58, %dma_start3A_59] : memref<10000x128xbf16, #tpu.memory_space<hbm>> -> memref<10000x128xbf16, #tpu.memory_space<hbm>>
    tpu.enqueue_indirect_dma source(%dma_start3A_60 : memref<10000x128xbf16, #tpu.memory_space<hbm>>) target(%dma_start3A_54 : memref<125x128xbf16, #tpu.memory_space<vmem>>) offsets(%dma_start3A_57 : memref<125xi32, #tpu.memory_space<vmem>>) semaphore(%arg11 : memref<!tpu.dma_semaphore, #tpu.memory_space<semaphore_mem>>)
    %dma_start3A_61 = arith.constant 1 : i32
    %dma_start3A_62 = arith.constant 1 : i32
    %dma_start3A_63 = arith.constant 0 : i32
    %dma_start3A_64 = arith.constant 0 : i32
    %dma_start3A_65 = tpu.memref_slice %arg9[%dma_start3A_62, %dma_start3A_63, %dma_start3A_64] : memref<8x125x128xbf16, #tpu.memory_space<vmem>> -> memref<1x125x128xbf16, #tpu.memory_space<vmem>>
    %dma_start3A_66 = tpu.memref_squeeze %dma_start3A_65 : memref<1x125x128xbf16, #tpu.memory_space<vmem>> -> memref<125x128xbf16, #tpu.memory_space<vmem>>
    %dma_start3A_67 = arith.constant 0 : i32
    %dma_start3A_68 = tpu.memref_slice %arg7[%dma_start3A_61, %dma_start3A_67] : memref<80x125xi32, #tpu.memory_space<vmem>> -> memref<1x125xi32, #tpu.memory_space<vmem>>
    %dma_start3A_69 = tpu.memref_squeeze %dma_start3A_68 : memref<1x125xi32, #tpu.memory_space<vmem>> -> memref<125xi32, #tpu.memory_space<vmem>>
    %dma_start3A_70 = arith.constant 0 : i32
    %dma_start3A_71 = arith.constant 0 : i32
    %dma_start3A_72 = tpu.memref_slice %arg2[%dma_start3A_70, %dma_start3A_71] : memref<10000x128xbf16, #tpu.memory_space<hbm>> -> memref<10000x128xbf16, #tpu.memory_space<hbm>>
    tpu.enqueue_indirect_dma source(%dma_start3A_72 : memref<10000x128xbf16, #tpu.memory_space<hbm>>) target(%dma_start3A_66 : memref<125x128xbf16, #tpu.memory_space<vmem>>) offsets(%dma_start3A_69 : memref<125xi32, #tpu.memory_space<vmem>>) semaphore(%arg12 : memref<!tpu.dma_semaphore, #tpu.memory_space<semaphore_mem>>)
    %dma_start3A_73 = arith.constant 2 : i32
    %dma_start3A_74 = arith.constant 2 : i32
    %dma_start3A_75 = arith.constant 0 : i32
    %dma_start3A_76 = arith.constant 0 : i32
    %dma_start3A_77 = tpu.memref_slice %arg9[%dma_start3A_74, %dma_start3A_75, %dma_start3A_76] : memref<8x125x128xbf16, #tpu.memory_space<vmem>> -> memref<1x125x128xbf16, #tpu.memory_space<vmem>>
    %dma_start3A_78 = tpu.memref_squeeze %dma_start3A_77 : memref<1x125x128xbf16, #tpu.memory_space<vmem>> -> memref<125x128xbf16, #tpu.memory_space<vmem>>
    %dma_start3A_79 = arith.constant 0 : i32
    %dma_start3A_80 = tpu.memref_slice %arg7[%dma_start3A_73, %dma_start3A_79] : memref<80x125xi32, #tpu.memory_space<vmem>> -> memref<1x125xi32, #tpu.memory_space<vmem>>
    %dma_start3A_81 = tpu.memref_squeeze %dma_start3A_80 : memref<1x125xi32, #tpu.memory_space<vmem>> -> memref<125xi32, #tpu.memory_space<vmem>>
    %dma_start3A_82 = arith.constant 0 : i32
    %dma_start3A_83 = arith.constant 0 : i32
    %dma_start3A_84 = tpu.memref_slice %arg2[%dma_start3A_82, %dma_start3A_83] : memref<10000x128xbf16, #tpu.memory_space<hbm>> -> memref<10000x128xbf16, #tpu.memory_space<hbm>>
    tpu.enqueue_indirect_dma source(%dma_start3A_84 : memref<10000x128xbf16, #tpu.memory_space<hbm>>) target(%dma_start3A_78 : memref<125x128xbf16, #tpu.memory_space<vmem>>) offsets(%dma_start3A_81 : memref<125xi32, #tpu.memory_space<vmem>>) semaphore(%arg13 : memref<!tpu.dma_semaphore, #tpu.memory_space<semaphore_mem>>)
    %dma_start3A_85 = arith.constant 3 : i32
    %dma_start3A_86 = arith.constant 3 : i32
    %dma_start3A_87 = arith.constant 0 : i32
    %dma_start3A_88 = arith.constant 0 : i32
    %dma_start3A_89 = tpu.memref_slice %arg9[%dma_start3A_86, %dma_start3A_87, %dma_start3A_88] : memref<8x125x128xbf16, #tpu.memory_space<vmem>> -> memref<1x125x128xbf16, #tpu.memory_space<vmem>>
    %dma_start3A_90 = tpu.memref_squeeze %dma_start3A_89 : memref<1x125x128xbf16, #tpu.memory_space<vmem>> -> memref<125x128xbf16, #tpu.memory_space<vmem>>
    %dma_start3A_91 = arith.constant 0 : i32
    %dma_start3A_92 = tpu.memref_slice %arg7[%dma_start3A_85, %dma_start3A_91] : memref<80x125xi32, #tpu.memory_space<vmem>> -> memref<1x125xi32, #tpu.memory_space<vmem>>
    %dma_start3A_93 = tpu.memref_squeeze %dma_start3A_92 : memref<1x125xi32, #tpu.memory_space<vmem>> -> memref<125xi32, #tpu.memory_space<vmem>>
    %dma_start3A_94 = arith.constant 0 : i32
    %dma_start3A_95 = arith.constant 0 : i32
    %dma_start3A_96 = tpu.memref_slice %arg2[%dma_start3A_94, %dma_start3A_95] : memref<10000x128xbf16, #tpu.memory_space<hbm>> -> memref<10000x128xbf16, #tpu.memory_space<hbm>>
    tpu.enqueue_indirect_dma source(%dma_start3A_96 : memref<10000x128xbf16, #tpu.memory_space<hbm>>) target(%dma_start3A_90 : memref<125x128xbf16, #tpu.memory_space<vmem>>) offsets(%dma_start3A_93 : memref<125xi32, #tpu.memory_space<vmem>>) semaphore(%arg14 : memref<!tpu.dma_semaphore, #tpu.memory_space<semaphore_mem>>)
    %scan3A = arith.constant 0 : i32
    %scan3A_97 = arith.constant 0 : i32
    %scan3A_98 = arith.constant 10 : i32
    %scan3A_99 = arith.addi %scan3A_97, %scan3A_98 : i32
    %scan3A_100 = arith.constant 1 : i32
    scf.for %scan3A_160 = %scan3A_97 to %scan3A_99 step %scan3A_100  : i32 {
      %mul3A_161 = arith.constant 8 : i32
      %mul3A_162 = arith.muli %mul3A_161, %scan3A_160 : i32
      %add3A_163 = arith.constant 0 : i32
      %add3A_164 = arith.addi %mul3A_162, %add3A_163 : i32
      %dma_wait3A_165 = arith.constant 0 : i32
      %dma_wait3A_166 = arith.constant 0 : i32
      %dma_wait3A_167 = arith.constant 0 : i32
      %dma_wait3A_168 = arith.constant 0 : i32
      %dma_wait3A_169 = tpu.memref_slice %arg9[%dma_wait3A_166, %dma_wait3A_167, %dma_wait3A_168] : memref<8x125x128xbf16, #tpu.memory_space<vmem>> -> memref<1x125x128xbf16, #tpu.memory_space<vmem>>
      %dma_wait3A_170 = tpu.memref_squeeze %dma_wait3A_169 : memref<1x125x128xbf16, #tpu.memory_space<vmem>> -> memref<125x128xbf16, #tpu.memory_space<vmem>>
      %dma_wait3A_171 = arith.constant 0 : i32
      %dma_wait3A_172 = tpu.memref_slice %arg7[%dma_wait3A_165, %dma_wait3A_171] : memref<80x125xi32, #tpu.memory_space<vmem>> -> memref<1x125xi32, #tpu.memory_space<vmem>>
      %dma_wait3A_173 = tpu.memref_squeeze %dma_wait3A_172 : memref<1x125xi32, #tpu.memory_space<vmem>> -> memref<125xi32, #tpu.memory_space<vmem>>
      %dma_wait3A_174 = arith.constant 0 : i32
      %dma_wait3A_175 = arith.constant 0 : i32
      %dma_wait3A_176 = tpu.memref_slice %arg2[%dma_wait3A_174, %dma_wait3A_175] : memref<10000x128xbf16, #tpu.memory_space<hbm>> -> memref<10000x128xbf16, #tpu.memory_space<hbm>>
      tpu.wait_indirect_dma semaphore(%arg11 : memref<!tpu.dma_semaphore, #tpu.memory_space<semaphore_mem>>) src(%dma_wait3A_176 : memref<10000x128xbf16, #tpu.memory_space<hbm>>) dst(%dma_wait3A_170 : memref<125x128xbf16, #tpu.memory_space<vmem>>)
      %dma_start3A_177 = arith.constant 0 : i32
      %dma_start3A_178 = arith.constant 0 : i32
      %dma_start3A_179 = arith.constant 0 : i32
      %dma_start3A_180 = tpu.memref_slice %arg9[%dma_start3A_177, %dma_start3A_178, %dma_start3A_179] : memref<8x125x128xbf16, #tpu.memory_space<vmem>> -> memref<1x125x128xbf16, #tpu.memory_space<vmem>>
      %dma_start3A_181 = tpu.memref_squeeze %dma_start3A_180 : memref<1x125x128xbf16, #tpu.memory_space<vmem>> -> memref<125x128xbf16, #tpu.memory_space<vmem>>
      %dma_start3A_182 = arith.constant 0 : i32
      %dma_start3A_183 = tpu.memref_slice %arg8[%add3A_164, %dma_start3A_182] : memref<80x125xi32, #tpu.memory_space<vmem>> -> memref<1x125xi32, #tpu.memory_space<vmem>>
      %dma_start3A_184 = tpu.memref_squeeze %dma_start3A_183 : memref<1x125xi32, #tpu.memory_space<vmem>> -> memref<125xi32, #tpu.memory_space<vmem>>
      %dma_start3A_185 = arith.constant 0 : i32
      %dma_start3A_186 = arith.constant 0 : i32
      %dma_start3A_187 = tpu.memref_slice %arg10[%dma_start3A_185, %dma_start3A_186] : memref<10000x128xbf16, #tpu.memory_space<vmem_shared>> -> memref<10000x128xbf16, #tpu.memory_space<vmem_shared>>
      tpu.enqueue_indirect_dma source(%dma_start3A_181 : memref<125x128xbf16, #tpu.memory_space<vmem>>) target(%dma_start3A_187 : memref<10000x128xbf16, #tpu.memory_space<vmem_shared>>) offsets(%dma_start3A_184 : memref<125xi32, #tpu.memory_space<vmem>>) semaphore(%arg19 : memref<!tpu.dma_semaphore, #tpu.memory_space<semaphore_mem>>) {add = true}
      %ge3A = arith.constant 4 : i32
      %ge3A_188 = arith.cmpi sge, %add3A_164, %ge3A : i32
      %convert_element_type3A_189 = arith.extui %ge3A_188 : i1 to i32
      %cond3A_190 = arith.constant 0 : i32
      %cond3A_191 = arith.cmpi ne, %convert_element_type3A_189, %cond3A_190 : i32
      scf.if %cond3A_191 {
        %dma_wait3A_455 = arith.constant 4 : i32
        %dma_wait3A_456 = arith.constant 0 : i32
        %dma_wait3A_457 = arith.constant 0 : i32
        %dma_wait3A_458 = arith.constant 0 : i32
        %dma_wait3A_459 = tpu.memref_slice %arg9[%dma_wait3A_455, %dma_wait3A_457, %dma_wait3A_458] : memref<8x125x128xbf16, #tpu.memory_space<vmem>> -> memref<1x125x128xbf16, #tpu.memory_space<vmem>>
        %dma_wait3A_460 = tpu.memref_squeeze %dma_wait3A_459 : memref<1x125x128xbf16, #tpu.memory_space<vmem>> -> memref<125x128xbf16, #tpu.memory_space<vmem>>
        %dma_wait3A_461 = arith.constant 0 : i32
        %dma_wait3A_462 = tpu.memref_slice %arg8[%dma_wait3A_456, %dma_wait3A_461] : memref<80x125xi32, #tpu.memory_space<vmem>> -> memref<1x125xi32, #tpu.memory_space<vmem>>
        %dma_wait3A_463 = tpu.memref_squeeze %dma_wait3A_462 : memref<1x125xi32, #tpu.memory_space<vmem>> -> memref<125xi32, #tpu.memory_space<vmem>>
        %dma_wait3A_464 = arith.constant 0 : i32
        %dma_wait3A_465 = arith.constant 0 : i32
        %dma_wait3A_466 = tpu.memref_slice %arg10[%dma_wait3A_464, %dma_wait3A_465] : memref<10000x128xbf16, #tpu.memory_space<vmem_shared>> -> memref<10000x128xbf16, #tpu.memory_space<vmem_shared>>
        tpu.wait_indirect_dma semaphore(%arg23 : memref<!tpu.dma_semaphore, #tpu.memory_space<semaphore_mem>>) src(%dma_wait3A_460 : memref<125x128xbf16, #tpu.memory_space<vmem>>) dst(%dma_wait3A_466 : memref<10000x128xbf16, #tpu.memory_space<vmem_shared>>)
      } else {
      }
      %le3A = arith.constant 75 : i32
      %le3A_192 = arith.cmpi sle, %add3A_164, %le3A : i32
      %convert_element_type3A_193 = arith.extui %le3A_192 : i1 to i32
      %cond3A_194 = arith.constant 0 : i32
      %cond3A_195 = arith.cmpi ne, %convert_element_type3A_193, %cond3A_194 : i32
      scf.if %cond3A_195 {
        %add3A_455 = arith.constant 4 : i32
        %add3A_456 = arith.addi %add3A_164, %add3A_455 : i32
        %dma_start3A_457 = arith.constant 4 : i32
        %dma_start3A_458 = arith.constant 0 : i32
        %dma_start3A_459 = arith.constant 0 : i32
        %dma_start3A_460 = tpu.memref_slice %arg9[%dma_start3A_457, %dma_start3A_458, %dma_start3A_459] : memref<8x125x128xbf16, #tpu.memory_space<vmem>> -> memref<1x125x128xbf16, #tpu.memory_space<vmem>>
        %dma_start3A_461 = tpu.memref_squeeze %dma_start3A_460 : memref<1x125x128xbf16, #tpu.memory_space<vmem>> -> memref<125x128xbf16, #tpu.memory_space<vmem>>
        %dma_start3A_462 = arith.constant 0 : i32
        %dma_start3A_463 = tpu.memref_slice %arg7[%add3A_456, %dma_start3A_462] : memref<80x125xi32, #tpu.memory_space<vmem>> -> memref<1x125xi32, #tpu.memory_space<vmem>>
        %dma_start3A_464 = tpu.memref_squeeze %dma_start3A_463 : memref<1x125xi32, #tpu.memory_space<vmem>> -> memref<125xi32, #tpu.memory_space<vmem>>
        %dma_start3A_465 = arith.constant 0 : i32
        %dma_start3A_466 = arith.constant 0 : i32
        %dma_start3A_467 = tpu.memref_slice %arg2[%dma_start3A_465, %dma_start3A_466] : memref<10000x128xbf16, #tpu.memory_space<hbm>> -> memref<10000x128xbf16, #tpu.memory_space<hbm>>
        tpu.enqueue_indirect_dma source(%dma_start3A_467 : memref<10000x128xbf16, #tpu.memory_space<hbm>>) target(%dma_start3A_461 : memref<125x128xbf16, #tpu.memory_space<vmem>>) offsets(%dma_start3A_464 : memref<125xi32, #tpu.memory_space<vmem>>) semaphore(%arg15 : memref<!tpu.dma_semaphore, #tpu.memory_space<semaphore_mem>>)
      } else {
      }
      %mul3A_196 = arith.constant 8 : i32
      %mul3A_197 = arith.muli %mul3A_196, %scan3A_160 : i32
      %add3A_198 = arith.constant 1 : i32
      %add3A_199 = arith.addi %mul3A_197, %add3A_198 : i32
      %dma_wait3A_200 = arith.constant 0 : i32
      %dma_wait3A_201 = arith.constant 1 : i32
      %dma_wait3A_202 = arith.constant 0 : i32
      %dma_wait3A_203 = arith.constant 0 : i32
      %dma_wait3A_204 = tpu.memref_slice %arg9[%dma_wait3A_201, %dma_wait3A_202, %dma_wait3A_203] : memref<8x125x128xbf16, #tpu.memory_space<vmem>> -> memref<1x125x128xbf16, #tpu.memory_space<vmem>>
      %dma_wait3A_205 = tpu.memref_squeeze %dma_wait3A_204 : memref<1x125x128xbf16, #tpu.memory_space<vmem>> -> memref<125x128xbf16, #tpu.memory_space<vmem>>
      %dma_wait3A_206 = arith.constant 0 : i32
      %dma_wait3A_207 = tpu.memref_slice %arg7[%dma_wait3A_200, %dma_wait3A_206] : memref<80x125xi32, #tpu.memory_space<vmem>> -> memref<1x125xi32, #tpu.memory_space<vmem>>
      %dma_wait3A_208 = tpu.memref_squeeze %dma_wait3A_207 : memref<1x125xi32, #tpu.memory_space<vmem>> -> memref<125xi32, #tpu.memory_space<vmem>>
      %dma_wait3A_209 = arith.constant 0 : i32
      %dma_wait3A_210 = arith.constant 0 : i32
      %dma_wait3A_211 = tpu.memref_slice %arg2[%dma_wait3A_209, %dma_wait3A_210] : memref<10000x128xbf16, #tpu.memory_space<hbm>> -> memref<10000x128xbf16, #tpu.memory_space<hbm>>
      tpu.wait_indirect_dma semaphore(%arg12 : memref<!tpu.dma_semaphore, #tpu.memory_space<semaphore_mem>>) src(%dma_wait3A_211 : memref<10000x128xbf16, #tpu.memory_space<hbm>>) dst(%dma_wait3A_205 : memref<125x128xbf16, #tpu.memory_space<vmem>>)
      %dma_start3A_212 = arith.constant 1 : i32
      %dma_start3A_213 = arith.constant 0 : i32
      %dma_start3A_214 = arith.constant 0 : i32
      %dma_start3A_215 = tpu.memref_slice %arg9[%dma_start3A_212, %dma_start3A_213, %dma_start3A_214] : memref<8x125x128xbf16, #tpu.memory_space<vmem>> -> memref<1x125x128xbf16, #tpu.memory_space<vmem>>
      %dma_start3A_216 = tpu.memref_squeeze %dma_start3A_215 : memref<1x125x128xbf16, #tpu.memory_space<vmem>> -> memref<125x128xbf16, #tpu.memory_space<vmem>>
      %dma_start3A_217 = arith.constant 0 : i32
      %dma_start3A_218 = tpu.memref_slice %arg8[%add3A_199, %dma_start3A_217] : memref<80x125xi32, #tpu.memory_space<vmem>> -> memref<1x125xi32, #tpu.memory_space<vmem>>
      %dma_start3A_219 = tpu.memref_squeeze %dma_start3A_218 : memref<1x125xi32, #tpu.memory_space<vmem>> -> memref<125xi32, #tpu.memory_space<vmem>>
      %dma_start3A_220 = arith.constant 0 : i32
      %dma_start3A_221 = arith.constant 0 : i32
      %dma_start3A_222 = tpu.memref_slice %arg10[%dma_start3A_220, %dma_start3A_221] : memref<10000x128xbf16, #tpu.memory_space<vmem_shared>> -> memref<10000x128xbf16, #tpu.memory_space<vmem_shared>>
      tpu.enqueue_indirect_dma source(%dma_start3A_216 : memref<125x128xbf16, #tpu.memory_space<vmem>>) target(%dma_start3A_222 : memref<10000x128xbf16, #tpu.memory_space<vmem_shared>>) offsets(%dma_start3A_219 : memref<125xi32, #tpu.memory_space<vmem>>) semaphore(%arg20 : memref<!tpu.dma_semaphore, #tpu.memory_space<semaphore_mem>>) {add = true}
      %ge3A_223 = arith.constant 4 : i32
      %ge3A_224 = arith.cmpi sge, %add3A_199, %ge3A_223 : i32
      %convert_element_type3A_225 = arith.extui %ge3A_224 : i1 to i32
      %cond3A_226 = arith.constant 0 : i32
      %cond3A_227 = arith.cmpi ne, %convert_element_type3A_225, %cond3A_226 : i32
      scf.if %cond3A_227 {
        %dma_wait3A_455 = arith.constant 5 : i32
        %dma_wait3A_456 = arith.constant 0 : i32
        %dma_wait3A_457 = arith.constant 0 : i32
        %dma_wait3A_458 = arith.constant 0 : i32
        %dma_wait3A_459 = tpu.memref_slice %arg9[%dma_wait3A_455, %dma_wait3A_457, %dma_wait3A_458] : memref<8x125x128xbf16, #tpu.memory_space<vmem>> -> memref<1x125x128xbf16, #tpu.memory_space<vmem>>
        %dma_wait3A_460 = tpu.memref_squeeze %dma_wait3A_459 : memref<1x125x128xbf16, #tpu.memory_space<vmem>> -> memref<125x128xbf16, #tpu.memory_space<vmem>>
        %dma_wait3A_461 = arith.constant 0 : i32
        %dma_wait3A_462 = tpu.memref_slice %arg8[%dma_wait3A_456, %dma_wait3A_461] : memref<80x125xi32, #tpu.memory_space<vmem>> -> memref<1x125xi32, #tpu.memory_space<vmem>>
        %dma_wait3A_463 = tpu.memref_squeeze %dma_wait3A_462 : memref<1x125xi32, #tpu.memory_space<vmem>> -> memref<125xi32, #tpu.memory_space<vmem>>
        %dma_wait3A_464 = arith.constant 0 : i32
        %dma_wait3A_465 = arith.constant 0 : i32
        %dma_wait3A_466 = tpu.memref_slice %arg10[%dma_wait3A_464, %dma_wait3A_465] : memref<10000x128xbf16, #tpu.memory_space<vmem_shared>> -> memref<10000x128xbf16, #tpu.memory_space<vmem_shared>>
        tpu.wait_indirect_dma semaphore(%arg24 : memref<!tpu.dma_semaphore, #tpu.memory_space<semaphore_mem>>) src(%dma_wait3A_460 : memref<125x128xbf16, #tpu.memory_space<vmem>>) dst(%dma_wait3A_466 : memref<10000x128xbf16, #tpu.memory_space<vmem_shared>>)
      } else {
      }
      %le3A_228 = arith.constant 75 : i32
      %le3A_229 = arith.cmpi sle, %add3A_199, %le3A_228 : i32
      %convert_element_type3A_230 = arith.extui %le3A_229 : i1 to i32
      %cond3A_231 = arith.constant 0 : i32
      %cond3A_232 = arith.cmpi ne, %convert_element_type3A_230, %cond3A_231 : i32
      scf.if %cond3A_232 {
        %add3A_455 = arith.constant 4 : i32
        %add3A_456 = arith.addi %add3A_199, %add3A_455 : i32
        %dma_start3A_457 = arith.constant 5 : i32
        %dma_start3A_458 = arith.constant 0 : i32
        %dma_start3A_459 = arith.constant 0 : i32
        %dma_start3A_460 = tpu.memref_slice %arg9[%dma_start3A_457, %dma_start3A_458, %dma_start3A_459] : memref<8x125x128xbf16, #tpu.memory_space<vmem>> -> memref<1x125x128xbf16, #tpu.memory_space<vmem>>
        %dma_start3A_461 = tpu.memref_squeeze %dma_start3A_460 : memref<1x125x128xbf16, #tpu.memory_space<vmem>> -> memref<125x128xbf16, #tpu.memory_space<vmem>>
        %dma_start3A_462 = arith.constant 0 : i32
        %dma_start3A_463 = tpu.memref_slice %arg7[%add3A_456, %dma_start3A_462] : memref<80x125xi32, #tpu.memory_space<vmem>> -> memref<1x125xi32, #tpu.memory_space<vmem>>
        %dma_start3A_464 = tpu.memref_squeeze %dma_start3A_463 : memref<1x125xi32, #tpu.memory_space<vmem>> -> memref<125xi32, #tpu.memory_space<vmem>>
        %dma_start3A_465 = arith.constant 0 : i32
        %dma_start3A_466 = arith.constant 0 : i32
        %dma_start3A_467 = tpu.memref_slice %arg2[%dma_start3A_465, %dma_start3A_466] : memref<10000x128xbf16, #tpu.memory_space<hbm>> -> memref<10000x128xbf16, #tpu.memory_space<hbm>>
        tpu.enqueue_indirect_dma source(%dma_start3A_467 : memref<10000x128xbf16, #tpu.memory_space<hbm>>) target(%dma_start3A_461 : memref<125x128xbf16, #tpu.memory_space<vmem>>) offsets(%dma_start3A_464 : memref<125xi32, #tpu.memory_space<vmem>>) semaphore(%arg16 : memref<!tpu.dma_semaphore, #tpu.memory_space<semaphore_mem>>)
      } else {
      }
      %mul3A_233 = arith.constant 8 : i32
      %mul3A_234 = arith.muli %mul3A_233, %scan3A_160 : i32
      %add3A_235 = arith.constant 2 : i32
      %add3A_236 = arith.addi %mul3A_234, %add3A_235 : i32
      %dma_wait3A_237 = arith.constant 0 : i32
      %dma_wait3A_238 = arith.constant 2 : i32
      %dma_wait3A_239 = arith.constant 0 : i32
      %dma_wait3A_240 = arith.constant 0 : i32
      %dma_wait3A_241 = tpu.memref_slice %arg9[%dma_wait3A_238, %dma_wait3A_239, %dma_wait3A_240] : memref<8x125x128xbf16, #tpu.memory_space<vmem>> -> memref<1x125x128xbf16, #tpu.memory_space<vmem>>
      %dma_wait3A_242 = tpu.memref_squeeze %dma_wait3A_241 : memref<1x125x128xbf16, #tpu.memory_space<vmem>> -> memref<125x128xbf16, #tpu.memory_space<vmem>>
      %dma_wait3A_243 = arith.constant 0 : i32
      %dma_wait3A_244 = tpu.memref_slice %arg7[%dma_wait3A_237, %dma_wait3A_243] : memref<80x125xi32, #tpu.memory_space<vmem>> -> memref<1x125xi32, #tpu.memory_space<vmem>>
      %dma_wait3A_245 = tpu.memref_squeeze %dma_wait3A_244 : memref<1x125xi32, #tpu.memory_space<vmem>> -> memref<125xi32, #tpu.memory_space<vmem>>
      %dma_wait3A_246 = arith.constant 0 : i32
      %dma_wait3A_247 = arith.constant 0 : i32
      %dma_wait3A_248 = tpu.memref_slice %arg2[%dma_wait3A_246, %dma_wait3A_247] : memref<10000x128xbf16, #tpu.memory_space<hbm>> -> memref<10000x128xbf16, #tpu.memory_space<hbm>>
      tpu.wait_indirect_dma semaphore(%arg13 : memref<!tpu.dma_semaphore, #tpu.memory_space<semaphore_mem>>) src(%dma_wait3A_248 : memref<10000x128xbf16, #tpu.memory_space<hbm>>) dst(%dma_wait3A_242 : memref<125x128xbf16, #tpu.memory_space<vmem>>)
      %dma_start3A_249 = arith.constant 2 : i32
      %dma_start3A_250 = arith.constant 0 : i32
      %dma_start3A_251 = arith.constant 0 : i32
      %dma_start3A_252 = tpu.memref_slice %arg9[%dma_start3A_249, %dma_start3A_250, %dma_start3A_251] : memref<8x125x128xbf16, #tpu.memory_space<vmem>> -> memref<1x125x128xbf16, #tpu.memory_space<vmem>>
      %dma_start3A_253 = tpu.memref_squeeze %dma_start3A_252 : memref<1x125x128xbf16, #tpu.memory_space<vmem>> -> memref<125x128xbf16, #tpu.memory_space<vmem>>
      %dma_start3A_254 = arith.constant 0 : i32
      %dma_start3A_255 = tpu.memref_slice %arg8[%add3A_236, %dma_start3A_254] : memref<80x125xi32, #tpu.memory_space<vmem>> -> memref<1x125xi32, #tpu.memory_space<vmem>>
      %dma_start3A_256 = tpu.memref_squeeze %dma_start3A_255 : memref<1x125xi32, #tpu.memory_space<vmem>> -> memref<125xi32, #tpu.memory_space<vmem>>
      %dma_start3A_257 = arith.constant 0 : i32
      %dma_start3A_258 = arith.constant 0 : i32
      %dma_start3A_259 = tpu.memref_slice %arg10[%dma_start3A_257, %dma_start3A_258] : memref<10000x128xbf16, #tpu.memory_space<vmem_shared>> -> memref<10000x128xbf16, #tpu.memory_space<vmem_shared>>
      tpu.enqueue_indirect_dma source(%dma_start3A_253 : memref<125x128xbf16, #tpu.memory_space<vmem>>) target(%dma_start3A_259 : memref<10000x128xbf16, #tpu.memory_space<vmem_shared>>) offsets(%dma_start3A_256 : memref<125xi32, #tpu.memory_space<vmem>>) semaphore(%arg21 : memref<!tpu.dma_semaphore, #tpu.memory_space<semaphore_mem>>) {add = true}
      %ge3A_260 = arith.constant 4 : i32
      %ge3A_261 = arith.cmpi sge, %add3A_236, %ge3A_260 : i32
      %convert_element_type3A_262 = arith.extui %ge3A_261 : i1 to i32
      %cond3A_263 = arith.constant 0 : i32
      %cond3A_264 = arith.cmpi ne, %convert_element_type3A_262, %cond3A_263 : i32
      scf.if %cond3A_264 {
        %dma_wait3A_455 = arith.constant 6 : i32
        %dma_wait3A_456 = arith.constant 0 : i32
        %dma_wait3A_457 = arith.constant 0 : i32
        %dma_wait3A_458 = arith.constant 0 : i32
        %dma_wait3A_459 = tpu.memref_slice %arg9[%dma_wait3A_455, %dma_wait3A_457, %dma_wait3A_458] : memref<8x125x128xbf16, #tpu.memory_space<vmem>> -> memref<1x125x128xbf16, #tpu.memory_space<vmem>>
        %dma_wait3A_460 = tpu.memref_squeeze %dma_wait3A_459 : memref<1x125x128xbf16, #tpu.memory_space<vmem>> -> memref<125x128xbf16, #tpu.memory_space<vmem>>
        %dma_wait3A_461 = arith.constant 0 : i32
        %dma_wait3A_462 = tpu.memref_slice %arg8[%dma_wait3A_456, %dma_wait3A_461] : memref<80x125xi32, #tpu.memory_space<vmem>> -> memref<1x125xi32, #tpu.memory_space<vmem>>
        %dma_wait3A_463 = tpu.memref_squeeze %dma_wait3A_462 : memref<1x125xi32, #tpu.memory_space<vmem>> -> memref<125xi32, #tpu.memory_space<vmem>>
        %dma_wait3A_464 = arith.constant 0 : i32
        %dma_wait3A_465 = arith.constant 0 : i32
        %dma_wait3A_466 = tpu.memref_slice %arg10[%dma_wait3A_464, %dma_wait3A_465] : memref<10000x128xbf16, #tpu.memory_space<vmem_shared>> -> memref<10000x128xbf16, #tpu.memory_space<vmem_shared>>
        tpu.wait_indirect_dma semaphore(%arg25 : memref<!tpu.dma_semaphore, #tpu.memory_space<semaphore_mem>>) src(%dma_wait3A_460 : memref<125x128xbf16, #tpu.memory_space<vmem>>) dst(%dma_wait3A_466 : memref<10000x128xbf16, #tpu.memory_space<vmem_shared>>)
      } else {
      }
      %le3A_265 = arith.constant 75 : i32
      %le3A_266 = arith.cmpi sle, %add3A_236, %le3A_265 : i32
      %convert_element_type3A_267 = arith.extui %le3A_266 : i1 to i32
      %cond3A_268 = arith.constant 0 : i32
      %cond3A_269 = arith.cmpi ne, %convert_element_type3A_267, %cond3A_268 : i32
      scf.if %cond3A_269 {
        %add3A_455 = arith.constant 4 : i32
        %add3A_456 = arith.addi %add3A_236, %add3A_455 : i32
        %dma_start3A_457 = arith.constant 6 : i32
        %dma_start3A_458 = arith.constant 0 : i32
        %dma_start3A_459 = arith.constant 0 : i32
        %dma_start3A_460 = tpu.memref_slice %arg9[%dma_start3A_457, %dma_start3A_458, %dma_start3A_459] : memref<8x125x128xbf16, #tpu.memory_space<vmem>> -> memref<1x125x128xbf16, #tpu.memory_space<vmem>>
        %dma_start3A_461 = tpu.memref_squeeze %dma_start3A_460 : memref<1x125x128xbf16, #tpu.memory_space<vmem>> -> memref<125x128xbf16, #tpu.memory_space<vmem>>
        %dma_start3A_462 = arith.constant 0 : i32
        %dma_start3A_463 = tpu.memref_slice %arg7[%add3A_456, %dma_start3A_462] : memref<80x125xi32, #tpu.memory_space<vmem>> -> memref<1x125xi32, #tpu.memory_space<vmem>>
        %dma_start3A_464 = tpu.memref_squeeze %dma_start3A_463 : memref<1x125xi32, #tpu.memory_space<vmem>> -> memref<125xi32, #tpu.memory_space<vmem>>
        %dma_start3A_465 = arith.constant 0 : i32
        %dma_start3A_466 = arith.constant 0 : i32
        %dma_start3A_467 = tpu.memref_slice %arg2[%dma_start3A_465, %dma_start3A_466] : memref<10000x128xbf16, #tpu.memory_space<hbm>> -> memref<10000x128xbf16, #tpu.memory_space<hbm>>
        tpu.enqueue_indirect_dma source(%dma_start3A_467 : memref<10000x128xbf16, #tpu.memory_space<hbm>>) target(%dma_start3A_461 : memref<125x128xbf16, #tpu.memory_space<vmem>>) offsets(%dma_start3A_464 : memref<125xi32, #tpu.memory_space<vmem>>) semaphore(%arg17 : memref<!tpu.dma_semaphore, #tpu.memory_space<semaphore_mem>>)
      } else {
      }
      %mul3A_270 = arith.constant 8 : i32
      %mul3A_271 = arith.muli %mul3A_270, %scan3A_160 : i32
      %add3A_272 = arith.constant 3 : i32
      %add3A_273 = arith.addi %mul3A_271, %add3A_272 : i32
      %dma_wait3A_274 = arith.constant 0 : i32
      %dma_wait3A_275 = arith.constant 3 : i32
      %dma_wait3A_276 = arith.constant 0 : i32
      %dma_wait3A_277 = arith.constant 0 : i32
      %dma_wait3A_278 = tpu.memref_slice %arg9[%dma_wait3A_275, %dma_wait3A_276, %dma_wait3A_277] : memref<8x125x128xbf16, #tpu.memory_space<vmem>> -> memref<1x125x128xbf16, #tpu.memory_space<vmem>>
      %dma_wait3A_279 = tpu.memref_squeeze %dma_wait3A_278 : memref<1x125x128xbf16, #tpu.memory_space<vmem>> -> memref<125x128xbf16, #tpu.memory_space<vmem>>
      %dma_wait3A_280 = arith.constant 0 : i32
      %dma_wait3A_281 = tpu.memref_slice %arg7[%dma_wait3A_274, %dma_wait3A_280] : memref<80x125xi32, #tpu.memory_space<vmem>> -> memref<1x125xi32, #tpu.memory_space<vmem>>
      %dma_wait3A_282 = tpu.memref_squeeze %dma_wait3A_281 : memref<1x125xi32, #tpu.memory_space<vmem>> -> memref<125xi32, #tpu.memory_space<vmem>>
      %dma_wait3A_283 = arith.constant 0 : i32
      %dma_wait3A_284 = arith.constant 0 : i32
      %dma_wait3A_285 = tpu.memref_slice %arg2[%dma_wait3A_283, %dma_wait3A_284] : memref<10000x128xbf16, #tpu.memory_space<hbm>> -> memref<10000x128xbf16, #tpu.memory_space<hbm>>
      tpu.wait_indirect_dma semaphore(%arg14 : memref<!tpu.dma_semaphore, #tpu.memory_space<semaphore_mem>>) src(%dma_wait3A_285 : memref<10000x128xbf16, #tpu.memory_space<hbm>>) dst(%dma_wait3A_279 : memref<125x128xbf16, #tpu.memory_space<vmem>>)
      %dma_start3A_286 = arith.constant 3 : i32
      %dma_start3A_287 = arith.constant 0 : i32
      %dma_start3A_288 = arith.constant 0 : i32
      %dma_start3A_289 = tpu.memref_slice %arg9[%dma_start3A_286, %dma_start3A_287, %dma_start3A_288] : memref<8x125x128xbf16, #tpu.memory_space<vmem>> -> memref<1x125x128xbf16, #tpu.memory_space<vmem>>
      %dma_start3A_290 = tpu.memref_squeeze %dma_start3A_289 : memref<1x125x128xbf16, #tpu.memory_space<vmem>> -> memref<125x128xbf16, #tpu.memory_space<vmem>>
      %dma_start3A_291 = arith.constant 0 : i32
      %dma_start3A_292 = tpu.memref_slice %arg8[%add3A_273, %dma_start3A_291] : memref<80x125xi32, #tpu.memory_space<vmem>> -> memref<1x125xi32, #tpu.memory_space<vmem>>
      %dma_start3A_293 = tpu.memref_squeeze %dma_start3A_292 : memref<1x125xi32, #tpu.memory_space<vmem>> -> memref<125xi32, #tpu.memory_space<vmem>>
      %dma_start3A_294 = arith.constant 0 : i32
      %dma_start3A_295 = arith.constant 0 : i32
      %dma_start3A_296 = tpu.memref_slice %arg10[%dma_start3A_294, %dma_start3A_295] : memref<10000x128xbf16, #tpu.memory_space<vmem_shared>> -> memref<10000x128xbf16, #tpu.memory_space<vmem_shared>>
      tpu.enqueue_indirect_dma source(%dma_start3A_290 : memref<125x128xbf16, #tpu.memory_space<vmem>>) target(%dma_start3A_296 : memref<10000x128xbf16, #tpu.memory_space<vmem_shared>>) offsets(%dma_start3A_293 : memref<125xi32, #tpu.memory_space<vmem>>) semaphore(%arg22 : memref<!tpu.dma_semaphore, #tpu.memory_space<semaphore_mem>>) {add = true}
      %ge3A_297 = arith.constant 4 : i32
      %ge3A_298 = arith.cmpi sge, %add3A_273, %ge3A_297 : i32
      %convert_element_type3A_299 = arith.extui %ge3A_298 : i1 to i32
      %cond3A_300 = arith.constant 0 : i32
      %cond3A_301 = arith.cmpi ne, %convert_element_type3A_299, %cond3A_300 : i32
      scf.if %cond3A_301 {
        %dma_wait3A_455 = arith.constant 7 : i32
        %dma_wait3A_456 = arith.constant 0 : i32
        %dma_wait3A_457 = arith.constant 0 : i32
        %dma_wait3A_458 = arith.constant 0 : i32
        %dma_wait3A_459 = tpu.memref_slice %arg9[%dma_wait3A_455, %dma_wait3A_457, %dma_wait3A_458] : memref<8x125x128xbf16, #tpu.memory_space<vmem>> -> memref<1x125x128xbf16, #tpu.memory_space<vmem>>
        %dma_wait3A_460 = tpu.memref_squeeze %dma_wait3A_459 : memref<1x125x128xbf16, #tpu.memory_space<vmem>> -> memref<125x128xbf16, #tpu.memory_space<vmem>>
        %dma_wait3A_461 = arith.constant 0 : i32
        %dma_wait3A_462 = tpu.memref_slice %arg8[%dma_wait3A_456, %dma_wait3A_461] : memref<80x125xi32, #tpu.memory_space<vmem>> -> memref<1x125xi32, #tpu.memory_space<vmem>>
        %dma_wait3A_463 = tpu.memref_squeeze %dma_wait3A_462 : memref<1x125xi32, #tpu.memory_space<vmem>> -> memref<125xi32, #tpu.memory_space<vmem>>
        %dma_wait3A_464 = arith.constant 0 : i32
        %dma_wait3A_465 = arith.constant 0 : i32
        %dma_wait3A_466 = tpu.memref_slice %arg10[%dma_wait3A_464, %dma_wait3A_465] : memref<10000x128xbf16, #tpu.memory_space<vmem_shared>> -> memref<10000x128xbf16, #tpu.memory_space<vmem_shared>>
        tpu.wait_indirect_dma semaphore(%arg26 : memref<!tpu.dma_semaphore, #tpu.memory_space<semaphore_mem>>) src(%dma_wait3A_460 : memref<125x128xbf16, #tpu.memory_space<vmem>>) dst(%dma_wait3A_466 : memref<10000x128xbf16, #tpu.memory_space<vmem_shared>>)
      } else {
      }
      %le3A_302 = arith.constant 75 : i32
      %le3A_303 = arith.cmpi sle, %add3A_273, %le3A_302 : i32
      %convert_element_type3A_304 = arith.extui %le3A_303 : i1 to i32
      %cond3A_305 = arith.constant 0 : i32
      %cond3A_306 = arith.cmpi ne, %convert_element_type3A_304, %cond3A_305 : i32
      scf.if %cond3A_306 {
        %add3A_455 = arith.constant 4 : i32
        %add3A_456 = arith.addi %add3A_273, %add3A_455 : i32
        %dma_start3A_457 = arith.constant 7 : i32
        %dma_start3A_458 = arith.constant 0 : i32
        %dma_start3A_459 = arith.constant 0 : i32
        %dma_start3A_460 = tpu.memref_slice %arg9[%dma_start3A_457, %dma_start3A_458, %dma_start3A_459] : memref<8x125x128xbf16, #tpu.memory_space<vmem>> -> memref<1x125x128xbf16, #tpu.memory_space<vmem>>
        %dma_start3A_461 = tpu.memref_squeeze %dma_start3A_460 : memref<1x125x128xbf16, #tpu.memory_space<vmem>> -> memref<125x128xbf16, #tpu.memory_space<vmem>>
        %dma_start3A_462 = arith.constant 0 : i32
        %dma_start3A_463 = tpu.memref_slice %arg7[%add3A_456, %dma_start3A_462] : memref<80x125xi32, #tpu.memory_space<vmem>> -> memref<1x125xi32, #tpu.memory_space<vmem>>
        %dma_start3A_464 = tpu.memref_squeeze %dma_start3A_463 : memref<1x125xi32, #tpu.memory_space<vmem>> -> memref<125xi32, #tpu.memory_space<vmem>>
        %dma_start3A_465 = arith.constant 0 : i32
        %dma_start3A_466 = arith.constant 0 : i32
        %dma_start3A_467 = tpu.memref_slice %arg2[%dma_start3A_465, %dma_start3A_466] : memref<10000x128xbf16, #tpu.memory_space<hbm>> -> memref<10000x128xbf16, #tpu.memory_space<hbm>>
        tpu.enqueue_indirect_dma source(%dma_start3A_467 : memref<10000x128xbf16, #tpu.memory_space<hbm>>) target(%dma_start3A_461 : memref<125x128xbf16, #tpu.memory_space<vmem>>) offsets(%dma_start3A_464 : memref<125xi32, #tpu.memory_space<vmem>>) semaphore(%arg18 : memref<!tpu.dma_semaphore, #tpu.memory_space<semaphore_mem>>)
      } else {
      }
      %mul3A_307 = arith.constant 8 : i32
      %mul3A_308 = arith.muli %mul3A_307, %scan3A_160 : i32
      %add3A_309 = arith.constant 4 : i32
      %add3A_310 = arith.addi %mul3A_308, %add3A_309 : i32
      %dma_wait3A_311 = arith.constant 0 : i32
      %dma_wait3A_312 = arith.constant 4 : i32
      %dma_wait3A_313 = arith.constant 0 : i32
      %dma_wait3A_314 = arith.constant 0 : i32
      %dma_wait3A_315 = tpu.memref_slice %arg9[%dma_wait3A_312, %dma_wait3A_313, %dma_wait3A_314] : memref<8x125x128xbf16, #tpu.memory_space<vmem>> -> memref<1x125x128xbf16, #tpu.memory_space<vmem>>
      %dma_wait3A_316 = tpu.memref_squeeze %dma_wait3A_315 : memref<1x125x128xbf16, #tpu.memory_space<vmem>> -> memref<125x128xbf16, #tpu.memory_space<vmem>>
      %dma_wait3A_317 = arith.constant 0 : i32
      %dma_wait3A_318 = tpu.memref_slice %arg7[%dma_wait3A_311, %dma_wait3A_317] : memref<80x125xi32, #tpu.memory_space<vmem>> -> memref<1x125xi32, #tpu.memory_space<vmem>>
      %dma_wait3A_319 = tpu.memref_squeeze %dma_wait3A_318 : memref<1x125xi32, #tpu.memory_space<vmem>> -> memref<125xi32, #tpu.memory_space<vmem>>
      %dma_wait3A_320 = arith.constant 0 : i32
      %dma_wait3A_321 = arith.constant 0 : i32
      %dma_wait3A_322 = tpu.memref_slice %arg2[%dma_wait3A_320, %dma_wait3A_321] : memref<10000x128xbf16, #tpu.memory_space<hbm>> -> memref<10000x128xbf16, #tpu.memory_space<hbm>>
      tpu.wait_indirect_dma semaphore(%arg15 : memref<!tpu.dma_semaphore, #tpu.memory_space<semaphore_mem>>) src(%dma_wait3A_322 : memref<10000x128xbf16, #tpu.memory_space<hbm>>) dst(%dma_wait3A_316 : memref<125x128xbf16, #tpu.memory_space<vmem>>)
      %dma_start3A_323 = arith.constant 4 : i32
      %dma_start3A_324 = arith.constant 0 : i32
      %dma_start3A_325 = arith.constant 0 : i32
      %dma_start3A_326 = tpu.memref_slice %arg9[%dma_start3A_323, %dma_start3A_324, %dma_start3A_325] : memref<8x125x128xbf16, #tpu.memory_space<vmem>> -> memref<1x125x128xbf16, #tpu.memory_space<vmem>>
      %dma_start3A_327 = tpu.memref_squeeze %dma_start3A_326 : memref<1x125x128xbf16, #tpu.memory_space<vmem>> -> memref<125x128xbf16, #tpu.memory_space<vmem>>
      %dma_start3A_328 = arith.constant 0 : i32
      %dma_start3A_329 = tpu.memref_slice %arg8[%add3A_310, %dma_start3A_328] : memref<80x125xi32, #tpu.memory_space<vmem>> -> memref<1x125xi32, #tpu.memory_space<vmem>>
      %dma_start3A_330 = tpu.memref_squeeze %dma_start3A_329 : memref<1x125xi32, #tpu.memory_space<vmem>> -> memref<125xi32, #tpu.memory_space<vmem>>
      %dma_start3A_331 = arith.constant 0 : i32
      %dma_start3A_332 = arith.constant 0 : i32
      %dma_start3A_333 = tpu.memref_slice %arg10[%dma_start3A_331, %dma_start3A_332] : memref<10000x128xbf16, #tpu.memory_space<vmem_shared>> -> memref<10000x128xbf16, #tpu.memory_space<vmem_shared>>
      tpu.enqueue_indirect_dma source(%dma_start3A_327 : memref<125x128xbf16, #tpu.memory_space<vmem>>) target(%dma_start3A_333 : memref<10000x128xbf16, #tpu.memory_space<vmem_shared>>) offsets(%dma_start3A_330 : memref<125xi32, #tpu.memory_space<vmem>>) semaphore(%arg23 : memref<!tpu.dma_semaphore, #tpu.memory_space<semaphore_mem>>) {add = true}
      %ge3A_334 = arith.constant 4 : i32
      %ge3A_335 = arith.cmpi sge, %add3A_310, %ge3A_334 : i32
      %convert_element_type3A_336 = arith.extui %ge3A_335 : i1 to i32
      %cond3A_337 = arith.constant 0 : i32
      %cond3A_338 = arith.cmpi ne, %convert_element_type3A_336, %cond3A_337 : i32
      scf.if %cond3A_338 {
        %dma_wait3A_455 = arith.constant 0 : i32
        %dma_wait3A_456 = arith.constant 0 : i32
        %dma_wait3A_457 = arith.constant 0 : i32
        %dma_wait3A_458 = arith.constant 0 : i32
        %dma_wait3A_459 = tpu.memref_slice %arg9[%dma_wait3A_455, %dma_wait3A_457, %dma_wait3A_458] : memref<8x125x128xbf16, #tpu.memory_space<vmem>> -> memref<1x125x128xbf16, #tpu.memory_space<vmem>>
        %dma_wait3A_460 = tpu.memref_squeeze %dma_wait3A_459 : memref<1x125x128xbf16, #tpu.memory_space<vmem>> -> memref<125x128xbf16, #tpu.memory_space<vmem>>
        %dma_wait3A_461 = arith.constant 0 : i32
        %dma_wait3A_462 = tpu.memref_slice %arg8[%dma_wait3A_456, %dma_wait3A_461] : memref<80x125xi32, #tpu.memory_space<vmem>> -> memref<1x125xi32, #tpu.memory_space<vmem>>
        %dma_wait3A_463 = tpu.memref_squeeze %dma_wait3A_462 : memref<1x125xi32, #tpu.memory_space<vmem>> -> memref<125xi32, #tpu.memory_space<vmem>>
        %dma_wait3A_464 = arith.constant 0 : i32
        %dma_wait3A_465 = arith.constant 0 : i32
        %dma_wait3A_466 = tpu.memref_slice %arg10[%dma_wait3A_464, %dma_wait3A_465] : memref<10000x128xbf16, #tpu.memory_space<vmem_shared>> -> memref<10000x128xbf16, #tpu.memory_space<vmem_shared>>
        tpu.wait_indirect_dma semaphore(%arg19 : memref<!tpu.dma_semaphore, #tpu.memory_space<semaphore_mem>>) src(%dma_wait3A_460 : memref<125x128xbf16, #tpu.memory_space<vmem>>) dst(%dma_wait3A_466 : memref<10000x128xbf16, #tpu.memory_space<vmem_shared>>)
      } else {
      }
      %le3A_339 = arith.constant 75 : i32
      %le3A_340 = arith.cmpi sle, %add3A_310, %le3A_339 : i32
      %convert_element_type3A_341 = arith.extui %le3A_340 : i1 to i32
      %cond3A_342 = arith.constant 0 : i32
      %cond3A_343 = arith.cmpi ne, %convert_element_type3A_341, %cond3A_342 : i32
      scf.if %cond3A_343 {
        %add3A_455 = arith.constant 4 : i32
        %add3A_456 = arith.addi %add3A_310, %add3A_455 : i32
        %dma_start3A_457 = arith.constant 0 : i32
        %dma_start3A_458 = arith.constant 0 : i32
        %dma_start3A_459 = arith.constant 0 : i32
        %dma_start3A_460 = tpu.memref_slice %arg9[%dma_start3A_457, %dma_start3A_458, %dma_start3A_459] : memref<8x125x128xbf16, #tpu.memory_space<vmem>> -> memref<1x125x128xbf16, #tpu.memory_space<vmem>>
        %dma_start3A_461 = tpu.memref_squeeze %dma_start3A_460 : memref<1x125x128xbf16, #tpu.memory_space<vmem>> -> memref<125x128xbf16, #tpu.memory_space<vmem>>
        %dma_start3A_462 = arith.constant 0 : i32
        %dma_start3A_463 = tpu.memref_slice %arg7[%add3A_456, %dma_start3A_462] : memref<80x125xi32, #tpu.memory_space<vmem>> -> memref<1x125xi32, #tpu.memory_space<vmem>>
        %dma_start3A_464 = tpu.memref_squeeze %dma_start3A_463 : memref<1x125xi32, #tpu.memory_space<vmem>> -> memref<125xi32, #tpu.memory_space<vmem>>
        %dma_start3A_465 = arith.constant 0 : i32
        %dma_start3A_466 = arith.constant 0 : i32
        %dma_start3A_467 = tpu.memref_slice %arg2[%dma_start3A_465, %dma_start3A_466] : memref<10000x128xbf16, #tpu.memory_space<hbm>> -> memref<10000x128xbf16, #tpu.memory_space<hbm>>
        tpu.enqueue_indirect_dma source(%dma_start3A_467 : memref<10000x128xbf16, #tpu.memory_space<hbm>>) target(%dma_start3A_461 : memref<125x128xbf16, #tpu.memory_space<vmem>>) offsets(%dma_start3A_464 : memref<125xi32, #tpu.memory_space<vmem>>) semaphore(%arg11 : memref<!tpu.dma_semaphore, #tpu.memory_space<semaphore_mem>>)
      } else {
      }
      %mul3A_344 = arith.constant 8 : i32
      %mul3A_345 = arith.muli %mul3A_344, %scan3A_160 : i32
      %add3A_346 = arith.constant 5 : i32
      %add3A_347 = arith.addi %mul3A_345, %add3A_346 : i32
      %dma_wait3A_348 = arith.constant 0 : i32
      %dma_wait3A_349 = arith.constant 5 : i32
      %dma_wait3A_350 = arith.constant 0 : i32
      %dma_wait3A_351 = arith.constant 0 : i32
      %dma_wait3A_352 = tpu.memref_slice %arg9[%dma_wait3A_349, %dma_wait3A_350, %dma_wait3A_351] : memref<8x125x128xbf16, #tpu.memory_space<vmem>> -> memref<1x125x128xbf16, #tpu.memory_space<vmem>>
      %dma_wait3A_353 = tpu.memref_squeeze %dma_wait3A_352 : memref<1x125x128xbf16, #tpu.memory_space<vmem>> -> memref<125x128xbf16, #tpu.memory_space<vmem>>
      %dma_wait3A_354 = arith.constant 0 : i32
      %dma_wait3A_355 = tpu.memref_slice %arg7[%dma_wait3A_348, %dma_wait3A_354] : memref<80x125xi32, #tpu.memory_space<vmem>> -> memref<1x125xi32, #tpu.memory_space<vmem>>
      %dma_wait3A_356 = tpu.memref_squeeze %dma_wait3A_355 : memref<1x125xi32, #tpu.memory_space<vmem>> -> memref<125xi32, #tpu.memory_space<vmem>>
      %dma_wait3A_357 = arith.constant 0 : i32
      %dma_wait3A_358 = arith.constant 0 : i32
      %dma_wait3A_359 = tpu.memref_slice %arg2[%dma_wait3A_357, %dma_wait3A_358] : memref<10000x128xbf16, #tpu.memory_space<hbm>> -> memref<10000x128xbf16, #tpu.memory_space<hbm>>
      tpu.wait_indirect_dma semaphore(%arg16 : memref<!tpu.dma_semaphore, #tpu.memory_space<semaphore_mem>>) src(%dma_wait3A_359 : memref<10000x128xbf16, #tpu.memory_space<hbm>>) dst(%dma_wait3A_353 : memref<125x128xbf16, #tpu.memory_space<vmem>>)
      %dma_start3A_360 = arith.constant 5 : i32
      %dma_start3A_361 = arith.constant 0 : i32
      %dma_start3A_362 = arith.constant 0 : i32
      %dma_start3A_363 = tpu.memref_slice %arg9[%dma_start3A_360, %dma_start3A_361, %dma_start3A_362] : memref<8x125x128xbf16, #tpu.memory_space<vmem>> -> memref<1x125x128xbf16, #tpu.memory_space<vmem>>
      %dma_start3A_364 = tpu.memref_squeeze %dma_start3A_363 : memref<1x125x128xbf16, #tpu.memory_space<vmem>> -> memref<125x128xbf16, #tpu.memory_space<vmem>>
      %dma_start3A_365 = arith.constant 0 : i32
      %dma_start3A_366 = tpu.memref_slice %arg8[%add3A_347, %dma_start3A_365] : memref<80x125xi32, #tpu.memory_space<vmem>> -> memref<1x125xi32, #tpu.memory_space<vmem>>
      %dma_start3A_367 = tpu.memref_squeeze %dma_start3A_366 : memref<1x125xi32, #tpu.memory_space<vmem>> -> memref<125xi32, #tpu.memory_space<vmem>>
      %dma_start3A_368 = arith.constant 0 : i32
      %dma_start3A_369 = arith.constant 0 : i32
      %dma_start3A_370 = tpu.memref_slice %arg10[%dma_start3A_368, %dma_start3A_369] : memref<10000x128xbf16, #tpu.memory_space<vmem_shared>> -> memref<10000x128xbf16, #tpu.memory_space<vmem_shared>>
      tpu.enqueue_indirect_dma source(%dma_start3A_364 : memref<125x128xbf16, #tpu.memory_space<vmem>>) target(%dma_start3A_370 : memref<10000x128xbf16, #tpu.memory_space<vmem_shared>>) offsets(%dma_start3A_367 : memref<125xi32, #tpu.memory_space<vmem>>) semaphore(%arg24 : memref<!tpu.dma_semaphore, #tpu.memory_space<semaphore_mem>>) {add = true}
      %ge3A_371 = arith.constant 4 : i32
      %ge3A_372 = arith.cmpi sge, %add3A_347, %ge3A_371 : i32
      %convert_element_type3A_373 = arith.extui %ge3A_372 : i1 to i32
      %cond3A_374 = arith.constant 0 : i32
      %cond3A_375 = arith.cmpi ne, %convert_element_type3A_373, %cond3A_374 : i32
      scf.if %cond3A_375 {
        %dma_wait3A_455 = arith.constant 1 : i32
        %dma_wait3A_456 = arith.constant 0 : i32
        %dma_wait3A_457 = arith.constant 0 : i32
        %dma_wait3A_458 = arith.constant 0 : i32
        %dma_wait3A_459 = tpu.memref_slice %arg9[%dma_wait3A_455, %dma_wait3A_457, %dma_wait3A_458] : memref<8x125x128xbf16, #tpu.memory_space<vmem>> -> memref<1x125x128xbf16, #tpu.memory_space<vmem>>
        %dma_wait3A_460 = tpu.memref_squeeze %dma_wait3A_459 : memref<1x125x128xbf16, #tpu.memory_space<vmem>> -> memref<125x128xbf16, #tpu.memory_space<vmem>>
        %dma_wait3A_461 = arith.constant 0 : i32
        %dma_wait3A_462 = tpu.memref_slice %arg8[%dma_wait3A_456, %dma_wait3A_461] : memref<80x125xi32, #tpu.memory_space<vmem>> -> memref<1x125xi32, #tpu.memory_space<vmem>>
        %dma_wait3A_463 = tpu.memref_squeeze %dma_wait3A_462 : memref<1x125xi32, #tpu.memory_space<vmem>> -> memref<125xi32, #tpu.memory_space<vmem>>
        %dma_wait3A_464 = arith.constant 0 : i32
        %dma_wait3A_465 = arith.constant 0 : i32
        %dma_wait3A_466 = tpu.memref_slice %arg10[%dma_wait3A_464, %dma_wait3A_465] : memref<10000x128xbf16, #tpu.memory_space<vmem_shared>> -> memref<10000x128xbf16, #tpu.memory_space<vmem_shared>>
        tpu.wait_indirect_dma semaphore(%arg20 : memref<!tpu.dma_semaphore, #tpu.memory_space<semaphore_mem>>) src(%dma_wait3A_460 : memref<125x128xbf16, #tpu.memory_space<vmem>>) dst(%dma_wait3A_466 : memref<10000x128xbf16, #tpu.memory_space<vmem_shared>>)
      } else {
      }
      %le3A_376 = arith.constant 75 : i32
      %le3A_377 = arith.cmpi sle, %add3A_347, %le3A_376 : i32
      %convert_element_type3A_378 = arith.extui %le3A_377 : i1 to i32
      %cond3A_379 = arith.constant 0 : i32
      %cond3A_380 = arith.cmpi ne, %convert_element_type3A_378, %cond3A_379 : i32
      scf.if %cond3A_380 {
        %add3A_455 = arith.constant 4 : i32
        %add3A_456 = arith.addi %add3A_347, %add3A_455 : i32
        %dma_start3A_457 = arith.constant 1 : i32
        %dma_start3A_458 = arith.constant 0 : i32
        %dma_start3A_459 = arith.constant 0 : i32
        %dma_start3A_460 = tpu.memref_slice %arg9[%dma_start3A_457, %dma_start3A_458, %dma_start3A_459] : memref<8x125x128xbf16, #tpu.memory_space<vmem>> -> memref<1x125x128xbf16, #tpu.memory_space<vmem>>
        %dma_start3A_461 = tpu.memref_squeeze %dma_start3A_460 : memref<1x125x128xbf16, #tpu.memory_space<vmem>> -> memref<125x128xbf16, #tpu.memory_space<vmem>>
        %dma_start3A_462 = arith.constant 0 : i32
        %dma_start3A_463 = tpu.memref_slice %arg7[%add3A_456, %dma_start3A_462] : memref<80x125xi32, #tpu.memory_space<vmem>> -> memref<1x125xi32, #tpu.memory_space<vmem>>
        %dma_start3A_464 = tpu.memref_squeeze %dma_start3A_463 : memref<1x125xi32, #tpu.memory_space<vmem>> -> memref<125xi32, #tpu.memory_space<vmem>>
        %dma_start3A_465 = arith.constant 0 : i32
        %dma_start3A_466 = arith.constant 0 : i32
        %dma_start3A_467 = tpu.memref_slice %arg2[%dma_start3A_465, %dma_start3A_466] : memref<10000x128xbf16, #tpu.memory_space<hbm>> -> memref<10000x128xbf16, #tpu.memory_space<hbm>>
        tpu.enqueue_indirect_dma source(%dma_start3A_467 : memref<10000x128xbf16, #tpu.memory_space<hbm>>) target(%dma_start3A_461 : memref<125x128xbf16, #tpu.memory_space<vmem>>) offsets(%dma_start3A_464 : memref<125xi32, #tpu.memory_space<vmem>>) semaphore(%arg12 : memref<!tpu.dma_semaphore, #tpu.memory_space<semaphore_mem>>)
      } else {
      }
      %mul3A_381 = arith.constant 8 : i32
      %mul3A_382 = arith.muli %mul3A_381, %scan3A_160 : i32
      %add3A_383 = arith.constant 6 : i32
      %add3A_384 = arith.addi %mul3A_382, %add3A_383 : i32
      %dma_wait3A_385 = arith.constant 0 : i32
      %dma_wait3A_386 = arith.constant 6 : i32
      %dma_wait3A_387 = arith.constant 0 : i32
      %dma_wait3A_388 = arith.constant 0 : i32
      %dma_wait3A_389 = tpu.memref_slice %arg9[%dma_wait3A_386, %dma_wait3A_387, %dma_wait3A_388] : memref<8x125x128xbf16, #tpu.memory_space<vmem>> -> memref<1x125x128xbf16, #tpu.memory_space<vmem>>
      %dma_wait3A_390 = tpu.memref_squeeze %dma_wait3A_389 : memref<1x125x128xbf16, #tpu.memory_space<vmem>> -> memref<125x128xbf16, #tpu.memory_space<vmem>>
      %dma_wait3A_391 = arith.constant 0 : i32
      %dma_wait3A_392 = tpu.memref_slice %arg7[%dma_wait3A_385, %dma_wait3A_391] : memref<80x125xi32, #tpu.memory_space<vmem>> -> memref<1x125xi32, #tpu.memory_space<vmem>>
      %dma_wait3A_393 = tpu.memref_squeeze %dma_wait3A_392 : memref<1x125xi32, #tpu.memory_space<vmem>> -> memref<125xi32, #tpu.memory_space<vmem>>
      %dma_wait3A_394 = arith.constant 0 : i32
      %dma_wait3A_395 = arith.constant 0 : i32
      %dma_wait3A_396 = tpu.memref_slice %arg2[%dma_wait3A_394, %dma_wait3A_395] : memref<10000x128xbf16, #tpu.memory_space<hbm>> -> memref<10000x128xbf16, #tpu.memory_space<hbm>>
      tpu.wait_indirect_dma semaphore(%arg17 : memref<!tpu.dma_semaphore, #tpu.memory_space<semaphore_mem>>) src(%dma_wait3A_396 : memref<10000x128xbf16, #tpu.memory_space<hbm>>) dst(%dma_wait3A_390 : memref<125x128xbf16, #tpu.memory_space<vmem>>)
      %dma_start3A_397 = arith.constant 6 : i32
      %dma_start3A_398 = arith.constant 0 : i32
      %dma_start3A_399 = arith.constant 0 : i32
      %dma_start3A_400 = tpu.memref_slice %arg9[%dma_start3A_397, %dma_start3A_398, %dma_start3A_399] : memref<8x125x128xbf16, #tpu.memory_space<vmem>> -> memref<1x125x128xbf16, #tpu.memory_space<vmem>>
      %dma_start3A_401 = tpu.memref_squeeze %dma_start3A_400 : memref<1x125x128xbf16, #tpu.memory_space<vmem>> -> memref<125x128xbf16, #tpu.memory_space<vmem>>
      %dma_start3A_402 = arith.constant 0 : i32
      %dma_start3A_403 = tpu.memref_slice %arg8[%add3A_384, %dma_start3A_402] : memref<80x125xi32, #tpu.memory_space<vmem>> -> memref<1x125xi32, #tpu.memory_space<vmem>>
      %dma_start3A_404 = tpu.memref_squeeze %dma_start3A_403 : memref<1x125xi32, #tpu.memory_space<vmem>> -> memref<125xi32, #tpu.memory_space<vmem>>
      %dma_start3A_405 = arith.constant 0 : i32
      %dma_start3A_406 = arith.constant 0 : i32
      %dma_start3A_407 = tpu.memref_slice %arg10[%dma_start3A_405, %dma_start3A_406] : memref<10000x128xbf16, #tpu.memory_space<vmem_shared>> -> memref<10000x128xbf16, #tpu.memory_space<vmem_shared>>
      tpu.enqueue_indirect_dma source(%dma_start3A_401 : memref<125x128xbf16, #tpu.memory_space<vmem>>) target(%dma_start3A_407 : memref<10000x128xbf16, #tpu.memory_space<vmem_shared>>) offsets(%dma_start3A_404 : memref<125xi32, #tpu.memory_space<vmem>>) semaphore(%arg25 : memref<!tpu.dma_semaphore, #tpu.memory_space<semaphore_mem>>) {add = true}
      %ge3A_408 = arith.constant 4 : i32
      %ge3A_409 = arith.cmpi sge, %add3A_384, %ge3A_408 : i32
      %convert_element_type3A_410 = arith.extui %ge3A_409 : i1 to i32
      %cond3A_411 = arith.constant 0 : i32
      %cond3A_412 = arith.cmpi ne, %convert_element_type3A_410, %cond3A_411 : i32
      scf.if %cond3A_412 {
        %dma_wait3A_455 = arith.constant 2 : i32
        %dma_wait3A_456 = arith.constant 0 : i32
        %dma_wait3A_457 = arith.constant 0 : i32
        %dma_wait3A_458 = arith.constant 0 : i32
        %dma_wait3A_459 = tpu.memref_slice %arg9[%dma_wait3A_455, %dma_wait3A_457, %dma_wait3A_458] : memref<8x125x128xbf16, #tpu.memory_space<vmem>> -> memref<1x125x128xbf16, #tpu.memory_space<vmem>>
        %dma_wait3A_460 = tpu.memref_squeeze %dma_wait3A_459 : memref<1x125x128xbf16, #tpu.memory_space<vmem>> -> memref<125x128xbf16, #tpu.memory_space<vmem>>
        %dma_wait3A_461 = arith.constant 0 : i32
        %dma_wait3A_462 = tpu.memref_slice %arg8[%dma_wait3A_456, %dma_wait3A_461] : memref<80x125xi32, #tpu.memory_space<vmem>> -> memref<1x125xi32, #tpu.memory_space<vmem>>
        %dma_wait3A_463 = tpu.memref_squeeze %dma_wait3A_462 : memref<1x125xi32, #tpu.memory_space<vmem>> -> memref<125xi32, #tpu.memory_space<vmem>>
        %dma_wait3A_464 = arith.constant 0 : i32
        %dma_wait3A_465 = arith.constant 0 : i32
        %dma_wait3A_466 = tpu.memref_slice %arg10[%dma_wait3A_464, %dma_wait3A_465] : memref<10000x128xbf16, #tpu.memory_space<vmem_shared>> -> memref<10000x128xbf16, #tpu.memory_space<vmem_shared>>
        tpu.wait_indirect_dma semaphore(%arg21 : memref<!tpu.dma_semaphore, #tpu.memory_space<semaphore_mem>>) src(%dma_wait3A_460 : memref<125x128xbf16, #tpu.memory_space<vmem>>) dst(%dma_wait3A_466 : memref<10000x128xbf16, #tpu.memory_space<vmem_shared>>)
      } else {
      }
      %le3A_413 = arith.constant 75 : i32
      %le3A_414 = arith.cmpi sle, %add3A_384, %le3A_413 : i32
      %convert_element_type3A_415 = arith.extui %le3A_414 : i1 to i32
      %cond3A_416 = arith.constant 0 : i32
      %cond3A_417 = arith.cmpi ne, %convert_element_type3A_415, %cond3A_416 : i32
      scf.if %cond3A_417 {
        %add3A_455 = arith.constant 4 : i32
        %add3A_456 = arith.addi %add3A_384, %add3A_455 : i32
        %dma_start3A_457 = arith.constant 2 : i32
        %dma_start3A_458 = arith.constant 0 : i32
        %dma_start3A_459 = arith.constant 0 : i32
        %dma_start3A_460 = tpu.memref_slice %arg9[%dma_start3A_457, %dma_start3A_458, %dma_start3A_459] : memref<8x125x128xbf16, #tpu.memory_space<vmem>> -> memref<1x125x128xbf16, #tpu.memory_space<vmem>>
        %dma_start3A_461 = tpu.memref_squeeze %dma_start3A_460 : memref<1x125x128xbf16, #tpu.memory_space<vmem>> -> memref<125x128xbf16, #tpu.memory_space<vmem>>
        %dma_start3A_462 = arith.constant 0 : i32
        %dma_start3A_463 = tpu.memref_slice %arg7[%add3A_456, %dma_start3A_462] : memref<80x125xi32, #tpu.memory_space<vmem>> -> memref<1x125xi32, #tpu.memory_space<vmem>>
        %dma_start3A_464 = tpu.memref_squeeze %dma_start3A_463 : memref<1x125xi32, #tpu.memory_space<vmem>> -> memref<125xi32, #tpu.memory_space<vmem>>
        %dma_start3A_465 = arith.constant 0 : i32
        %dma_start3A_466 = arith.constant 0 : i32
        %dma_start3A_467 = tpu.memref_slice %arg2[%dma_start3A_465, %dma_start3A_466] : memref<10000x128xbf16, #tpu.memory_space<hbm>> -> memref<10000x128xbf16, #tpu.memory_space<hbm>>
        tpu.enqueue_indirect_dma source(%dma_start3A_467 : memref<10000x128xbf16, #tpu.memory_space<hbm>>) target(%dma_start3A_461 : memref<125x128xbf16, #tpu.memory_space<vmem>>) offsets(%dma_start3A_464 : memref<125xi32, #tpu.memory_space<vmem>>) semaphore(%arg13 : memref<!tpu.dma_semaphore, #tpu.memory_space<semaphore_mem>>)
      } else {
      }
      %mul3A_418 = arith.constant 8 : i32
      %mul3A_419 = arith.muli %mul3A_418, %scan3A_160 : i32
      %add3A_420 = arith.constant 7 : i32
      %add3A_421 = arith.addi %mul3A_419, %add3A_420 : i32
      %dma_wait3A_422 = arith.constant 0 : i32
      %dma_wait3A_423 = arith.constant 7 : i32
      %dma_wait3A_424 = arith.constant 0 : i32
      %dma_wait3A_425 = arith.constant 0 : i32
      %dma_wait3A_426 = tpu.memref_slice %arg9[%dma_wait3A_423, %dma_wait3A_424, %dma_wait3A_425] : memref<8x125x128xbf16, #tpu.memory_space<vmem>> -> memref<1x125x128xbf16, #tpu.memory_space<vmem>>
      %dma_wait3A_427 = tpu.memref_squeeze %dma_wait3A_426 : memref<1x125x128xbf16, #tpu.memory_space<vmem>> -> memref<125x128xbf16, #tpu.memory_space<vmem>>
      %dma_wait3A_428 = arith.constant 0 : i32
      %dma_wait3A_429 = tpu.memref_slice %arg7[%dma_wait3A_422, %dma_wait3A_428] : memref<80x125xi32, #tpu.memory_space<vmem>> -> memref<1x125xi32, #tpu.memory_space<vmem>>
      %dma_wait3A_430 = tpu.memref_squeeze %dma_wait3A_429 : memref<1x125xi32, #tpu.memory_space<vmem>> -> memref<125xi32, #tpu.memory_space<vmem>>
      %dma_wait3A_431 = arith.constant 0 : i32
      %dma_wait3A_432 = arith.constant 0 : i32
      %dma_wait3A_433 = tpu.memref_slice %arg2[%dma_wait3A_431, %dma_wait3A_432] : memref<10000x128xbf16, #tpu.memory_space<hbm>> -> memref<10000x128xbf16, #tpu.memory_space<hbm>>
      tpu.wait_indirect_dma semaphore(%arg18 : memref<!tpu.dma_semaphore, #tpu.memory_space<semaphore_mem>>) src(%dma_wait3A_433 : memref<10000x128xbf16, #tpu.memory_space<hbm>>) dst(%dma_wait3A_427 : memref<125x128xbf16, #tpu.memory_space<vmem>>)
      %dma_start3A_434 = arith.constant 7 : i32
      %dma_start3A_435 = arith.constant 0 : i32
      %dma_start3A_436 = arith.constant 0 : i32
      %dma_start3A_437 = tpu.memref_slice %arg9[%dma_start3A_434, %dma_start3A_435, %dma_start3A_436] : memref<8x125x128xbf16, #tpu.memory_space<vmem>> -> memref<1x125x128xbf16, #tpu.memory_space<vmem>>
      %dma_start3A_438 = tpu.memref_squeeze %dma_start3A_437 : memref<1x125x128xbf16, #tpu.memory_space<vmem>> -> memref<125x128xbf16, #tpu.memory_space<vmem>>
      %dma_start3A_439 = arith.constant 0 : i32
      %dma_start3A_440 = tpu.memref_slice %arg8[%add3A_421, %dma_start3A_439] : memref<80x125xi32, #tpu.memory_space<vmem>> -> memref<1x125xi32, #tpu.memory_space<vmem>>
      %dma_start3A_441 = tpu.memref_squeeze %dma_start3A_440 : memref<1x125xi32, #tpu.memory_space<vmem>> -> memref<125xi32, #tpu.memory_space<vmem>>
      %dma_start3A_442 = arith.constant 0 : i32
      %dma_start3A_443 = arith.constant 0 : i32
      %dma_start3A_444 = tpu.memref_slice %arg10[%dma_start3A_442, %dma_start3A_443] : memref<10000x128xbf16, #tpu.memory_space<vmem_shared>> -> memref<10000x128xbf16, #tpu.memory_space<vmem_shared>>
      tpu.enqueue_indirect_dma source(%dma_start3A_438 : memref<125x128xbf16, #tpu.memory_space<vmem>>) target(%dma_start3A_444 : memref<10000x128xbf16, #tpu.memory_space<vmem_shared>>) offsets(%dma_start3A_441 : memref<125xi32, #tpu.memory_space<vmem>>) semaphore(%arg26 : memref<!tpu.dma_semaphore, #tpu.memory_space<semaphore_mem>>) {add = true}
      %ge3A_445 = arith.constant 4 : i32
      %ge3A_446 = arith.cmpi sge, %add3A_421, %ge3A_445 : i32
      %convert_element_type3A_447 = arith.extui %ge3A_446 : i1 to i32
      %cond3A_448 = arith.constant 0 : i32
      %cond3A_449 = arith.cmpi ne, %convert_element_type3A_447, %cond3A_448 : i32
      scf.if %cond3A_449 {
        %dma_wait3A_455 = arith.constant 3 : i32
        %dma_wait3A_456 = arith.constant 0 : i32
        %dma_wait3A_457 = arith.constant 0 : i32
        %dma_wait3A_458 = arith.constant 0 : i32
        %dma_wait3A_459 = tpu.memref_slice %arg9[%dma_wait3A_455, %dma_wait3A_457, %dma_wait3A_458] : memref<8x125x128xbf16, #tpu.memory_space<vmem>> -> memref<1x125x128xbf16, #tpu.memory_space<vmem>>
        %dma_wait3A_460 = tpu.memref_squeeze %dma_wait3A_459 : memref<1x125x128xbf16, #tpu.memory_space<vmem>> -> memref<125x128xbf16, #tpu.memory_space<vmem>>
        %dma_wait3A_461 = arith.constant 0 : i32
        %dma_wait3A_462 = tpu.memref_slice %arg8[%dma_wait3A_456, %dma_wait3A_461] : memref<80x125xi32, #tpu.memory_space<vmem>> -> memref<1x125xi32, #tpu.memory_space<vmem>>
        %dma_wait3A_463 = tpu.memref_squeeze %dma_wait3A_462 : memref<1x125xi32, #tpu.memory_space<vmem>> -> memref<125xi32, #tpu.memory_space<vmem>>
        %dma_wait3A_464 = arith.constant 0 : i32
        %dma_wait3A_465 = arith.constant 0 : i32
        %dma_wait3A_466 = tpu.memref_slice %arg10[%dma_wait3A_464, %dma_wait3A_465] : memref<10000x128xbf16, #tpu.memory_space<vmem_shared>> -> memref<10000x128xbf16, #tpu.memory_space<vmem_shared>>
        tpu.wait_indirect_dma semaphore(%arg22 : memref<!tpu.dma_semaphore, #tpu.memory_space<semaphore_mem>>) src(%dma_wait3A_460 : memref<125x128xbf16, #tpu.memory_space<vmem>>) dst(%dma_wait3A_466 : memref<10000x128xbf16, #tpu.memory_space<vmem_shared>>)
      } else {
      }
      %le3A_450 = arith.constant 75 : i32
      %le3A_451 = arith.cmpi sle, %add3A_421, %le3A_450 : i32
      %convert_element_type3A_452 = arith.extui %le3A_451 : i1 to i32
      %cond3A_453 = arith.constant 0 : i32
      %cond3A_454 = arith.cmpi ne, %convert_element_type3A_452, %cond3A_453 : i32
      scf.if %cond3A_454 {
        %add3A_455 = arith.constant 4 : i32
        %add3A_456 = arith.addi %add3A_421, %add3A_455 : i32
        %dma_start3A_457 = arith.constant 3 : i32
        %dma_start3A_458 = arith.constant 0 : i32
        %dma_start3A_459 = arith.constant 0 : i32
        %dma_start3A_460 = tpu.memref_slice %arg9[%dma_start3A_457, %dma_start3A_458, %dma_start3A_459] : memref<8x125x128xbf16, #tpu.memory_space<vmem>> -> memref<1x125x128xbf16, #tpu.memory_space<vmem>>
        %dma_start3A_461 = tpu.memref_squeeze %dma_start3A_460 : memref<1x125x128xbf16, #tpu.memory_space<vmem>> -> memref<125x128xbf16, #tpu.memory_space<vmem>>
        %dma_start3A_462 = arith.constant 0 : i32
        %dma_start3A_463 = tpu.memref_slice %arg7[%add3A_456, %dma_start3A_462] : memref<80x125xi32, #tpu.memory_space<vmem>> -> memref<1x125xi32, #tpu.memory_space<vmem>>
        %dma_start3A_464 = tpu.memref_squeeze %dma_start3A_463 : memref<1x125xi32, #tpu.memory_space<vmem>> -> memref<125xi32, #tpu.memory_space<vmem>>
        %dma_start3A_465 = arith.constant 0 : i32
        %dma_start3A_466 = arith.constant 0 : i32
        %dma_start3A_467 = tpu.memref_slice %arg2[%dma_start3A_465, %dma_start3A_466] : memref<10000x128xbf16, #tpu.memory_space<hbm>> -> memref<10000x128xbf16, #tpu.memory_space<hbm>>
        tpu.enqueue_indirect_dma source(%dma_start3A_467 : memref<10000x128xbf16, #tpu.memory_space<hbm>>) target(%dma_start3A_461 : memref<125x128xbf16, #tpu.memory_space<vmem>>) offsets(%dma_start3A_464 : memref<125xi32, #tpu.memory_space<vmem>>) semaphore(%arg14 : memref<!tpu.dma_semaphore, #tpu.memory_space<semaphore_mem>>)
      } else {
      }
    }
    %scan3A_101 = arith.constant 10 : i32
    %dma_wait3A_102 = arith.constant 4 : i32
    %dma_wait3A_103 = arith.constant 0 : i32
    %dma_wait3A_104 = arith.constant 0 : i32
    %dma_wait3A_105 = arith.constant 0 : i32
    %dma_wait3A_106 = tpu.memref_slice %arg9[%dma_wait3A_102, %dma_wait3A_104, %dma_wait3A_105] : memref<8x125x128xbf16, #tpu.memory_space<vmem>> -> memref<1x125x128xbf16, #tpu.memory_space<vmem>>
    %dma_wait3A_107 = tpu.memref_squeeze %dma_wait3A_106 : memref<1x125x128xbf16, #tpu.memory_space<vmem>> -> memref<125x128xbf16, #tpu.memory_space<vmem>>
    %dma_wait3A_108 = arith.constant 0 : i32
    %dma_wait3A_109 = tpu.memref_slice %arg8[%dma_wait3A_103, %dma_wait3A_108] : memref<80x125xi32, #tpu.memory_space<vmem>> -> memref<1x125xi32, #tpu.memory_space<vmem>>
    %dma_wait3A_110 = tpu.memref_squeeze %dma_wait3A_109 : memref<1x125xi32, #tpu.memory_space<vmem>> -> memref<125xi32, #tpu.memory_space<vmem>>
    %dma_wait3A_111 = arith.constant 0 : i32
    %dma_wait3A_112 = arith.constant 0 : i32
    %dma_wait3A_113 = tpu.memref_slice %arg10[%dma_wait3A_111, %dma_wait3A_112] : memref<10000x128xbf16, #tpu.memory_space<vmem_shared>> -> memref<10000x128xbf16, #tpu.memory_space<vmem_shared>>
    tpu.wait_indirect_dma semaphore(%arg23 : memref<!tpu.dma_semaphore, #tpu.memory_space<semaphore_mem>>) src(%dma_wait3A_107 : memref<125x128xbf16, #tpu.memory_space<vmem>>) dst(%dma_wait3A_113 : memref<10000x128xbf16, #tpu.memory_space<vmem_shared>>)
    %dma_wait3A_114 = arith.constant 5 : i32
    %dma_wait3A_115 = arith.constant 0 : i32
    %dma_wait3A_116 = arith.constant 0 : i32
    %dma_wait3A_117 = arith.constant 0 : i32
    %dma_wait3A_118 = tpu.memref_slice %arg9[%dma_wait3A_114, %dma_wait3A_116, %dma_wait3A_117] : memref<8x125x128xbf16, #tpu.memory_space<vmem>> -> memref<1x125x128xbf16, #tpu.memory_space<vmem>>
    %dma_wait3A_119 = tpu.memref_squeeze %dma_wait3A_118 : memref<1x125x128xbf16, #tpu.memory_space<vmem>> -> memref<125x128xbf16, #tpu.memory_space<vmem>>
    %dma_wait3A_120 = arith.constant 0 : i32
    %dma_wait3A_121 = tpu.memref_slice %arg8[%dma_wait3A_115, %dma_wait3A_120] : memref<80x125xi32, #tpu.memory_space<vmem>> -> memref<1x125xi32, #tpu.memory_space<vmem>>
    %dma_wait3A_122 = tpu.memref_squeeze %dma_wait3A_121 : memref<1x125xi32, #tpu.memory_space<vmem>> -> memref<125xi32, #tpu.memory_space<vmem>>
    %dma_wait3A_123 = arith.constant 0 : i32
    %dma_wait3A_124 = arith.constant 0 : i32
    %dma_wait3A_125 = tpu.memref_slice %arg10[%dma_wait3A_123, %dma_wait3A_124] : memref<10000x128xbf16, #tpu.memory_space<vmem_shared>> -> memref<10000x128xbf16, #tpu.memory_space<vmem_shared>>
    tpu.wait_indirect_dma semaphore(%arg24 : memref<!tpu.dma_semaphore, #tpu.memory_space<semaphore_mem>>) src(%dma_wait3A_119 : memref<125x128xbf16, #tpu.memory_space<vmem>>) dst(%dma_wait3A_125 : memref<10000x128xbf16, #tpu.memory_space<vmem_shared>>)
    %dma_wait3A_126 = arith.constant 6 : i32
    %dma_wait3A_127 = arith.constant 0 : i32
    %dma_wait3A_128 = arith.constant 0 : i32
    %dma_wait3A_129 = arith.constant 0 : i32
    %dma_wait3A_130 = tpu.memref_slice %arg9[%dma_wait3A_126, %dma_wait3A_128, %dma_wait3A_129] : memref<8x125x128xbf16, #tpu.memory_space<vmem>> -> memref<1x125x128xbf16, #tpu.memory_space<vmem>>
    %dma_wait3A_131 = tpu.memref_squeeze %dma_wait3A_130 : memref<1x125x128xbf16, #tpu.memory_space<vmem>> -> memref<125x128xbf16, #tpu.memory_space<vmem>>
    %dma_wait3A_132 = arith.constant 0 : i32
    %dma_wait3A_133 = tpu.memref_slice %arg8[%dma_wait3A_127, %dma_wait3A_132] : memref<80x125xi32, #tpu.memory_space<vmem>> -> memref<1x125xi32, #tpu.memory_space<vmem>>
    %dma_wait3A_134 = tpu.memref_squeeze %dma_wait3A_133 : memref<1x125xi32, #tpu.memory_space<vmem>> -> memref<125xi32, #tpu.memory_space<vmem>>
    %dma_wait3A_135 = arith.constant 0 : i32
    %dma_wait3A_136 = arith.constant 0 : i32
    %dma_wait3A_137 = tpu.memref_slice %arg10[%dma_wait3A_135, %dma_wait3A_136] : memref<10000x128xbf16, #tpu.memory_space<vmem_shared>> -> memref<10000x128xbf16, #tpu.memory_space<vmem_shared>>
    tpu.wait_indirect_dma semaphore(%arg25 : memref<!tpu.dma_semaphore, #tpu.memory_space<semaphore_mem>>) src(%dma_wait3A_131 : memref<125x128xbf16, #tpu.memory_space<vmem>>) dst(%dma_wait3A_137 : memref<10000x128xbf16, #tpu.memory_space<vmem_shared>>)
    %dma_wait3A_138 = arith.constant 7 : i32
    %dma_wait3A_139 = arith.constant 0 : i32
    %dma_wait3A_140 = arith.constant 0 : i32
    %dma_wait3A_141 = arith.constant 0 : i32
    %dma_wait3A_142 = tpu.memref_slice %arg9[%dma_wait3A_138, %dma_wait3A_140, %dma_wait3A_141] : memref<8x125x128xbf16, #tpu.memory_space<vmem>> -> memref<1x125x128xbf16, #tpu.memory_space<vmem>>
    %dma_wait3A_143 = tpu.memref_squeeze %dma_wait3A_142 : memref<1x125x128xbf16, #tpu.memory_space<vmem>> -> memref<125x128xbf16, #tpu.memory_space<vmem>>
    %dma_wait3A_144 = arith.constant 0 : i32
    %dma_wait3A_145 = tpu.memref_slice %arg8[%dma_wait3A_139, %dma_wait3A_144] : memref<80x125xi32, #tpu.memory_space<vmem>> -> memref<1x125xi32, #tpu.memory_space<vmem>>
    %dma_wait3A_146 = tpu.memref_squeeze %dma_wait3A_145 : memref<1x125xi32, #tpu.memory_space<vmem>> -> memref<125xi32, #tpu.memory_space<vmem>>
    %dma_wait3A_147 = arith.constant 0 : i32
    %dma_wait3A_148 = arith.constant 0 : i32
    %dma_wait3A_149 = tpu.memref_slice %arg10[%dma_wait3A_147, %dma_wait3A_148] : memref<10000x128xbf16, #tpu.memory_space<vmem_shared>> -> memref<10000x128xbf16, #tpu.memory_space<vmem_shared>>
    tpu.wait_indirect_dma semaphore(%arg26 : memref<!tpu.dma_semaphore, #tpu.memory_space<semaphore_mem>>) src(%dma_wait3A_143 : memref<125x128xbf16, #tpu.memory_space<vmem>>) dst(%dma_wait3A_149 : memref<10000x128xbf16, #tpu.memory_space<vmem_shared>>)
    %barrier3A_150 = arith.constant 0 : index
    tpu.barrier barrier_id(%barrier3A_150)
    %mul3A_151 = arith.constant 624 : i32
    %mul3A_152 = arith.muli %arg1, %mul3A_151 : i32
    %mul3A_153 = arith.constant 624 : i32
    %mul3A_154 = arith.muli %arg1, %mul3A_153 : i32
    "tpu.region"() ({
      %run_scoped3A = tpu.sem_alloc : memref<!tpu.dma_semaphore, #tpu.memory_space<semaphore_mem>>
      %dma_start3A_160 = arith.constant 0 : i32
      %dma_start3A_161 = tpu.memref_slice %arg6[%arg0, %mul3A_154, %dma_start3A_160] : memref<2x10000x128xbf16, #tpu.memory_space<hbm>> -> memref<1x624x128xbf16, #tpu.memory_space<hbm>>
      %dma_start3A_162 = tpu.memref_squeeze %dma_start3A_161 : memref<1x624x128xbf16, #tpu.memory_space<hbm>> -> memref<624x128xbf16, #tpu.memory_space<hbm>>
      %dma_start3A_163 = arith.constant 0 : i32
      %dma_start3A_164 = tpu.memref_slice %arg10[%mul3A_152, %dma_start3A_163] : memref<10000x128xbf16, #tpu.memory_space<vmem_shared>> -> memref<624x128xbf16, #tpu.memory_space<vmem_shared>>
      tpu.enqueue_dma source(%dma_start3A_164 : memref<624x128xbf16, #tpu.memory_space<vmem_shared>>) target(%dma_start3A_162 : memref<624x128xbf16, #tpu.memory_space<hbm>>) target_semaphore(%run_scoped3A : memref<!tpu.dma_semaphore, #tpu.memory_space<semaphore_mem>>)
      %dma_wait3A_165 = arith.constant 0 : i32
      %dma_wait3A_166 = tpu.memref_slice %arg6[%arg0, %mul3A_154, %dma_wait3A_165] : memref<2x10000x128xbf16, #tpu.memory_space<hbm>> -> memref<1x624x128xbf16, #tpu.memory_space<hbm>>
      %dma_wait3A_167 = tpu.memref_squeeze %dma_wait3A_166 : memref<1x624x128xbf16, #tpu.memory_space<hbm>> -> memref<624x128xbf16, #tpu.memory_space<hbm>>
      %dma_wait3A_168 = arith.constant 0 : i32
      %dma_wait3A_169 = tpu.memref_slice %arg10[%mul3A_152, %dma_wait3A_168] : memref<10000x128xbf16, #tpu.memory_space<vmem_shared>> -> memref<624x128xbf16, #tpu.memory_space<vmem_shared>>
      tpu.wait_dma2 semaphore(%run_scoped3A : memref<!tpu.dma_semaphore, #tpu.memory_space<semaphore_mem>>) src(%dma_wait3A_169 : memref<624x128xbf16, #tpu.memory_space<vmem_shared>>) dst(%dma_wait3A_167 : memref<624x128xbf16, #tpu.memory_space<hbm>>)
      tpu.yield
    }) : () -> ()
    %eq3A_155 = arith.constant 15 : i32
    %eq3A_156 = arith.cmpi eq, %arg1, %eq3A_155 : i32
    %convert_element_type3A_157 = arith.extui %eq3A_156 : i1 to i32
    %cond3A_158 = arith.constant 0 : i32
    %cond3A_159 = arith.cmpi ne, %convert_element_type3A_157, %cond3A_158 : i32
    scf.if %cond3A_159 {
      "tpu.region"() ({
        %run_scoped3A = tpu.sem_alloc : memref<!tpu.dma_semaphore, #tpu.memory_space<semaphore_mem>>
        %dma_start3A_160 = arith.constant 9984 : i32
        %dma_start3A_161 = arith.constant 0 : i32
        %dma_start3A_162 = tpu.memref_slice %arg6[%arg0, %dma_start3A_160, %dma_start3A_161] : memref<2x10000x128xbf16, #tpu.memory_space<hbm>> -> memref<1x16x128xbf16, #tpu.memory_space<hbm>>
        %dma_start3A_163 = tpu.memref_squeeze %dma_start3A_162 : memref<1x16x128xbf16, #tpu.memory_space<hbm>> -> memref<16x128xbf16, #tpu.memory_space<hbm>>
        %dma_start3A_164 = arith.constant 9984 : i32
        %dma_start3A_165 = arith.constant 0 : i32
        %dma_start3A_166 = tpu.memref_slice %arg10[%dma_start3A_164, %dma_start3A_165] : memref<10000x128xbf16, #tpu.memory_space<vmem_shared>> -> memref<16x128xbf16, #tpu.memory_space<vmem_shared>>
        tpu.enqueue_dma source(%dma_start3A_166 : memref<16x128xbf16, #tpu.memory_space<vmem_shared>>) target(%dma_start3A_163 : memref<16x128xbf16, #tpu.memory_space<hbm>>) target_semaphore(%run_scoped3A : memref<!tpu.dma_semaphore, #tpu.memory_space<semaphore_mem>>)
        %dma_wait3A_167 = arith.constant 9984 : i32
        %dma_wait3A_168 = arith.constant 0 : i32
        %dma_wait3A_169 = tpu.memref_slice %arg6[%arg0, %dma_wait3A_167, %dma_wait3A_168] : memref<2x10000x128xbf16, #tpu.memory_space<hbm>> -> memref<1x16x128xbf16, #tpu.memory_space<hbm>>
        %dma_wait3A_170 = tpu.memref_squeeze %dma_wait3A_169 : memref<1x16x128xbf16, #tpu.memory_space<hbm>> -> memref<16x128xbf16, #tpu.memory_space<hbm>>
        %dma_wait3A_171 = arith.constant 9984 : i32
        %dma_wait3A_172 = arith.constant 0 : i32
        %dma_wait3A_173 = tpu.memref_slice %arg10[%dma_wait3A_171, %dma_wait3A_172] : memref<10000x128xbf16, #tpu.memory_space<vmem_shared>> -> memref<16x128xbf16, #tpu.memory_space<vmem_shared>>
        tpu.wait_dma2 semaphore(%run_scoped3A : memref<!tpu.dma_semaphore, #tpu.memory_space<semaphore_mem>>) src(%dma_wait3A_173 : memref<16x128xbf16, #tpu.memory_space<vmem_shared>>) dst(%dma_wait3A_170 : memref<16x128xbf16, #tpu.memory_space<hbm>>)
        tpu.yield
      }) : () -> ()
    } else {
    }
    return
  }
}

#map = affine_map<(d0, d1) -> (0, 0)>
#map1 = affine_map<(d0, d1) -> (0, 0, 0)>
module attributes {stable_mosaic.version = 14 : i64} {
  func.func @_edge_agg(%arg0: i32, %arg1: i32, %arg2: memref<10000x128xbf16, #tpu.memory_space<hbm>>, %arg3: memref<32x80x125xi32, #tpu.memory_space<hbm>>, %arg4: memref<32x80x125xi32, #tpu.memory_space<hbm>>, %arg5: memref<10000x128xbf16, #tpu.memory_space<hbm>>, %arg6: memref<2x10000x128xbf16, #tpu.memory_space<hbm>>, %arg7: memref<80x125xi32, #tpu.memory_space<vmem>>, %arg8: memref<80x125xi32, #tpu.memory_space<vmem>>, %arg9: memref<8x125x128xbf16, #tpu.memory_space<vmem>>, %arg10: memref<10000x128xbf16, #tpu.memory_space<vmem_shared>>, %arg11: memref<!tpu.dma_semaphore, #tpu.memory_space<semaphore_mem>>, %arg12: memref<!tpu.dma_semaphore, #tpu.memory_space<semaphore_mem>>, %arg13: memref<!tpu.dma_semaphore, #tpu.memory_space<semaphore_mem>>, %arg14: memref<!tpu.dma_semaphore, #tpu.memory_space<semaphore_mem>>, %arg15: memref<!tpu.dma_semaphore, #tpu.memory_space<semaphore_mem>>, %arg16: memref<!tpu.dma_semaphore, #tpu.memory_space<semaphore_mem>>, %arg17: memref<!tpu.dma_semaphore, #tpu.memory_space<semaphore_mem>>, %arg18: memref<!tpu.dma_semaphore, #tpu.memory_space<semaphore_mem>>, %arg19: memref<!tpu.dma_semaphore, #tpu.memory_space<semaphore_mem>>, %arg20: memref<!tpu.dma_semaphore, #tpu.memory_space<semaphore_mem>>, %arg21: memref<!tpu.dma_semaphore, #tpu.memory_space<semaphore_mem>>, %arg22: memref<!tpu.dma_semaphore, #tpu.memory_space<semaphore_mem>>, %arg23: memref<!tpu.dma_semaphore, #tpu.memory_space<semaphore_mem>>, %arg24: memref<!tpu.dma_semaphore, #tpu.memory_space<semaphore_mem>>, %arg25: memref<!tpu.dma_semaphore, #tpu.memory_space<semaphore_mem>>, %arg26: memref<!tpu.dma_semaphore, #tpu.memory_space<semaphore_mem>>, %arg27: memref<!tpu.dma_semaphore, #tpu.memory_space<semaphore_mem>>) attributes {dimension_semantics = [#tpu.dimension_semantics<core_parallel>, #tpu.dimension_semantics<subcore_parallel>], iteration_bounds = array<i64: 2, 16>, scalar_prefetch = 0 : i64, scratch_operands = 21 : i64, tpu.core_type = #tpu.core_type<sc_vector_subcore>, window_params = [{transform_indices = #map}, {transform_indices = #map1}, {transform_indices = #map1}, {transform_indices = #map}, {transform_indices = #map1}]} {
    %mul3A = arith.constant 2 : i32
    %mul3A_0 = arith.muli %arg1, %mul3A : i32
    %add3A = arith.addi %mul3A_0, %arg0 : i32
    %mul3A_1 = arith.constant 624 : i32
    %mul3A_2 = arith.muli %arg1, %mul3A_1 : i32
    %mul3A_3 = arith.constant 624 : i32
    %mul3A_4 = arith.muli %arg1, %mul3A_3 : i32
    %dma_start3A = arith.constant 0 : i32
    %dma_start3A_5 = tpu.memref_slice %arg10[%mul3A_4, %dma_start3A] : memref<10000x128xbf16, #tpu.memory_space<vmem_shared>> -> memref<624x128xbf16, #tpu.memory_space<vmem_shared>>
    %dma_start3A_6 = arith.constant 0 : i32
    %dma_start3A_7 = tpu.memref_slice %arg5[%mul3A_2, %dma_start3A_6] : memref<10000x128xbf16, #tpu.memory_space<hbm>> -> memref<624x128xbf16, #tpu.memory_space<hbm>>
    tpu.enqueue_dma source(%dma_start3A_7 : memref<624x128xbf16, #tpu.memory_space<hbm>>) target(%dma_start3A_5 : memref<624x128xbf16, #tpu.memory_space<vmem_shared>>) target_semaphore(%arg27 : memref<!tpu.dma_semaphore, #tpu.memory_space<semaphore_mem>>)
    %dma_start3A_8 = arith.constant 0 : i32
    %dma_start3A_9 = arith.constant 0 : i32
    %dma_start3A_10 = tpu.memref_slice %arg3[%add3A, %dma_start3A_8, %dma_start3A_9] : memref<32x80x125xi32, #tpu.memory_space<hbm>> -> memref<1x80x125xi32, #tpu.memory_space<hbm>>
    %dma_start3A_11 = tpu.memref_squeeze %dma_start3A_10 : memref<1x80x125xi32, #tpu.memory_space<hbm>> -> memref<80x125xi32, #tpu.memory_space<hbm>>
    %dma_start3A_12 = arith.constant 0 : i32
    %dma_start3A_13 = arith.constant 0 : i32
    %dma_start3A_14 = tpu.memref_slice %arg3[%add3A, %dma_start3A_12, %dma_start3A_13] : memref<32x80x125xi32, #tpu.memory_space<hbm>> -> memref<1x80x125xi32, #tpu.memory_space<hbm>>
    %dma_start3A_15 = tpu.memref_squeeze %dma_start3A_14 : memref<1x80x125xi32, #tpu.memory_space<hbm>> -> memref<80x125xi32, #tpu.memory_space<hbm>>
    tpu.enqueue_dma source(%dma_start3A_15 : memref<80x125xi32, #tpu.memory_space<hbm>>) target(%arg7 : memref<80x125xi32, #tpu.memory_space<vmem>>) target_semaphore(%arg27 : memref<!tpu.dma_semaphore, #tpu.memory_space<semaphore_mem>>)
    %dma_start3A_16 = arith.constant 0 : i32
    %dma_start3A_17 = arith.constant 0 : i32
    %dma_start3A_18 = tpu.memref_slice %arg4[%add3A, %dma_start3A_16, %dma_start3A_17] : memref<32x80x125xi32, #tpu.memory_space<hbm>> -> memref<1x80x125xi32, #tpu.memory_space<hbm>>
    %dma_start3A_19 = tpu.memref_squeeze %dma_start3A_18 : memref<1x80x125xi32, #tpu.memory_space<hbm>> -> memref<80x125xi32, #tpu.memory_space<hbm>>
    %dma_start3A_20 = arith.constant 0 : i32
    %dma_start3A_21 = arith.constant 0 : i32
    %dma_start3A_22 = tpu.memref_slice %arg4[%add3A, %dma_start3A_20, %dma_start3A_21] : memref<32x80x125xi32, #tpu.memory_space<hbm>> -> memref<1x80x125xi32, #tpu.memory_space<hbm>>
    %dma_start3A_23 = tpu.memref_squeeze %dma_start3A_22 : memref<1x80x125xi32, #tpu.memory_space<hbm>> -> memref<80x125xi32, #tpu.memory_space<hbm>>
    tpu.enqueue_dma source(%dma_start3A_23 : memref<80x125xi32, #tpu.memory_space<hbm>>) target(%arg8 : memref<80x125xi32, #tpu.memory_space<vmem>>) target_semaphore(%arg27 : memref<!tpu.dma_semaphore, #tpu.memory_space<semaphore_mem>>)
    %eq3A = arith.constant 15 : i32
    %eq3A_24 = arith.cmpi eq, %arg1, %eq3A : i32
    %convert_element_type3A = arith.extui %eq3A_24 : i1 to i32
    %cond3A = arith.constant 0 : i32
    %cond3A_25 = arith.cmpi ne, %convert_element_type3A, %cond3A : i32
    scf.if %cond3A_25 {
      %dma_start3A_160 = arith.constant 9984 : i32
      %dma_start3A_161 = arith.constant 0 : i32
      %dma_start3A_162 = tpu.memref_slice %arg10[%dma_start3A_160, %dma_start3A_161] : memref<10000x128xbf16, #tpu.memory_space<vmem_shared>> -> memref<16x128xbf16, #tpu.memory_space<vmem_shared>>
      %dma_start3A_163 = arith.constant 9984 : i32
      %dma_start3A_164 = arith.constant 0 : i32
      %dma_start3A_165 = tpu.memref_slice %arg5[%dma_start3A_163, %dma_start3A_164] : memref<10000x128xbf16, #tpu.memory_space<hbm>> -> memref<16x128xbf16, #tpu.memory_space<hbm>>
      tpu.enqueue_dma source(%dma_start3A_165 : memref<16x128xbf16, #tpu.memory_space<hbm>>) target(%dma_start3A_162 : memref<16x128xbf16, #tpu.memory_space<vmem_shared>>) target_semaphore(%arg27 : memref<!tpu.dma_semaphore, #tpu.memory_space<semaphore_mem>>)
      %dma_wait3A_166 = arith.constant 9984 : i32
      %dma_wait3A_167 = arith.constant 0 : i32
      %dma_wait3A_168 = tpu.memref_slice %arg10[%dma_wait3A_166, %dma_wait3A_167] : memref<10000x128xbf16, #tpu.memory_space<vmem_shared>> -> memref<16x128xbf16, #tpu.memory_space<vmem_shared>>
      %dma_wait3A_169 = arith.constant 9984 : i32
      %dma_wait3A_170 = arith.constant 0 : i32
      %dma_wait3A_171 = tpu.memref_slice %arg5[%dma_wait3A_169, %dma_wait3A_170] : memref<10000x128xbf16, #tpu.memory_space<hbm>> -> memref<16x128xbf16, #tpu.memory_space<hbm>>
      tpu.wait_dma2 semaphore(%arg27 : memref<!tpu.dma_semaphore, #tpu.memory_space<semaphore_mem>>) src(%dma_wait3A_171 : memref<16x128xbf16, #tpu.memory_space<hbm>>) dst(%dma_wait3A_168 : memref<16x128xbf16, #tpu.memory_space<vmem_shared>>)
    } else {
    }
    %dma_wait3A = arith.constant 0 : i32
    %dma_wait3A_26 = arith.constant 0 : i32
    %dma_wait3A_27 = tpu.memref_slice %arg10[%dma_wait3A, %dma_wait3A_26] : memref<10000x128xbf16, #tpu.memory_space<vmem_shared>> -> memref<624x128xbf16, #tpu.memory_space<vmem_shared>>
    %dma_wait3A_28 = arith.constant 0 : i32
    %dma_wait3A_29 = arith.constant 0 : i32
    %dma_wait3A_30 = tpu.memref_slice %arg5[%dma_wait3A_28, %dma_wait3A_29] : memref<10000x128xbf16, #tpu.memory_space<hbm>> -> memref<624x128xbf16, #tpu.memory_space<hbm>>
    tpu.wait_dma2 semaphore(%arg27 : memref<!tpu.dma_semaphore, #tpu.memory_space<semaphore_mem>>) src(%dma_wait3A_30 : memref<624x128xbf16, #tpu.memory_space<hbm>>) dst(%dma_wait3A_27 : memref<624x128xbf16, #tpu.memory_space<vmem_shared>>)
    %dma_wait3A_31 = arith.constant 0 : i32
    %dma_wait3A_32 = arith.constant 0 : i32
    %dma_wait3A_33 = arith.constant 0 : i32
    %dma_wait3A_34 = tpu.memref_slice %arg3[%dma_wait3A_31, %dma_wait3A_32, %dma_wait3A_33] : memref<32x80x125xi32, #tpu.memory_space<hbm>> -> memref<1x80x125xi32, #tpu.memory_space<hbm>>
    %dma_wait3A_35 = tpu.memref_squeeze %dma_wait3A_34 : memref<1x80x125xi32, #tpu.memory_space<hbm>> -> memref<80x125xi32, #tpu.memory_space<hbm>>
    %dma_wait3A_36 = arith.constant 0 : i32
    %dma_wait3A_37 = arith.constant 0 : i32
    %dma_wait3A_38 = tpu.memref_slice %arg3[%dma_wait3A_31, %dma_wait3A_36, %dma_wait3A_37] : memref<32x80x125xi32, #tpu.memory_space<hbm>> -> memref<1x80x125xi32, #tpu.memory_space<hbm>>
    %dma_wait3A_39 = tpu.memref_squeeze %dma_wait3A_38 : memref<1x80x125xi32, #tpu.memory_space<hbm>> -> memref<80x125xi32, #tpu.memory_space<hbm>>
    tpu.wait_dma2 semaphore(%arg27 : memref<!tpu.dma_semaphore, #tpu.memory_space<semaphore_mem>>) src(%dma_wait3A_39 : memref<80x125xi32, #tpu.memory_space<hbm>>) dst(%arg7 : memref<80x125xi32, #tpu.memory_space<vmem>>)
    %dma_wait3A_40 = arith.constant 0 : i32
    %dma_wait3A_41 = arith.constant 0 : i32
    %dma_wait3A_42 = arith.constant 0 : i32
    %dma_wait3A_43 = tpu.memref_slice %arg4[%dma_wait3A_40, %dma_wait3A_41, %dma_wait3A_42] : memref<32x80x125xi32, #tpu.memory_space<hbm>> -> memref<1x80x125xi32, #tpu.memory_space<hbm>>
    %dma_wait3A_44 = tpu.memref_squeeze %dma_wait3A_43 : memref<1x80x125xi32, #tpu.memory_space<hbm>> -> memref<80x125xi32, #tpu.memory_space<hbm>>
    %dma_wait3A_45 = arith.constant 0 : i32
    %dma_wait3A_46 = arith.constant 0 : i32
    %dma_wait3A_47 = tpu.memref_slice %arg4[%dma_wait3A_40, %dma_wait3A_45, %dma_wait3A_46] : memref<32x80x125xi32, #tpu.memory_space<hbm>> -> memref<1x80x125xi32, #tpu.memory_space<hbm>>
    %dma_wait3A_48 = tpu.memref_squeeze %dma_wait3A_47 : memref<1x80x125xi32, #tpu.memory_space<hbm>> -> memref<80x125xi32, #tpu.memory_space<hbm>>
    tpu.wait_dma2 semaphore(%arg27 : memref<!tpu.dma_semaphore, #tpu.memory_space<semaphore_mem>>) src(%dma_wait3A_48 : memref<80x125xi32, #tpu.memory_space<hbm>>) dst(%arg8 : memref<80x125xi32, #tpu.memory_space<vmem>>)
    %barrier3A = arith.constant 0 : index
    tpu.barrier barrier_id(%barrier3A)
    %dma_start3A_49 = arith.constant 0 : i32
    %dma_start3A_50 = arith.constant 0 : i32
    %dma_start3A_51 = arith.constant 0 : i32
    %dma_start3A_52 = arith.constant 0 : i32
    %dma_start3A_53 = tpu.memref_slice %arg9[%dma_start3A_50, %dma_start3A_51, %dma_start3A_52] : memref<8x125x128xbf16, #tpu.memory_space<vmem>> -> memref<1x125x128xbf16, #tpu.memory_space<vmem>>
    %dma_start3A_54 = tpu.memref_squeeze %dma_start3A_53 : memref<1x125x128xbf16, #tpu.memory_space<vmem>> -> memref<125x128xbf16, #tpu.memory_space<vmem>>
    %dma_start3A_55 = arith.constant 0 : i32
    %dma_start3A_56 = tpu.memref_slice %arg7[%dma_start3A_49, %dma_start3A_55] : memref<80x125xi32, #tpu.memory_space<vmem>> -> memref<1x125xi32, #tpu.memory_space<vmem>>
    %dma_start3A_57 = tpu.memref_squeeze %dma_start3A_56 : memref<1x125xi32, #tpu.memory_space<vmem>> -> memref<125xi32, #tpu.memory_space<vmem>>
    %dma_start3A_58 = arith.constant 0 : i32
    %dma_start3A_59 = arith.constant 0 : i32
    %dma_start3A_60 = tpu.memref_slice %arg2[%dma_start3A_58, %dma_start3A_59] : memref<10000x128xbf16, #tpu.memory_space<hbm>> -> memref<10000x128xbf16, #tpu.memory_space<hbm>>
    tpu.enqueue_indirect_dma source(%dma_start3A_60 : memref<10000x128xbf16, #tpu.memory_space<hbm>>) target(%dma_start3A_54 : memref<125x128xbf16, #tpu.memory_space<vmem>>) offsets(%dma_start3A_57 : memref<125xi32, #tpu.memory_space<vmem>>) semaphore(%arg11 : memref<!tpu.dma_semaphore, #tpu.memory_space<semaphore_mem>>)
    %dma_start3A_61 = arith.constant 1 : i32
    %dma_start3A_62 = arith.constant 1 : i32
    %dma_start3A_63 = arith.constant 0 : i32
    %dma_start3A_64 = arith.constant 0 : i32
    %dma_start3A_65 = tpu.memref_slice %arg9[%dma_start3A_62, %dma_start3A_63, %dma_start3A_64] : memref<8x125x128xbf16, #tpu.memory_space<vmem>> -> memref<1x125x128xbf16, #tpu.memory_space<vmem>>
    %dma_start3A_66 = tpu.memref_squeeze %dma_start3A_65 : memref<1x125x128xbf16, #tpu.memory_space<vmem>> -> memref<125x128xbf16, #tpu.memory_space<vmem>>
    %dma_start3A_67 = arith.constant 0 : i32
    %dma_start3A_68 = tpu.memref_slice %arg7[%dma_start3A_61, %dma_start3A_67] : memref<80x125xi32, #tpu.memory_space<vmem>> -> memref<1x125xi32, #tpu.memory_space<vmem>>
    %dma_start3A_69 = tpu.memref_squeeze %dma_start3A_68 : memref<1x125xi32, #tpu.memory_space<vmem>> -> memref<125xi32, #tpu.memory_space<vmem>>
    %dma_start3A_70 = arith.constant 0 : i32
    %dma_start3A_71 = arith.constant 0 : i32
    %dma_start3A_72 = tpu.memref_slice %arg2[%dma_start3A_70, %dma_start3A_71] : memref<10000x128xbf16, #tpu.memory_space<hbm>> -> memref<10000x128xbf16, #tpu.memory_space<hbm>>
    tpu.enqueue_indirect_dma source(%dma_start3A_72 : memref<10000x128xbf16, #tpu.memory_space<hbm>>) target(%dma_start3A_66 : memref<125x128xbf16, #tpu.memory_space<vmem>>) offsets(%dma_start3A_69 : memref<125xi32, #tpu.memory_space<vmem>>) semaphore(%arg12 : memref<!tpu.dma_semaphore, #tpu.memory_space<semaphore_mem>>)
    %dma_start3A_73 = arith.constant 2 : i32
    %dma_start3A_74 = arith.constant 2 : i32
    %dma_start3A_75 = arith.constant 0 : i32
    %dma_start3A_76 = arith.constant 0 : i32
    %dma_start3A_77 = tpu.memref_slice %arg9[%dma_start3A_74, %dma_start3A_75, %dma_start3A_76] : memref<8x125x128xbf16, #tpu.memory_space<vmem>> -> memref<1x125x128xbf16, #tpu.memory_space<vmem>>
    %dma_start3A_78 = tpu.memref_squeeze %dma_start3A_77 : memref<1x125x128xbf16, #tpu.memory_space<vmem>> -> memref<125x128xbf16, #tpu.memory_space<vmem>>
    %dma_start3A_79 = arith.constant 0 : i32
    %dma_start3A_80 = tpu.memref_slice %arg7[%dma_start3A_73, %dma_start3A_79] : memref<80x125xi32, #tpu.memory_space<vmem>> -> memref<1x125xi32, #tpu.memory_space<vmem>>
    %dma_start3A_81 = tpu.memref_squeeze %dma_start3A_80 : memref<1x125xi32, #tpu.memory_space<vmem>> -> memref<125xi32, #tpu.memory_space<vmem>>
    %dma_start3A_82 = arith.constant 0 : i32
    %dma_start3A_83 = arith.constant 0 : i32
    %dma_start3A_84 = tpu.memref_slice %arg2[%dma_start3A_82, %dma_start3A_83] : memref<10000x128xbf16, #tpu.memory_space<hbm>> -> memref<10000x128xbf16, #tpu.memory_space<hbm>>
    tpu.enqueue_indirect_dma source(%dma_start3A_84 : memref<10000x128xbf16, #tpu.memory_space<hbm>>) target(%dma_start3A_78 : memref<125x128xbf16, #tpu.memory_space<vmem>>) offsets(%dma_start3A_81 : memref<125xi32, #tpu.memory_space<vmem>>) semaphore(%arg13 : memref<!tpu.dma_semaphore, #tpu.memory_space<semaphore_mem>>)
    %dma_start3A_85 = arith.constant 3 : i32
    %dma_start3A_86 = arith.constant 3 : i32
    %dma_start3A_87 = arith.constant 0 : i32
    %dma_start3A_88 = arith.constant 0 : i32
    %dma_start3A_89 = tpu.memref_slice %arg9[%dma_start3A_86, %dma_start3A_87, %dma_start3A_88] : memref<8x125x128xbf16, #tpu.memory_space<vmem>> -> memref<1x125x128xbf16, #tpu.memory_space<vmem>>
    %dma_start3A_90 = tpu.memref_squeeze %dma_start3A_89 : memref<1x125x128xbf16, #tpu.memory_space<vmem>> -> memref<125x128xbf16, #tpu.memory_space<vmem>>
    %dma_start3A_91 = arith.constant 0 : i32
    %dma_start3A_92 = tpu.memref_slice %arg7[%dma_start3A_85, %dma_start3A_91] : memref<80x125xi32, #tpu.memory_space<vmem>> -> memref<1x125xi32, #tpu.memory_space<vmem>>
    %dma_start3A_93 = tpu.memref_squeeze %dma_start3A_92 : memref<1x125xi32, #tpu.memory_space<vmem>> -> memref<125xi32, #tpu.memory_space<vmem>>
    %dma_start3A_94 = arith.constant 0 : i32
    %dma_start3A_95 = arith.constant 0 : i32
    %dma_start3A_96 = tpu.memref_slice %arg2[%dma_start3A_94, %dma_start3A_95] : memref<10000x128xbf16, #tpu.memory_space<hbm>> -> memref<10000x128xbf16, #tpu.memory_space<hbm>>
    tpu.enqueue_indirect_dma source(%dma_start3A_96 : memref<10000x128xbf16, #tpu.memory_space<hbm>>) target(%dma_start3A_90 : memref<125x128xbf16, #tpu.memory_space<vmem>>) offsets(%dma_start3A_93 : memref<125xi32, #tpu.memory_space<vmem>>) semaphore(%arg14 : memref<!tpu.dma_semaphore, #tpu.memory_space<semaphore_mem>>)
    %scan3A = arith.constant 0 : i32
    %scan3A_97 = arith.constant 0 : i32
    %scan3A_98 = arith.constant 10 : i32
    %scan3A_99 = arith.addi %scan3A_97, %scan3A_98 : i32
    %scan3A_100 = arith.constant 1 : i32
    scf.for %scan3A_160 = %scan3A_97 to %scan3A_99 step %scan3A_100  : i32 {
      %mul3A_161 = arith.constant 8 : i32
      %mul3A_162 = arith.muli %mul3A_161, %scan3A_160 : i32
      %add3A_163 = arith.constant 0 : i32
      %add3A_164 = arith.addi %mul3A_162, %add3A_163 : i32
      %dma_wait3A_165 = arith.constant 0 : i32
      %dma_wait3A_166 = arith.constant 0 : i32
      %dma_wait3A_167 = arith.constant 0 : i32
      %dma_wait3A_168 = arith.constant 0 : i32
      %dma_wait3A_169 = tpu.memref_slice %arg9[%dma_wait3A_166, %dma_wait3A_167, %dma_wait3A_168] : memref<8x125x128xbf16, #tpu.memory_space<vmem>> -> memref<1x125x128xbf16, #tpu.memory_space<vmem>>
      %dma_wait3A_170 = tpu.memref_squeeze %dma_wait3A_169 : memref<1x125x128xbf16, #tpu.memory_space<vmem>> -> memref<125x128xbf16, #tpu.memory_space<vmem>>
      %dma_wait3A_171 = arith.constant 0 : i32
      %dma_wait3A_172 = tpu.memref_slice %arg7[%dma_wait3A_165, %dma_wait3A_171] : memref<80x125xi32, #tpu.memory_space<vmem>> -> memref<1x125xi32, #tpu.memory_space<vmem>>
      %dma_wait3A_173 = tpu.memref_squeeze %dma_wait3A_172 : memref<1x125xi32, #tpu.memory_space<vmem>> -> memref<125xi32, #tpu.memory_space<vmem>>
      %dma_wait3A_174 = arith.constant 0 : i32
      %dma_wait3A_175 = arith.constant 0 : i32
      %dma_wait3A_176 = tpu.memref_slice %arg2[%dma_wait3A_174, %dma_wait3A_175] : memref<10000x128xbf16, #tpu.memory_space<hbm>> -> memref<10000x128xbf16, #tpu.memory_space<hbm>>
      tpu.wait_indirect_dma semaphore(%arg11 : memref<!tpu.dma_semaphore, #tpu.memory_space<semaphore_mem>>) src(%dma_wait3A_176 : memref<10000x128xbf16, #tpu.memory_space<hbm>>) dst(%dma_wait3A_170 : memref<125x128xbf16, #tpu.memory_space<vmem>>)
      %dma_start3A_177 = arith.constant 0 : i32
      %dma_start3A_178 = arith.constant 0 : i32
      %dma_start3A_179 = arith.constant 0 : i32
      %dma_start3A_180 = tpu.memref_slice %arg9[%dma_start3A_177, %dma_start3A_178, %dma_start3A_179] : memref<8x125x128xbf16, #tpu.memory_space<vmem>> -> memref<1x125x128xbf16, #tpu.memory_space<vmem>>
      %dma_start3A_181 = tpu.memref_squeeze %dma_start3A_180 : memref<1x125x128xbf16, #tpu.memory_space<vmem>> -> memref<125x128xbf16, #tpu.memory_space<vmem>>
      %dma_start3A_182 = arith.constant 0 : i32
      %dma_start3A_183 = tpu.memref_slice %arg8[%add3A_164, %dma_start3A_182] : memref<80x125xi32, #tpu.memory_space<vmem>> -> memref<1x125xi32, #tpu.memory_space<vmem>>
      %dma_start3A_184 = tpu.memref_squeeze %dma_start3A_183 : memref<1x125xi32, #tpu.memory_space<vmem>> -> memref<125xi32, #tpu.memory_space<vmem>>
      %dma_start3A_185 = arith.constant 0 : i32
      %dma_start3A_186 = arith.constant 0 : i32
      %dma_start3A_187 = tpu.memref_slice %arg10[%dma_start3A_185, %dma_start3A_186] : memref<10000x128xbf16, #tpu.memory_space<vmem_shared>> -> memref<10000x128xbf16, #tpu.memory_space<vmem_shared>>
      tpu.enqueue_indirect_dma source(%dma_start3A_181 : memref<125x128xbf16, #tpu.memory_space<vmem>>) target(%dma_start3A_187 : memref<10000x128xbf16, #tpu.memory_space<vmem_shared>>) offsets(%dma_start3A_184 : memref<125xi32, #tpu.memory_space<vmem>>) semaphore(%arg19 : memref<!tpu.dma_semaphore, #tpu.memory_space<semaphore_mem>>) {add = true}
      %ge3A = arith.constant 4 : i32
      %ge3A_188 = arith.cmpi sge, %add3A_164, %ge3A : i32
      %convert_element_type3A_189 = arith.extui %ge3A_188 : i1 to i32
      %cond3A_190 = arith.constant 0 : i32
      %cond3A_191 = arith.cmpi ne, %convert_element_type3A_189, %cond3A_190 : i32
      scf.if %cond3A_191 {
        %dma_wait3A_455 = arith.constant 4 : i32
        %dma_wait3A_456 = arith.constant 0 : i32
        %dma_wait3A_457 = arith.constant 0 : i32
        %dma_wait3A_458 = arith.constant 0 : i32
        %dma_wait3A_459 = tpu.memref_slice %arg9[%dma_wait3A_455, %dma_wait3A_457, %dma_wait3A_458] : memref<8x125x128xbf16, #tpu.memory_space<vmem>> -> memref<1x125x128xbf16, #tpu.memory_space<vmem>>
        %dma_wait3A_460 = tpu.memref_squeeze %dma_wait3A_459 : memref<1x125x128xbf16, #tpu.memory_space<vmem>> -> memref<125x128xbf16, #tpu.memory_space<vmem>>
        %dma_wait3A_461 = arith.constant 0 : i32
        %dma_wait3A_462 = tpu.memref_slice %arg8[%dma_wait3A_456, %dma_wait3A_461] : memref<80x125xi32, #tpu.memory_space<vmem>> -> memref<1x125xi32, #tpu.memory_space<vmem>>
        %dma_wait3A_463 = tpu.memref_squeeze %dma_wait3A_462 : memref<1x125xi32, #tpu.memory_space<vmem>> -> memref<125xi32, #tpu.memory_space<vmem>>
        %dma_wait3A_464 = arith.constant 0 : i32
        %dma_wait3A_465 = arith.constant 0 : i32
        %dma_wait3A_466 = tpu.memref_slice %arg10[%dma_wait3A_464, %dma_wait3A_465] : memref<10000x128xbf16, #tpu.memory_space<vmem_shared>> -> memref<10000x128xbf16, #tpu.memory_space<vmem_shared>>
        tpu.wait_indirect_dma semaphore(%arg23 : memref<!tpu.dma_semaphore, #tpu.memory_space<semaphore_mem>>) src(%dma_wait3A_460 : memref<125x128xbf16, #tpu.memory_space<vmem>>) dst(%dma_wait3A_466 : memref<10000x128xbf16, #tpu.memory_space<vmem_shared>>)
      } else {
      }
      %le3A = arith.constant 75 : i32
      %le3A_192 = arith.cmpi sle, %add3A_164, %le3A : i32
      %convert_element_type3A_193 = arith.extui %le3A_192 : i1 to i32
      %cond3A_194 = arith.constant 0 : i32
      %cond3A_195 = arith.cmpi ne, %convert_element_type3A_193, %cond3A_194 : i32
      scf.if %cond3A_195 {
        %add3A_455 = arith.constant 4 : i32
        %add3A_456 = arith.addi %add3A_164, %add3A_455 : i32
        %dma_start3A_457 = arith.constant 4 : i32
        %dma_start3A_458 = arith.constant 0 : i32
        %dma_start3A_459 = arith.constant 0 : i32
        %dma_start3A_460 = tpu.memref_slice %arg9[%dma_start3A_457, %dma_start3A_458, %dma_start3A_459] : memref<8x125x128xbf16, #tpu.memory_space<vmem>> -> memref<1x125x128xbf16, #tpu.memory_space<vmem>>
        %dma_start3A_461 = tpu.memref_squeeze %dma_start3A_460 : memref<1x125x128xbf16, #tpu.memory_space<vmem>> -> memref<125x128xbf16, #tpu.memory_space<vmem>>
        %dma_start3A_462 = arith.constant 0 : i32
        %dma_start3A_463 = tpu.memref_slice %arg7[%add3A_456, %dma_start3A_462] : memref<80x125xi32, #tpu.memory_space<vmem>> -> memref<1x125xi32, #tpu.memory_space<vmem>>
        %dma_start3A_464 = tpu.memref_squeeze %dma_start3A_463 : memref<1x125xi32, #tpu.memory_space<vmem>> -> memref<125xi32, #tpu.memory_space<vmem>>
        %dma_start3A_465 = arith.constant 0 : i32
        %dma_start3A_466 = arith.constant 0 : i32
        %dma_start3A_467 = tpu.memref_slice %arg2[%dma_start3A_465, %dma_start3A_466] : memref<10000x128xbf16, #tpu.memory_space<hbm>> -> memref<10000x128xbf16, #tpu.memory_space<hbm>>
        tpu.enqueue_indirect_dma source(%dma_start3A_467 : memref<10000x128xbf16, #tpu.memory_space<hbm>>) target(%dma_start3A_461 : memref<125x128xbf16, #tpu.memory_space<vmem>>) offsets(%dma_start3A_464 : memref<125xi32, #tpu.memory_space<vmem>>) semaphore(%arg15 : memref<!tpu.dma_semaphore, #tpu.memory_space<semaphore_mem>>)
      } else {
      }
      %mul3A_196 = arith.constant 8 : i32
      %mul3A_197 = arith.muli %mul3A_196, %scan3A_160 : i32
      %add3A_198 = arith.constant 1 : i32
      %add3A_199 = arith.addi %mul3A_197, %add3A_198 : i32
      %dma_wait3A_200 = arith.constant 0 : i32
      %dma_wait3A_201 = arith.constant 1 : i32
      %dma_wait3A_202 = arith.constant 0 : i32
      %dma_wait3A_203 = arith.constant 0 : i32
      %dma_wait3A_204 = tpu.memref_slice %arg9[%dma_wait3A_201, %dma_wait3A_202, %dma_wait3A_203] : memref<8x125x128xbf16, #tpu.memory_space<vmem>> -> memref<1x125x128xbf16, #tpu.memory_space<vmem>>
      %dma_wait3A_205 = tpu.memref_squeeze %dma_wait3A_204 : memref<1x125x128xbf16, #tpu.memory_space<vmem>> -> memref<125x128xbf16, #tpu.memory_space<vmem>>
      %dma_wait3A_206 = arith.constant 0 : i32
      %dma_wait3A_207 = tpu.memref_slice %arg7[%dma_wait3A_200, %dma_wait3A_206] : memref<80x125xi32, #tpu.memory_space<vmem>> -> memref<1x125xi32, #tpu.memory_space<vmem>>
      %dma_wait3A_208 = tpu.memref_squeeze %dma_wait3A_207 : memref<1x125xi32, #tpu.memory_space<vmem>> -> memref<125xi32, #tpu.memory_space<vmem>>
      %dma_wait3A_209 = arith.constant 0 : i32
      %dma_wait3A_210 = arith.constant 0 : i32
      %dma_wait3A_211 = tpu.memref_slice %arg2[%dma_wait3A_209, %dma_wait3A_210] : memref<10000x128xbf16, #tpu.memory_space<hbm>> -> memref<10000x128xbf16, #tpu.memory_space<hbm>>
      tpu.wait_indirect_dma semaphore(%arg12 : memref<!tpu.dma_semaphore, #tpu.memory_space<semaphore_mem>>) src(%dma_wait3A_211 : memref<10000x128xbf16, #tpu.memory_space<hbm>>) dst(%dma_wait3A_205 : memref<125x128xbf16, #tpu.memory_space<vmem>>)
      %dma_start3A_212 = arith.constant 1 : i32
      %dma_start3A_213 = arith.constant 0 : i32
      %dma_start3A_214 = arith.constant 0 : i32
      %dma_start3A_215 = tpu.memref_slice %arg9[%dma_start3A_212, %dma_start3A_213, %dma_start3A_214] : memref<8x125x128xbf16, #tpu.memory_space<vmem>> -> memref<1x125x128xbf16, #tpu.memory_space<vmem>>
      %dma_start3A_216 = tpu.memref_squeeze %dma_start3A_215 : memref<1x125x128xbf16, #tpu.memory_space<vmem>> -> memref<125x128xbf16, #tpu.memory_space<vmem>>
      %dma_start3A_217 = arith.constant 0 : i32
      %dma_start3A_218 = tpu.memref_slice %arg8[%add3A_199, %dma_start3A_217] : memref<80x125xi32, #tpu.memory_space<vmem>> -> memref<1x125xi32, #tpu.memory_space<vmem>>
      %dma_start3A_219 = tpu.memref_squeeze %dma_start3A_218 : memref<1x125xi32, #tpu.memory_space<vmem>> -> memref<125xi32, #tpu.memory_space<vmem>>
      %dma_start3A_220 = arith.constant 0 : i32
      %dma_start3A_221 = arith.constant 0 : i32
      %dma_start3A_222 = tpu.memref_slice %arg10[%dma_start3A_220, %dma_start3A_221] : memref<10000x128xbf16, #tpu.memory_space<vmem_shared>> -> memref<10000x128xbf16, #tpu.memory_space<vmem_shared>>
      tpu.enqueue_indirect_dma source(%dma_start3A_216 : memref<125x128xbf16, #tpu.memory_space<vmem>>) target(%dma_start3A_222 : memref<10000x128xbf16, #tpu.memory_space<vmem_shared>>) offsets(%dma_start3A_219 : memref<125xi32, #tpu.memory_space<vmem>>) semaphore(%arg20 : memref<!tpu.dma_semaphore, #tpu.memory_space<semaphore_mem>>) {add = true}
      %ge3A_223 = arith.constant 4 : i32
      %ge3A_224 = arith.cmpi sge, %add3A_199, %ge3A_223 : i32
      %convert_element_type3A_225 = arith.extui %ge3A_224 : i1 to i32
      %cond3A_226 = arith.constant 0 : i32
      %cond3A_227 = arith.cmpi ne, %convert_element_type3A_225, %cond3A_226 : i32
      scf.if %cond3A_227 {
        %dma_wait3A_455 = arith.constant 5 : i32
        %dma_wait3A_456 = arith.constant 0 : i32
        %dma_wait3A_457 = arith.constant 0 : i32
        %dma_wait3A_458 = arith.constant 0 : i32
        %dma_wait3A_459 = tpu.memref_slice %arg9[%dma_wait3A_455, %dma_wait3A_457, %dma_wait3A_458] : memref<8x125x128xbf16, #tpu.memory_space<vmem>> -> memref<1x125x128xbf16, #tpu.memory_space<vmem>>
        %dma_wait3A_460 = tpu.memref_squeeze %dma_wait3A_459 : memref<1x125x128xbf16, #tpu.memory_space<vmem>> -> memref<125x128xbf16, #tpu.memory_space<vmem>>
        %dma_wait3A_461 = arith.constant 0 : i32
        %dma_wait3A_462 = tpu.memref_slice %arg8[%dma_wait3A_456, %dma_wait3A_461] : memref<80x125xi32, #tpu.memory_space<vmem>> -> memref<1x125xi32, #tpu.memory_space<vmem>>
        %dma_wait3A_463 = tpu.memref_squeeze %dma_wait3A_462 : memref<1x125xi32, #tpu.memory_space<vmem>> -> memref<125xi32, #tpu.memory_space<vmem>>
        %dma_wait3A_464 = arith.constant 0 : i32
        %dma_wait3A_465 = arith.constant 0 : i32
        %dma_wait3A_466 = tpu.memref_slice %arg10[%dma_wait3A_464, %dma_wait3A_465] : memref<10000x128xbf16, #tpu.memory_space<vmem_shared>> -> memref<10000x128xbf16, #tpu.memory_space<vmem_shared>>
        tpu.wait_indirect_dma semaphore(%arg24 : memref<!tpu.dma_semaphore, #tpu.memory_space<semaphore_mem>>) src(%dma_wait3A_460 : memref<125x128xbf16, #tpu.memory_space<vmem>>) dst(%dma_wait3A_466 : memref<10000x128xbf16, #tpu.memory_space<vmem_shared>>)
      } else {
      }
      %le3A_228 = arith.constant 75 : i32
      %le3A_229 = arith.cmpi sle, %add3A_199, %le3A_228 : i32
      %convert_element_type3A_230 = arith.extui %le3A_229 : i1 to i32
      %cond3A_231 = arith.constant 0 : i32
      %cond3A_232 = arith.cmpi ne, %convert_element_type3A_230, %cond3A_231 : i32
      scf.if %cond3A_232 {
        %add3A_455 = arith.constant 4 : i32
        %add3A_456 = arith.addi %add3A_199, %add3A_455 : i32
        %dma_start3A_457 = arith.constant 5 : i32
        %dma_start3A_458 = arith.constant 0 : i32
        %dma_start3A_459 = arith.constant 0 : i32
        %dma_start3A_460 = tpu.memref_slice %arg9[%dma_start3A_457, %dma_start3A_458, %dma_start3A_459] : memref<8x125x128xbf16, #tpu.memory_space<vmem>> -> memref<1x125x128xbf16, #tpu.memory_space<vmem>>
        %dma_start3A_461 = tpu.memref_squeeze %dma_start3A_460 : memref<1x125x128xbf16, #tpu.memory_space<vmem>> -> memref<125x128xbf16, #tpu.memory_space<vmem>>
        %dma_start3A_462 = arith.constant 0 : i32
        %dma_start3A_463 = tpu.memref_slice %arg7[%add3A_456, %dma_start3A_462] : memref<80x125xi32, #tpu.memory_space<vmem>> -> memref<1x125xi32, #tpu.memory_space<vmem>>
        %dma_start3A_464 = tpu.memref_squeeze %dma_start3A_463 : memref<1x125xi32, #tpu.memory_space<vmem>> -> memref<125xi32, #tpu.memory_space<vmem>>
        %dma_start3A_465 = arith.constant 0 : i32
        %dma_start3A_466 = arith.constant 0 : i32
        %dma_start3A_467 = tpu.memref_slice %arg2[%dma_start3A_465, %dma_start3A_466] : memref<10000x128xbf16, #tpu.memory_space<hbm>> -> memref<10000x128xbf16, #tpu.memory_space<hbm>>
        tpu.enqueue_indirect_dma source(%dma_start3A_467 : memref<10000x128xbf16, #tpu.memory_space<hbm>>) target(%dma_start3A_461 : memref<125x128xbf16, #tpu.memory_space<vmem>>) offsets(%dma_start3A_464 : memref<125xi32, #tpu.memory_space<vmem>>) semaphore(%arg16 : memref<!tpu.dma_semaphore, #tpu.memory_space<semaphore_mem>>)
      } else {
      }
      %mul3A_233 = arith.constant 8 : i32
      %mul3A_234 = arith.muli %mul3A_233, %scan3A_160 : i32
      %add3A_235 = arith.constant 2 : i32
      %add3A_236 = arith.addi %mul3A_234, %add3A_235 : i32
      %dma_wait3A_237 = arith.constant 0 : i32
      %dma_wait3A_238 = arith.constant 2 : i32
      %dma_wait3A_239 = arith.constant 0 : i32
      %dma_wait3A_240 = arith.constant 0 : i32
      %dma_wait3A_241 = tpu.memref_slice %arg9[%dma_wait3A_238, %dma_wait3A_239, %dma_wait3A_240] : memref<8x125x128xbf16, #tpu.memory_space<vmem>> -> memref<1x125x128xbf16, #tpu.memory_space<vmem>>
      %dma_wait3A_242 = tpu.memref_squeeze %dma_wait3A_241 : memref<1x125x128xbf16, #tpu.memory_space<vmem>> -> memref<125x128xbf16, #tpu.memory_space<vmem>>
      %dma_wait3A_243 = arith.constant 0 : i32
      %dma_wait3A_244 = tpu.memref_slice %arg7[%dma_wait3A_237, %dma_wait3A_243] : memref<80x125xi32, #tpu.memory_space<vmem>> -> memref<1x125xi32, #tpu.memory_space<vmem>>
      %dma_wait3A_245 = tpu.memref_squeeze %dma_wait3A_244 : memref<1x125xi32, #tpu.memory_space<vmem>> -> memref<125xi32, #tpu.memory_space<vmem>>
      %dma_wait3A_246 = arith.constant 0 : i32
      %dma_wait3A_247 = arith.constant 0 : i32
      %dma_wait3A_248 = tpu.memref_slice %arg2[%dma_wait3A_246, %dma_wait3A_247] : memref<10000x128xbf16, #tpu.memory_space<hbm>> -> memref<10000x128xbf16, #tpu.memory_space<hbm>>
      tpu.wait_indirect_dma semaphore(%arg13 : memref<!tpu.dma_semaphore, #tpu.memory_space<semaphore_mem>>) src(%dma_wait3A_248 : memref<10000x128xbf16, #tpu.memory_space<hbm>>) dst(%dma_wait3A_242 : memref<125x128xbf16, #tpu.memory_space<vmem>>)
      %dma_start3A_249 = arith.constant 2 : i32
      %dma_start3A_250 = arith.constant 0 : i32
      %dma_start3A_251 = arith.constant 0 : i32
      %dma_start3A_252 = tpu.memref_slice %arg9[%dma_start3A_249, %dma_start3A_250, %dma_start3A_251] : memref<8x125x128xbf16, #tpu.memory_space<vmem>> -> memref<1x125x128xbf16, #tpu.memory_space<vmem>>
      %dma_start3A_253 = tpu.memref_squeeze %dma_start3A_252 : memref<1x125x128xbf16, #tpu.memory_space<vmem>> -> memref<125x128xbf16, #tpu.memory_space<vmem>>
      %dma_start3A_254 = arith.constant 0 : i32
      %dma_start3A_255 = tpu.memref_slice %arg8[%add3A_236, %dma_start3A_254] : memref<80x125xi32, #tpu.memory_space<vmem>> -> memref<1x125xi32, #tpu.memory_space<vmem>>
      %dma_start3A_256 = tpu.memref_squeeze %dma_start3A_255 : memref<1x125xi32, #tpu.memory_space<vmem>> -> memref<125xi32, #tpu.memory_space<vmem>>
      %dma_start3A_257 = arith.constant 0 : i32
      %dma_start3A_258 = arith.constant 0 : i32
      %dma_start3A_259 = tpu.memref_slice %arg10[%dma_start3A_257, %dma_start3A_258] : memref<10000x128xbf16, #tpu.memory_space<vmem_shared>> -> memref<10000x128xbf16, #tpu.memory_space<vmem_shared>>
      tpu.enqueue_indirect_dma source(%dma_start3A_253 : memref<125x128xbf16, #tpu.memory_space<vmem>>) target(%dma_start3A_259 : memref<10000x128xbf16, #tpu.memory_space<vmem_shared>>) offsets(%dma_start3A_256 : memref<125xi32, #tpu.memory_space<vmem>>) semaphore(%arg21 : memref<!tpu.dma_semaphore, #tpu.memory_space<semaphore_mem>>) {add = true}
      %ge3A_260 = arith.constant 4 : i32
      %ge3A_261 = arith.cmpi sge, %add3A_236, %ge3A_260 : i32
      %convert_element_type3A_262 = arith.extui %ge3A_261 : i1 to i32
      %cond3A_263 = arith.constant 0 : i32
      %cond3A_264 = arith.cmpi ne, %convert_element_type3A_262, %cond3A_263 : i32
      scf.if %cond3A_264 {
        %dma_wait3A_455 = arith.constant 6 : i32
        %dma_wait3A_456 = arith.constant 0 : i32
        %dma_wait3A_457 = arith.constant 0 : i32
        %dma_wait3A_458 = arith.constant 0 : i32
        %dma_wait3A_459 = tpu.memref_slice %arg9[%dma_wait3A_455, %dma_wait3A_457, %dma_wait3A_458] : memref<8x125x128xbf16, #tpu.memory_space<vmem>> -> memref<1x125x128xbf16, #tpu.memory_space<vmem>>
        %dma_wait3A_460 = tpu.memref_squeeze %dma_wait3A_459 : memref<1x125x128xbf16, #tpu.memory_space<vmem>> -> memref<125x128xbf16, #tpu.memory_space<vmem>>
        %dma_wait3A_461 = arith.constant 0 : i32
        %dma_wait3A_462 = tpu.memref_slice %arg8[%dma_wait3A_456, %dma_wait3A_461] : memref<80x125xi32, #tpu.memory_space<vmem>> -> memref<1x125xi32, #tpu.memory_space<vmem>>
        %dma_wait3A_463 = tpu.memref_squeeze %dma_wait3A_462 : memref<1x125xi32, #tpu.memory_space<vmem>> -> memref<125xi32, #tpu.memory_space<vmem>>
        %dma_wait3A_464 = arith.constant 0 : i32
        %dma_wait3A_465 = arith.constant 0 : i32
        %dma_wait3A_466 = tpu.memref_slice %arg10[%dma_wait3A_464, %dma_wait3A_465] : memref<10000x128xbf16, #tpu.memory_space<vmem_shared>> -> memref<10000x128xbf16, #tpu.memory_space<vmem_shared>>
        tpu.wait_indirect_dma semaphore(%arg25 : memref<!tpu.dma_semaphore, #tpu.memory_space<semaphore_mem>>) src(%dma_wait3A_460 : memref<125x128xbf16, #tpu.memory_space<vmem>>) dst(%dma_wait3A_466 : memref<10000x128xbf16, #tpu.memory_space<vmem_shared>>)
      } else {
      }
      %le3A_265 = arith.constant 75 : i32
      %le3A_266 = arith.cmpi sle, %add3A_236, %le3A_265 : i32
      %convert_element_type3A_267 = arith.extui %le3A_266 : i1 to i32
      %cond3A_268 = arith.constant 0 : i32
      %cond3A_269 = arith.cmpi ne, %convert_element_type3A_267, %cond3A_268 : i32
      scf.if %cond3A_269 {
        %add3A_455 = arith.constant 4 : i32
        %add3A_456 = arith.addi %add3A_236, %add3A_455 : i32
        %dma_start3A_457 = arith.constant 6 : i32
        %dma_start3A_458 = arith.constant 0 : i32
        %dma_start3A_459 = arith.constant 0 : i32
        %dma_start3A_460 = tpu.memref_slice %arg9[%dma_start3A_457, %dma_start3A_458, %dma_start3A_459] : memref<8x125x128xbf16, #tpu.memory_space<vmem>> -> memref<1x125x128xbf16, #tpu.memory_space<vmem>>
        %dma_start3A_461 = tpu.memref_squeeze %dma_start3A_460 : memref<1x125x128xbf16, #tpu.memory_space<vmem>> -> memref<125x128xbf16, #tpu.memory_space<vmem>>
        %dma_start3A_462 = arith.constant 0 : i32
        %dma_start3A_463 = tpu.memref_slice %arg7[%add3A_456, %dma_start3A_462] : memref<80x125xi32, #tpu.memory_space<vmem>> -> memref<1x125xi32, #tpu.memory_space<vmem>>
        %dma_start3A_464 = tpu.memref_squeeze %dma_start3A_463 : memref<1x125xi32, #tpu.memory_space<vmem>> -> memref<125xi32, #tpu.memory_space<vmem>>
        %dma_start3A_465 = arith.constant 0 : i32
        %dma_start3A_466 = arith.constant 0 : i32
        %dma_start3A_467 = tpu.memref_slice %arg2[%dma_start3A_465, %dma_start3A_466] : memref<10000x128xbf16, #tpu.memory_space<hbm>> -> memref<10000x128xbf16, #tpu.memory_space<hbm>>
        tpu.enqueue_indirect_dma source(%dma_start3A_467 : memref<10000x128xbf16, #tpu.memory_space<hbm>>) target(%dma_start3A_461 : memref<125x128xbf16, #tpu.memory_space<vmem>>) offsets(%dma_start3A_464 : memref<125xi32, #tpu.memory_space<vmem>>) semaphore(%arg17 : memref<!tpu.dma_semaphore, #tpu.memory_space<semaphore_mem>>)
      } else {
      }
      %mul3A_270 = arith.constant 8 : i32
      %mul3A_271 = arith.muli %mul3A_270, %scan3A_160 : i32
      %add3A_272 = arith.constant 3 : i32
      %add3A_273 = arith.addi %mul3A_271, %add3A_272 : i32
      %dma_wait3A_274 = arith.constant 0 : i32
      %dma_wait3A_275 = arith.constant 3 : i32
      %dma_wait3A_276 = arith.constant 0 : i32
      %dma_wait3A_277 = arith.constant 0 : i32
      %dma_wait3A_278 = tpu.memref_slice %arg9[%dma_wait3A_275, %dma_wait3A_276, %dma_wait3A_277] : memref<8x125x128xbf16, #tpu.memory_space<vmem>> -> memref<1x125x128xbf16, #tpu.memory_space<vmem>>
      %dma_wait3A_279 = tpu.memref_squeeze %dma_wait3A_278 : memref<1x125x128xbf16, #tpu.memory_space<vmem>> -> memref<125x128xbf16, #tpu.memory_space<vmem>>
      %dma_wait3A_280 = arith.constant 0 : i32
      %dma_wait3A_281 = tpu.memref_slice %arg7[%dma_wait3A_274, %dma_wait3A_280] : memref<80x125xi32, #tpu.memory_space<vmem>> -> memref<1x125xi32, #tpu.memory_space<vmem>>
      %dma_wait3A_282 = tpu.memref_squeeze %dma_wait3A_281 : memref<1x125xi32, #tpu.memory_space<vmem>> -> memref<125xi32, #tpu.memory_space<vmem>>
      %dma_wait3A_283 = arith.constant 0 : i32
      %dma_wait3A_284 = arith.constant 0 : i32
      %dma_wait3A_285 = tpu.memref_slice %arg2[%dma_wait3A_283, %dma_wait3A_284] : memref<10000x128xbf16, #tpu.memory_space<hbm>> -> memref<10000x128xbf16, #tpu.memory_space<hbm>>
      tpu.wait_indirect_dma semaphore(%arg14 : memref<!tpu.dma_semaphore, #tpu.memory_space<semaphore_mem>>) src(%dma_wait3A_285 : memref<10000x128xbf16, #tpu.memory_space<hbm>>) dst(%dma_wait3A_279 : memref<125x128xbf16, #tpu.memory_space<vmem>>)
      %dma_start3A_286 = arith.constant 3 : i32
      %dma_start3A_287 = arith.constant 0 : i32
      %dma_start3A_288 = arith.constant 0 : i32
      %dma_start3A_289 = tpu.memref_slice %arg9[%dma_start3A_286, %dma_start3A_287, %dma_start3A_288] : memref<8x125x128xbf16, #tpu.memory_space<vmem>> -> memref<1x125x128xbf16, #tpu.memory_space<vmem>>
      %dma_start3A_290 = tpu.memref_squeeze %dma_start3A_289 : memref<1x125x128xbf16, #tpu.memory_space<vmem>> -> memref<125x128xbf16, #tpu.memory_space<vmem>>
      %dma_start3A_291 = arith.constant 0 : i32
      %dma_start3A_292 = tpu.memref_slice %arg8[%add3A_273, %dma_start3A_291] : memref<80x125xi32, #tpu.memory_space<vmem>> -> memref<1x125xi32, #tpu.memory_space<vmem>>
      %dma_start3A_293 = tpu.memref_squeeze %dma_start3A_292 : memref<1x125xi32, #tpu.memory_space<vmem>> -> memref<125xi32, #tpu.memory_space<vmem>>
      %dma_start3A_294 = arith.constant 0 : i32
      %dma_start3A_295 = arith.constant 0 : i32
      %dma_start3A_296 = tpu.memref_slice %arg10[%dma_start3A_294, %dma_start3A_295] : memref<10000x128xbf16, #tpu.memory_space<vmem_shared>> -> memref<10000x128xbf16, #tpu.memory_space<vmem_shared>>
      tpu.enqueue_indirect_dma source(%dma_start3A_290 : memref<125x128xbf16, #tpu.memory_space<vmem>>) target(%dma_start3A_296 : memref<10000x128xbf16, #tpu.memory_space<vmem_shared>>) offsets(%dma_start3A_293 : memref<125xi32, #tpu.memory_space<vmem>>) semaphore(%arg22 : memref<!tpu.dma_semaphore, #tpu.memory_space<semaphore_mem>>) {add = true}
      %ge3A_297 = arith.constant 4 : i32
      %ge3A_298 = arith.cmpi sge, %add3A_273, %ge3A_297 : i32
      %convert_element_type3A_299 = arith.extui %ge3A_298 : i1 to i32
      %cond3A_300 = arith.constant 0 : i32
      %cond3A_301 = arith.cmpi ne, %convert_element_type3A_299, %cond3A_300 : i32
      scf.if %cond3A_301 {
        %dma_wait3A_455 = arith.constant 7 : i32
        %dma_wait3A_456 = arith.constant 0 : i32
        %dma_wait3A_457 = arith.constant 0 : i32
        %dma_wait3A_458 = arith.constant 0 : i32
        %dma_wait3A_459 = tpu.memref_slice %arg9[%dma_wait3A_455, %dma_wait3A_457, %dma_wait3A_458] : memref<8x125x128xbf16, #tpu.memory_space<vmem>> -> memref<1x125x128xbf16, #tpu.memory_space<vmem>>
        %dma_wait3A_460 = tpu.memref_squeeze %dma_wait3A_459 : memref<1x125x128xbf16, #tpu.memory_space<vmem>> -> memref<125x128xbf16, #tpu.memory_space<vmem>>
        %dma_wait3A_461 = arith.constant 0 : i32
        %dma_wait3A_462 = tpu.memref_slice %arg8[%dma_wait3A_456, %dma_wait3A_461] : memref<80x125xi32, #tpu.memory_space<vmem>> -> memref<1x125xi32, #tpu.memory_space<vmem>>
        %dma_wait3A_463 = tpu.memref_squeeze %dma_wait3A_462 : memref<1x125xi32, #tpu.memory_space<vmem>> -> memref<125xi32, #tpu.memory_space<vmem>>
        %dma_wait3A_464 = arith.constant 0 : i32
        %dma_wait3A_465 = arith.constant 0 : i32
        %dma_wait3A_466 = tpu.memref_slice %arg10[%dma_wait3A_464, %dma_wait3A_465] : memref<10000x128xbf16, #tpu.memory_space<vmem_shared>> -> memref<10000x128xbf16, #tpu.memory_space<vmem_shared>>
        tpu.wait_indirect_dma semaphore(%arg26 : memref<!tpu.dma_semaphore, #tpu.memory_space<semaphore_mem>>) src(%dma_wait3A_460 : memref<125x128xbf16, #tpu.memory_space<vmem>>) dst(%dma_wait3A_466 : memref<10000x128xbf16, #tpu.memory_space<vmem_shared>>)
      } else {
      }
      %le3A_302 = arith.constant 75 : i32
      %le3A_303 = arith.cmpi sle, %add3A_273, %le3A_302 : i32
      %convert_element_type3A_304 = arith.extui %le3A_303 : i1 to i32
      %cond3A_305 = arith.constant 0 : i32
      %cond3A_306 = arith.cmpi ne, %convert_element_type3A_304, %cond3A_305 : i32
      scf.if %cond3A_306 {
        %add3A_455 = arith.constant 4 : i32
        %add3A_456 = arith.addi %add3A_273, %add3A_455 : i32
        %dma_start3A_457 = arith.constant 7 : i32
        %dma_start3A_458 = arith.constant 0 : i32
        %dma_start3A_459 = arith.constant 0 : i32
        %dma_start3A_460 = tpu.memref_slice %arg9[%dma_start3A_457, %dma_start3A_458, %dma_start3A_459] : memref<8x125x128xbf16, #tpu.memory_space<vmem>> -> memref<1x125x128xbf16, #tpu.memory_space<vmem>>
        %dma_start3A_461 = tpu.memref_squeeze %dma_start3A_460 : memref<1x125x128xbf16, #tpu.memory_space<vmem>> -> memref<125x128xbf16, #tpu.memory_space<vmem>>
        %dma_start3A_462 = arith.constant 0 : i32
        %dma_start3A_463 = tpu.memref_slice %arg7[%add3A_456, %dma_start3A_462] : memref<80x125xi32, #tpu.memory_space<vmem>> -> memref<1x125xi32, #tpu.memory_space<vmem>>
        %dma_start3A_464 = tpu.memref_squeeze %dma_start3A_463 : memref<1x125xi32, #tpu.memory_space<vmem>> -> memref<125xi32, #tpu.memory_space<vmem>>
        %dma_start3A_465 = arith.constant 0 : i32
        %dma_start3A_466 = arith.constant 0 : i32
        %dma_start3A_467 = tpu.memref_slice %arg2[%dma_start3A_465, %dma_start3A_466] : memref<10000x128xbf16, #tpu.memory_space<hbm>> -> memref<10000x128xbf16, #tpu.memory_space<hbm>>
        tpu.enqueue_indirect_dma source(%dma_start3A_467 : memref<10000x128xbf16, #tpu.memory_space<hbm>>) target(%dma_start3A_461 : memref<125x128xbf16, #tpu.memory_space<vmem>>) offsets(%dma_start3A_464 : memref<125xi32, #tpu.memory_space<vmem>>) semaphore(%arg18 : memref<!tpu.dma_semaphore, #tpu.memory_space<semaphore_mem>>)
      } else {
      }
      %mul3A_307 = arith.constant 8 : i32
      %mul3A_308 = arith.muli %mul3A_307, %scan3A_160 : i32
      %add3A_309 = arith.constant 4 : i32
      %add3A_310 = arith.addi %mul3A_308, %add3A_309 : i32
      %dma_wait3A_311 = arith.constant 0 : i32
      %dma_wait3A_312 = arith.constant 4 : i32
      %dma_wait3A_313 = arith.constant 0 : i32
      %dma_wait3A_314 = arith.constant 0 : i32
      %dma_wait3A_315 = tpu.memref_slice %arg9[%dma_wait3A_312, %dma_wait3A_313, %dma_wait3A_314] : memref<8x125x128xbf16, #tpu.memory_space<vmem>> -> memref<1x125x128xbf16, #tpu.memory_space<vmem>>
      %dma_wait3A_316 = tpu.memref_squeeze %dma_wait3A_315 : memref<1x125x128xbf16, #tpu.memory_space<vmem>> -> memref<125x128xbf16, #tpu.memory_space<vmem>>
      %dma_wait3A_317 = arith.constant 0 : i32
      %dma_wait3A_318 = tpu.memref_slice %arg7[%dma_wait3A_311, %dma_wait3A_317] : memref<80x125xi32, #tpu.memory_space<vmem>> -> memref<1x125xi32, #tpu.memory_space<vmem>>
      %dma_wait3A_319 = tpu.memref_squeeze %dma_wait3A_318 : memref<1x125xi32, #tpu.memory_space<vmem>> -> memref<125xi32, #tpu.memory_space<vmem>>
      %dma_wait3A_320 = arith.constant 0 : i32
      %dma_wait3A_321 = arith.constant 0 : i32
      %dma_wait3A_322 = tpu.memref_slice %arg2[%dma_wait3A_320, %dma_wait3A_321] : memref<10000x128xbf16, #tpu.memory_space<hbm>> -> memref<10000x128xbf16, #tpu.memory_space<hbm>>
      tpu.wait_indirect_dma semaphore(%arg15 : memref<!tpu.dma_semaphore, #tpu.memory_space<semaphore_mem>>) src(%dma_wait3A_322 : memref<10000x128xbf16, #tpu.memory_space<hbm>>) dst(%dma_wait3A_316 : memref<125x128xbf16, #tpu.memory_space<vmem>>)
      %dma_start3A_323 = arith.constant 4 : i32
      %dma_start3A_324 = arith.constant 0 : i32
      %dma_start3A_325 = arith.constant 0 : i32
      %dma_start3A_326 = tpu.memref_slice %arg9[%dma_start3A_323, %dma_start3A_324, %dma_start3A_325] : memref<8x125x128xbf16, #tpu.memory_space<vmem>> -> memref<1x125x128xbf16, #tpu.memory_space<vmem>>
      %dma_start3A_327 = tpu.memref_squeeze %dma_start3A_326 : memref<1x125x128xbf16, #tpu.memory_space<vmem>> -> memref<125x128xbf16, #tpu.memory_space<vmem>>
      %dma_start3A_328 = arith.constant 0 : i32
      %dma_start3A_329 = tpu.memref_slice %arg8[%add3A_310, %dma_start3A_328] : memref<80x125xi32, #tpu.memory_space<vmem>> -> memref<1x125xi32, #tpu.memory_space<vmem>>
      %dma_start3A_330 = tpu.memref_squeeze %dma_start3A_329 : memref<1x125xi32, #tpu.memory_space<vmem>> -> memref<125xi32, #tpu.memory_space<vmem>>
      %dma_start3A_331 = arith.constant 0 : i32
      %dma_start3A_332 = arith.constant 0 : i32
      %dma_start3A_333 = tpu.memref_slice %arg10[%dma_start3A_331, %dma_start3A_332] : memref<10000x128xbf16, #tpu.memory_space<vmem_shared>> -> memref<10000x128xbf16, #tpu.memory_space<vmem_shared>>
      tpu.enqueue_indirect_dma source(%dma_start3A_327 : memref<125x128xbf16, #tpu.memory_space<vmem>>) target(%dma_start3A_333 : memref<10000x128xbf16, #tpu.memory_space<vmem_shared>>) offsets(%dma_start3A_330 : memref<125xi32, #tpu.memory_space<vmem>>) semaphore(%arg23 : memref<!tpu.dma_semaphore, #tpu.memory_space<semaphore_mem>>) {add = true}
      %ge3A_334 = arith.constant 4 : i32
      %ge3A_335 = arith.cmpi sge, %add3A_310, %ge3A_334 : i32
      %convert_element_type3A_336 = arith.extui %ge3A_335 : i1 to i32
      %cond3A_337 = arith.constant 0 : i32
      %cond3A_338 = arith.cmpi ne, %convert_element_type3A_336, %cond3A_337 : i32
      scf.if %cond3A_338 {
        %dma_wait3A_455 = arith.constant 0 : i32
        %dma_wait3A_456 = arith.constant 0 : i32
        %dma_wait3A_457 = arith.constant 0 : i32
        %dma_wait3A_458 = arith.constant 0 : i32
        %dma_wait3A_459 = tpu.memref_slice %arg9[%dma_wait3A_455, %dma_wait3A_457, %dma_wait3A_458] : memref<8x125x128xbf16, #tpu.memory_space<vmem>> -> memref<1x125x128xbf16, #tpu.memory_space<vmem>>
        %dma_wait3A_460 = tpu.memref_squeeze %dma_wait3A_459 : memref<1x125x128xbf16, #tpu.memory_space<vmem>> -> memref<125x128xbf16, #tpu.memory_space<vmem>>
        %dma_wait3A_461 = arith.constant 0 : i32
        %dma_wait3A_462 = tpu.memref_slice %arg8[%dma_wait3A_456, %dma_wait3A_461] : memref<80x125xi32, #tpu.memory_space<vmem>> -> memref<1x125xi32, #tpu.memory_space<vmem>>
        %dma_wait3A_463 = tpu.memref_squeeze %dma_wait3A_462 : memref<1x125xi32, #tpu.memory_space<vmem>> -> memref<125xi32, #tpu.memory_space<vmem>>
        %dma_wait3A_464 = arith.constant 0 : i32
        %dma_wait3A_465 = arith.constant 0 : i32
        %dma_wait3A_466 = tpu.memref_slice %arg10[%dma_wait3A_464, %dma_wait3A_465] : memref<10000x128xbf16, #tpu.memory_space<vmem_shared>> -> memref<10000x128xbf16, #tpu.memory_space<vmem_shared>>
        tpu.wait_indirect_dma semaphore(%arg19 : memref<!tpu.dma_semaphore, #tpu.memory_space<semaphore_mem>>) src(%dma_wait3A_460 : memref<125x128xbf16, #tpu.memory_space<vmem>>) dst(%dma_wait3A_466 : memref<10000x128xbf16, #tpu.memory_space<vmem_shared>>)
      } else {
      }
      %le3A_339 = arith.constant 75 : i32
      %le3A_340 = arith.cmpi sle, %add3A_310, %le3A_339 : i32
      %convert_element_type3A_341 = arith.extui %le3A_340 : i1 to i32
      %cond3A_342 = arith.constant 0 : i32
      %cond3A_343 = arith.cmpi ne, %convert_element_type3A_341, %cond3A_342 : i32
      scf.if %cond3A_343 {
        %add3A_455 = arith.constant 4 : i32
        %add3A_456 = arith.addi %add3A_310, %add3A_455 : i32
        %dma_start3A_457 = arith.constant 0 : i32
        %dma_start3A_458 = arith.constant 0 : i32
        %dma_start3A_459 = arith.constant 0 : i32
        %dma_start3A_460 = tpu.memref_slice %arg9[%dma_start3A_457, %dma_start3A_458, %dma_start3A_459] : memref<8x125x128xbf16, #tpu.memory_space<vmem>> -> memref<1x125x128xbf16, #tpu.memory_space<vmem>>
        %dma_start3A_461 = tpu.memref_squeeze %dma_start3A_460 : memref<1x125x128xbf16, #tpu.memory_space<vmem>> -> memref<125x128xbf16, #tpu.memory_space<vmem>>
        %dma_start3A_462 = arith.constant 0 : i32
        %dma_start3A_463 = tpu.memref_slice %arg7[%add3A_456, %dma_start3A_462] : memref<80x125xi32, #tpu.memory_space<vmem>> -> memref<1x125xi32, #tpu.memory_space<vmem>>
        %dma_start3A_464 = tpu.memref_squeeze %dma_start3A_463 : memref<1x125xi32, #tpu.memory_space<vmem>> -> memref<125xi32, #tpu.memory_space<vmem>>
        %dma_start3A_465 = arith.constant 0 : i32
        %dma_start3A_466 = arith.constant 0 : i32
        %dma_start3A_467 = tpu.memref_slice %arg2[%dma_start3A_465, %dma_start3A_466] : memref<10000x128xbf16, #tpu.memory_space<hbm>> -> memref<10000x128xbf16, #tpu.memory_space<hbm>>
        tpu.enqueue_indirect_dma source(%dma_start3A_467 : memref<10000x128xbf16, #tpu.memory_space<hbm>>) target(%dma_start3A_461 : memref<125x128xbf16, #tpu.memory_space<vmem>>) offsets(%dma_start3A_464 : memref<125xi32, #tpu.memory_space<vmem>>) semaphore(%arg11 : memref<!tpu.dma_semaphore, #tpu.memory_space<semaphore_mem>>)
      } else {
      }
      %mul3A_344 = arith.constant 8 : i32
      %mul3A_345 = arith.muli %mul3A_344, %scan3A_160 : i32
      %add3A_346 = arith.constant 5 : i32
      %add3A_347 = arith.addi %mul3A_345, %add3A_346 : i32
      %dma_wait3A_348 = arith.constant 0 : i32
      %dma_wait3A_349 = arith.constant 5 : i32
      %dma_wait3A_350 = arith.constant 0 : i32
      %dma_wait3A_351 = arith.constant 0 : i32
      %dma_wait3A_352 = tpu.memref_slice %arg9[%dma_wait3A_349, %dma_wait3A_350, %dma_wait3A_351] : memref<8x125x128xbf16, #tpu.memory_space<vmem>> -> memref<1x125x128xbf16, #tpu.memory_space<vmem>>
      %dma_wait3A_353 = tpu.memref_squeeze %dma_wait3A_352 : memref<1x125x128xbf16, #tpu.memory_space<vmem>> -> memref<125x128xbf16, #tpu.memory_space<vmem>>
      %dma_wait3A_354 = arith.constant 0 : i32
      %dma_wait3A_355 = tpu.memref_slice %arg7[%dma_wait3A_348, %dma_wait3A_354] : memref<80x125xi32, #tpu.memory_space<vmem>> -> memref<1x125xi32, #tpu.memory_space<vmem>>
      %dma_wait3A_356 = tpu.memref_squeeze %dma_wait3A_355 : memref<1x125xi32, #tpu.memory_space<vmem>> -> memref<125xi32, #tpu.memory_space<vmem>>
      %dma_wait3A_357 = arith.constant 0 : i32
      %dma_wait3A_358 = arith.constant 0 : i32
      %dma_wait3A_359 = tpu.memref_slice %arg2[%dma_wait3A_357, %dma_wait3A_358] : memref<10000x128xbf16, #tpu.memory_space<hbm>> -> memref<10000x128xbf16, #tpu.memory_space<hbm>>
      tpu.wait_indirect_dma semaphore(%arg16 : memref<!tpu.dma_semaphore, #tpu.memory_space<semaphore_mem>>) src(%dma_wait3A_359 : memref<10000x128xbf16, #tpu.memory_space<hbm>>) dst(%dma_wait3A_353 : memref<125x128xbf16, #tpu.memory_space<vmem>>)
      %dma_start3A_360 = arith.constant 5 : i32
      %dma_start3A_361 = arith.constant 0 : i32
      %dma_start3A_362 = arith.constant 0 : i32
      %dma_start3A_363 = tpu.memref_slice %arg9[%dma_start3A_360, %dma_start3A_361, %dma_start3A_362] : memref<8x125x128xbf16, #tpu.memory_space<vmem>> -> memref<1x125x128xbf16, #tpu.memory_space<vmem>>
      %dma_start3A_364 = tpu.memref_squeeze %dma_start3A_363 : memref<1x125x128xbf16, #tpu.memory_space<vmem>> -> memref<125x128xbf16, #tpu.memory_space<vmem>>
      %dma_start3A_365 = arith.constant 0 : i32
      %dma_start3A_366 = tpu.memref_slice %arg8[%add3A_347, %dma_start3A_365] : memref<80x125xi32, #tpu.memory_space<vmem>> -> memref<1x125xi32, #tpu.memory_space<vmem>>
      %dma_start3A_367 = tpu.memref_squeeze %dma_start3A_366 : memref<1x125xi32, #tpu.memory_space<vmem>> -> memref<125xi32, #tpu.memory_space<vmem>>
      %dma_start3A_368 = arith.constant 0 : i32
      %dma_start3A_369 = arith.constant 0 : i32
      %dma_start3A_370 = tpu.memref_slice %arg10[%dma_start3A_368, %dma_start3A_369] : memref<10000x128xbf16, #tpu.memory_space<vmem_shared>> -> memref<10000x128xbf16, #tpu.memory_space<vmem_shared>>
      tpu.enqueue_indirect_dma source(%dma_start3A_364 : memref<125x128xbf16, #tpu.memory_space<vmem>>) target(%dma_start3A_370 : memref<10000x128xbf16, #tpu.memory_space<vmem_shared>>) offsets(%dma_start3A_367 : memref<125xi32, #tpu.memory_space<vmem>>) semaphore(%arg24 : memref<!tpu.dma_semaphore, #tpu.memory_space<semaphore_mem>>) {add = true}
      %ge3A_371 = arith.constant 4 : i32
      %ge3A_372 = arith.cmpi sge, %add3A_347, %ge3A_371 : i32
      %convert_element_type3A_373 = arith.extui %ge3A_372 : i1 to i32
      %cond3A_374 = arith.constant 0 : i32
      %cond3A_375 = arith.cmpi ne, %convert_element_type3A_373, %cond3A_374 : i32
      scf.if %cond3A_375 {
        %dma_wait3A_455 = arith.constant 1 : i32
        %dma_wait3A_456 = arith.constant 0 : i32
        %dma_wait3A_457 = arith.constant 0 : i32
        %dma_wait3A_458 = arith.constant 0 : i32
        %dma_wait3A_459 = tpu.memref_slice %arg9[%dma_wait3A_455, %dma_wait3A_457, %dma_wait3A_458] : memref<8x125x128xbf16, #tpu.memory_space<vmem>> -> memref<1x125x128xbf16, #tpu.memory_space<vmem>>
        %dma_wait3A_460 = tpu.memref_squeeze %dma_wait3A_459 : memref<1x125x128xbf16, #tpu.memory_space<vmem>> -> memref<125x128xbf16, #tpu.memory_space<vmem>>
        %dma_wait3A_461 = arith.constant 0 : i32
        %dma_wait3A_462 = tpu.memref_slice %arg8[%dma_wait3A_456, %dma_wait3A_461] : memref<80x125xi32, #tpu.memory_space<vmem>> -> memref<1x125xi32, #tpu.memory_space<vmem>>
        %dma_wait3A_463 = tpu.memref_squeeze %dma_wait3A_462 : memref<1x125xi32, #tpu.memory_space<vmem>> -> memref<125xi32, #tpu.memory_space<vmem>>
        %dma_wait3A_464 = arith.constant 0 : i32
        %dma_wait3A_465 = arith.constant 0 : i32
        %dma_wait3A_466 = tpu.memref_slice %arg10[%dma_wait3A_464, %dma_wait3A_465] : memref<10000x128xbf16, #tpu.memory_space<vmem_shared>> -> memref<10000x128xbf16, #tpu.memory_space<vmem_shared>>
        tpu.wait_indirect_dma semaphore(%arg20 : memref<!tpu.dma_semaphore, #tpu.memory_space<semaphore_mem>>) src(%dma_wait3A_460 : memref<125x128xbf16, #tpu.memory_space<vmem>>) dst(%dma_wait3A_466 : memref<10000x128xbf16, #tpu.memory_space<vmem_shared>>)
      } else {
      }
      %le3A_376 = arith.constant 75 : i32
      %le3A_377 = arith.cmpi sle, %add3A_347, %le3A_376 : i32
      %convert_element_type3A_378 = arith.extui %le3A_377 : i1 to i32
      %cond3A_379 = arith.constant 0 : i32
      %cond3A_380 = arith.cmpi ne, %convert_element_type3A_378, %cond3A_379 : i32
      scf.if %cond3A_380 {
        %add3A_455 = arith.constant 4 : i32
        %add3A_456 = arith.addi %add3A_347, %add3A_455 : i32
        %dma_start3A_457 = arith.constant 1 : i32
        %dma_start3A_458 = arith.constant 0 : i32
        %dma_start3A_459 = arith.constant 0 : i32
        %dma_start3A_460 = tpu.memref_slice %arg9[%dma_start3A_457, %dma_start3A_458, %dma_start3A_459] : memref<8x125x128xbf16, #tpu.memory_space<vmem>> -> memref<1x125x128xbf16, #tpu.memory_space<vmem>>
        %dma_start3A_461 = tpu.memref_squeeze %dma_start3A_460 : memref<1x125x128xbf16, #tpu.memory_space<vmem>> -> memref<125x128xbf16, #tpu.memory_space<vmem>>
        %dma_start3A_462 = arith.constant 0 : i32
        %dma_start3A_463 = tpu.memref_slice %arg7[%add3A_456, %dma_start3A_462] : memref<80x125xi32, #tpu.memory_space<vmem>> -> memref<1x125xi32, #tpu.memory_space<vmem>>
        %dma_start3A_464 = tpu.memref_squeeze %dma_start3A_463 : memref<1x125xi32, #tpu.memory_space<vmem>> -> memref<125xi32, #tpu.memory_space<vmem>>
        %dma_start3A_465 = arith.constant 0 : i32
        %dma_start3A_466 = arith.constant 0 : i32
        %dma_start3A_467 = tpu.memref_slice %arg2[%dma_start3A_465, %dma_start3A_466] : memref<10000x128xbf16, #tpu.memory_space<hbm>> -> memref<10000x128xbf16, #tpu.memory_space<hbm>>
        tpu.enqueue_indirect_dma source(%dma_start3A_467 : memref<10000x128xbf16, #tpu.memory_space<hbm>>) target(%dma_start3A_461 : memref<125x128xbf16, #tpu.memory_space<vmem>>) offsets(%dma_start3A_464 : memref<125xi32, #tpu.memory_space<vmem>>) semaphore(%arg12 : memref<!tpu.dma_semaphore, #tpu.memory_space<semaphore_mem>>)
      } else {
      }
      %mul3A_381 = arith.constant 8 : i32
      %mul3A_382 = arith.muli %mul3A_381, %scan3A_160 : i32
      %add3A_383 = arith.constant 6 : i32
      %add3A_384 = arith.addi %mul3A_382, %add3A_383 : i32
      %dma_wait3A_385 = arith.constant 0 : i32
      %dma_wait3A_386 = arith.constant 6 : i32
      %dma_wait3A_387 = arith.constant 0 : i32
      %dma_wait3A_388 = arith.constant 0 : i32
      %dma_wait3A_389 = tpu.memref_slice %arg9[%dma_wait3A_386, %dma_wait3A_387, %dma_wait3A_388] : memref<8x125x128xbf16, #tpu.memory_space<vmem>> -> memref<1x125x128xbf16, #tpu.memory_space<vmem>>
      %dma_wait3A_390 = tpu.memref_squeeze %dma_wait3A_389 : memref<1x125x128xbf16, #tpu.memory_space<vmem>> -> memref<125x128xbf16, #tpu.memory_space<vmem>>
      %dma_wait3A_391 = arith.constant 0 : i32
      %dma_wait3A_392 = tpu.memref_slice %arg7[%dma_wait3A_385, %dma_wait3A_391] : memref<80x125xi32, #tpu.memory_space<vmem>> -> memref<1x125xi32, #tpu.memory_space<vmem>>
      %dma_wait3A_393 = tpu.memref_squeeze %dma_wait3A_392 : memref<1x125xi32, #tpu.memory_space<vmem>> -> memref<125xi32, #tpu.memory_space<vmem>>
      %dma_wait3A_394 = arith.constant 0 : i32
      %dma_wait3A_395 = arith.constant 0 : i32
      %dma_wait3A_396 = tpu.memref_slice %arg2[%dma_wait3A_394, %dma_wait3A_395] : memref<10000x128xbf16, #tpu.memory_space<hbm>> -> memref<10000x128xbf16, #tpu.memory_space<hbm>>
      tpu.wait_indirect_dma semaphore(%arg17 : memref<!tpu.dma_semaphore, #tpu.memory_space<semaphore_mem>>) src(%dma_wait3A_396 : memref<10000x128xbf16, #tpu.memory_space<hbm>>) dst(%dma_wait3A_390 : memref<125x128xbf16, #tpu.memory_space<vmem>>)
      %dma_start3A_397 = arith.constant 6 : i32
      %dma_start3A_398 = arith.constant 0 : i32
      %dma_start3A_399 = arith.constant 0 : i32
      %dma_start3A_400 = tpu.memref_slice %arg9[%dma_start3A_397, %dma_start3A_398, %dma_start3A_399] : memref<8x125x128xbf16, #tpu.memory_space<vmem>> -> memref<1x125x128xbf16, #tpu.memory_space<vmem>>
      %dma_start3A_401 = tpu.memref_squeeze %dma_start3A_400 : memref<1x125x128xbf16, #tpu.memory_space<vmem>> -> memref<125x128xbf16, #tpu.memory_space<vmem>>
      %dma_start3A_402 = arith.constant 0 : i32
      %dma_start3A_403 = tpu.memref_slice %arg8[%add3A_384, %dma_start3A_402] : memref<80x125xi32, #tpu.memory_space<vmem>> -> memref<1x125xi32, #tpu.memory_space<vmem>>
      %dma_start3A_404 = tpu.memref_squeeze %dma_start3A_403 : memref<1x125xi32, #tpu.memory_space<vmem>> -> memref<125xi32, #tpu.memory_space<vmem>>
      %dma_start3A_405 = arith.constant 0 : i32
      %dma_start3A_406 = arith.constant 0 : i32
      %dma_start3A_407 = tpu.memref_slice %arg10[%dma_start3A_405, %dma_start3A_406] : memref<10000x128xbf16, #tpu.memory_space<vmem_shared>> -> memref<10000x128xbf16, #tpu.memory_space<vmem_shared>>
      tpu.enqueue_indirect_dma source(%dma_start3A_401 : memref<125x128xbf16, #tpu.memory_space<vmem>>) target(%dma_start3A_407 : memref<10000x128xbf16, #tpu.memory_space<vmem_shared>>) offsets(%dma_start3A_404 : memref<125xi32, #tpu.memory_space<vmem>>) semaphore(%arg25 : memref<!tpu.dma_semaphore, #tpu.memory_space<semaphore_mem>>) {add = true}
      %ge3A_408 = arith.constant 4 : i32
      %ge3A_409 = arith.cmpi sge, %add3A_384, %ge3A_408 : i32
      %convert_element_type3A_410 = arith.extui %ge3A_409 : i1 to i32
      %cond3A_411 = arith.constant 0 : i32
      %cond3A_412 = arith.cmpi ne, %convert_element_type3A_410, %cond3A_411 : i32
      scf.if %cond3A_412 {
        %dma_wait3A_455 = arith.constant 2 : i32
        %dma_wait3A_456 = arith.constant 0 : i32
        %dma_wait3A_457 = arith.constant 0 : i32
        %dma_wait3A_458 = arith.constant 0 : i32
        %dma_wait3A_459 = tpu.memref_slice %arg9[%dma_wait3A_455, %dma_wait3A_457, %dma_wait3A_458] : memref<8x125x128xbf16, #tpu.memory_space<vmem>> -> memref<1x125x128xbf16, #tpu.memory_space<vmem>>
        %dma_wait3A_460 = tpu.memref_squeeze %dma_wait3A_459 : memref<1x125x128xbf16, #tpu.memory_space<vmem>> -> memref<125x128xbf16, #tpu.memory_space<vmem>>
        %dma_wait3A_461 = arith.constant 0 : i32
        %dma_wait3A_462 = tpu.memref_slice %arg8[%dma_wait3A_456, %dma_wait3A_461] : memref<80x125xi32, #tpu.memory_space<vmem>> -> memref<1x125xi32, #tpu.memory_space<vmem>>
        %dma_wait3A_463 = tpu.memref_squeeze %dma_wait3A_462 : memref<1x125xi32, #tpu.memory_space<vmem>> -> memref<125xi32, #tpu.memory_space<vmem>>
        %dma_wait3A_464 = arith.constant 0 : i32
        %dma_wait3A_465 = arith.constant 0 : i32
        %dma_wait3A_466 = tpu.memref_slice %arg10[%dma_wait3A_464, %dma_wait3A_465] : memref<10000x128xbf16, #tpu.memory_space<vmem_shared>> -> memref<10000x128xbf16, #tpu.memory_space<vmem_shared>>
        tpu.wait_indirect_dma semaphore(%arg21 : memref<!tpu.dma_semaphore, #tpu.memory_space<semaphore_mem>>) src(%dma_wait3A_460 : memref<125x128xbf16, #tpu.memory_space<vmem>>) dst(%dma_wait3A_466 : memref<10000x128xbf16, #tpu.memory_space<vmem_shared>>)
      } else {
      }
      %le3A_413 = arith.constant 75 : i32
      %le3A_414 = arith.cmpi sle, %add3A_384, %le3A_413 : i32
      %convert_element_type3A_415 = arith.extui %le3A_414 : i1 to i32
      %cond3A_416 = arith.constant 0 : i32
      %cond3A_417 = arith.cmpi ne, %convert_element_type3A_415, %cond3A_416 : i32
      scf.if %cond3A_417 {
        %add3A_455 = arith.constant 4 : i32
        %add3A_456 = arith.addi %add3A_384, %add3A_455 : i32
        %dma_start3A_457 = arith.constant 2 : i32
        %dma_start3A_458 = arith.constant 0 : i32
        %dma_start3A_459 = arith.constant 0 : i32
        %dma_start3A_460 = tpu.memref_slice %arg9[%dma_start3A_457, %dma_start3A_458, %dma_start3A_459] : memref<8x125x128xbf16, #tpu.memory_space<vmem>> -> memref<1x125x128xbf16, #tpu.memory_space<vmem>>
        %dma_start3A_461 = tpu.memref_squeeze %dma_start3A_460 : memref<1x125x128xbf16, #tpu.memory_space<vmem>> -> memref<125x128xbf16, #tpu.memory_space<vmem>>
        %dma_start3A_462 = arith.constant 0 : i32
        %dma_start3A_463 = tpu.memref_slice %arg7[%add3A_456, %dma_start3A_462] : memref<80x125xi32, #tpu.memory_space<vmem>> -> memref<1x125xi32, #tpu.memory_space<vmem>>
        %dma_start3A_464 = tpu.memref_squeeze %dma_start3A_463 : memref<1x125xi32, #tpu.memory_space<vmem>> -> memref<125xi32, #tpu.memory_space<vmem>>
        %dma_start3A_465 = arith.constant 0 : i32
        %dma_start3A_466 = arith.constant 0 : i32
        %dma_start3A_467 = tpu.memref_slice %arg2[%dma_start3A_465, %dma_start3A_466] : memref<10000x128xbf16, #tpu.memory_space<hbm>> -> memref<10000x128xbf16, #tpu.memory_space<hbm>>
        tpu.enqueue_indirect_dma source(%dma_start3A_467 : memref<10000x128xbf16, #tpu.memory_space<hbm>>) target(%dma_start3A_461 : memref<125x128xbf16, #tpu.memory_space<vmem>>) offsets(%dma_start3A_464 : memref<125xi32, #tpu.memory_space<vmem>>) semaphore(%arg13 : memref<!tpu.dma_semaphore, #tpu.memory_space<semaphore_mem>>)
      } else {
      }
      %mul3A_418 = arith.constant 8 : i32
      %mul3A_419 = arith.muli %mul3A_418, %scan3A_160 : i32
      %add3A_420 = arith.constant 7 : i32
      %add3A_421 = arith.addi %mul3A_419, %add3A_420 : i32
      %dma_wait3A_422 = arith.constant 0 : i32
      %dma_wait3A_423 = arith.constant 7 : i32
      %dma_wait3A_424 = arith.constant 0 : i32
      %dma_wait3A_425 = arith.constant 0 : i32
      %dma_wait3A_426 = tpu.memref_slice %arg9[%dma_wait3A_423, %dma_wait3A_424, %dma_wait3A_425] : memref<8x125x128xbf16, #tpu.memory_space<vmem>> -> memref<1x125x128xbf16, #tpu.memory_space<vmem>>
      %dma_wait3A_427 = tpu.memref_squeeze %dma_wait3A_426 : memref<1x125x128xbf16, #tpu.memory_space<vmem>> -> memref<125x128xbf16, #tpu.memory_space<vmem>>
      %dma_wait3A_428 = arith.constant 0 : i32
      %dma_wait3A_429 = tpu.memref_slice %arg7[%dma_wait3A_422, %dma_wait3A_428] : memref<80x125xi32, #tpu.memory_space<vmem>> -> memref<1x125xi32, #tpu.memory_space<vmem>>
      %dma_wait3A_430 = tpu.memref_squeeze %dma_wait3A_429 : memref<1x125xi32, #tpu.memory_space<vmem>> -> memref<125xi32, #tpu.memory_space<vmem>>
      %dma_wait3A_431 = arith.constant 0 : i32
      %dma_wait3A_432 = arith.constant 0 : i32
      %dma_wait3A_433 = tpu.memref_slice %arg2[%dma_wait3A_431, %dma_wait3A_432] : memref<10000x128xbf16, #tpu.memory_space<hbm>> -> memref<10000x128xbf16, #tpu.memory_space<hbm>>
      tpu.wait_indirect_dma semaphore(%arg18 : memref<!tpu.dma_semaphore, #tpu.memory_space<semaphore_mem>>) src(%dma_wait3A_433 : memref<10000x128xbf16, #tpu.memory_space<hbm>>) dst(%dma_wait3A_427 : memref<125x128xbf16, #tpu.memory_space<vmem>>)
      %dma_start3A_434 = arith.constant 7 : i32
      %dma_start3A_435 = arith.constant 0 : i32
      %dma_start3A_436 = arith.constant 0 : i32
      %dma_start3A_437 = tpu.memref_slice %arg9[%dma_start3A_434, %dma_start3A_435, %dma_start3A_436] : memref<8x125x128xbf16, #tpu.memory_space<vmem>> -> memref<1x125x128xbf16, #tpu.memory_space<vmem>>
      %dma_start3A_438 = tpu.memref_squeeze %dma_start3A_437 : memref<1x125x128xbf16, #tpu.memory_space<vmem>> -> memref<125x128xbf16, #tpu.memory_space<vmem>>
      %dma_start3A_439 = arith.constant 0 : i32
      %dma_start3A_440 = tpu.memref_slice %arg8[%add3A_421, %dma_start3A_439] : memref<80x125xi32, #tpu.memory_space<vmem>> -> memref<1x125xi32, #tpu.memory_space<vmem>>
      %dma_start3A_441 = tpu.memref_squeeze %dma_start3A_440 : memref<1x125xi32, #tpu.memory_space<vmem>> -> memref<125xi32, #tpu.memory_space<vmem>>
      %dma_start3A_442 = arith.constant 0 : i32
      %dma_start3A_443 = arith.constant 0 : i32
      %dma_start3A_444 = tpu.memref_slice %arg10[%dma_start3A_442, %dma_start3A_443] : memref<10000x128xbf16, #tpu.memory_space<vmem_shared>> -> memref<10000x128xbf16, #tpu.memory_space<vmem_shared>>
      tpu.enqueue_indirect_dma source(%dma_start3A_438 : memref<125x128xbf16, #tpu.memory_space<vmem>>) target(%dma_start3A_444 : memref<10000x128xbf16, #tpu.memory_space<vmem_shared>>) offsets(%dma_start3A_441 : memref<125xi32, #tpu.memory_space<vmem>>) semaphore(%arg26 : memref<!tpu.dma_semaphore, #tpu.memory_space<semaphore_mem>>) {add = true}
      %ge3A_445 = arith.constant 4 : i32
      %ge3A_446 = arith.cmpi sge, %add3A_421, %ge3A_445 : i32
      %convert_element_type3A_447 = arith.extui %ge3A_446 : i1 to i32
      %cond3A_448 = arith.constant 0 : i32
      %cond3A_449 = arith.cmpi ne, %convert_element_type3A_447, %cond3A_448 : i32
      scf.if %cond3A_449 {
        %dma_wait3A_455 = arith.constant 3 : i32
        %dma_wait3A_456 = arith.constant 0 : i32
        %dma_wait3A_457 = arith.constant 0 : i32
        %dma_wait3A_458 = arith.constant 0 : i32
        %dma_wait3A_459 = tpu.memref_slice %arg9[%dma_wait3A_455, %dma_wait3A_457, %dma_wait3A_458] : memref<8x125x128xbf16, #tpu.memory_space<vmem>> -> memref<1x125x128xbf16, #tpu.memory_space<vmem>>
        %dma_wait3A_460 = tpu.memref_squeeze %dma_wait3A_459 : memref<1x125x128xbf16, #tpu.memory_space<vmem>> -> memref<125x128xbf16, #tpu.memory_space<vmem>>
        %dma_wait3A_461 = arith.constant 0 : i32
        %dma_wait3A_462 = tpu.memref_slice %arg8[%dma_wait3A_456, %dma_wait3A_461] : memref<80x125xi32, #tpu.memory_space<vmem>> -> memref<1x125xi32, #tpu.memory_space<vmem>>
        %dma_wait3A_463 = tpu.memref_squeeze %dma_wait3A_462 : memref<1x125xi32, #tpu.memory_space<vmem>> -> memref<125xi32, #tpu.memory_space<vmem>>
        %dma_wait3A_464 = arith.constant 0 : i32
        %dma_wait3A_465 = arith.constant 0 : i32
        %dma_wait3A_466 = tpu.memref_slice %arg10[%dma_wait3A_464, %dma_wait3A_465] : memref<10000x128xbf16, #tpu.memory_space<vmem_shared>> -> memref<10000x128xbf16, #tpu.memory_space<vmem_shared>>
        tpu.wait_indirect_dma semaphore(%arg22 : memref<!tpu.dma_semaphore, #tpu.memory_space<semaphore_mem>>) src(%dma_wait3A_460 : memref<125x128xbf16, #tpu.memory_space<vmem>>) dst(%dma_wait3A_466 : memref<10000x128xbf16, #tpu.memory_space<vmem_shared>>)
      } else {
      }
      %le3A_450 = arith.constant 75 : i32
      %le3A_451 = arith.cmpi sle, %add3A_421, %le3A_450 : i32
      %convert_element_type3A_452 = arith.extui %le3A_451 : i1 to i32
      %cond3A_453 = arith.constant 0 : i32
      %cond3A_454 = arith.cmpi ne, %convert_element_type3A_452, %cond3A_453 : i32
      scf.if %cond3A_454 {
        %add3A_455 = arith.constant 4 : i32
        %add3A_456 = arith.addi %add3A_421, %add3A_455 : i32
        %dma_start3A_457 = arith.constant 3 : i32
        %dma_start3A_458 = arith.constant 0 : i32
        %dma_start3A_459 = arith.constant 0 : i32
        %dma_start3A_460 = tpu.memref_slice %arg9[%dma_start3A_457, %dma_start3A_458, %dma_start3A_459] : memref<8x125x128xbf16, #tpu.memory_space<vmem>> -> memref<1x125x128xbf16, #tpu.memory_space<vmem>>
        %dma_start3A_461 = tpu.memref_squeeze %dma_start3A_460 : memref<1x125x128xbf16, #tpu.memory_space<vmem>> -> memref<125x128xbf16, #tpu.memory_space<vmem>>
        %dma_start3A_462 = arith.constant 0 : i32
        %dma_start3A_463 = tpu.memref_slice %arg7[%add3A_456, %dma_start3A_462] : memref<80x125xi32, #tpu.memory_space<vmem>> -> memref<1x125xi32, #tpu.memory_space<vmem>>
        %dma_start3A_464 = tpu.memref_squeeze %dma_start3A_463 : memref<1x125xi32, #tpu.memory_space<vmem>> -> memref<125xi32, #tpu.memory_space<vmem>>
        %dma_start3A_465 = arith.constant 0 : i32
        %dma_start3A_466 = arith.constant 0 : i32
        %dma_start3A_467 = tpu.memref_slice %arg2[%dma_start3A_465, %dma_start3A_466] : memref<10000x128xbf16, #tpu.memory_space<hbm>> -> memref<10000x128xbf16, #tpu.memory_space<hbm>>
        tpu.enqueue_indirect_dma source(%dma_start3A_467 : memref<10000x128xbf16, #tpu.memory_space<hbm>>) target(%dma_start3A_461 : memref<125x128xbf16, #tpu.memory_space<vmem>>) offsets(%dma_start3A_464 : memref<125xi32, #tpu.memory_space<vmem>>) semaphore(%arg14 : memref<!tpu.dma_semaphore, #tpu.memory_space<semaphore_mem>>)
      } else {
      }
    }
    %scan3A_101 = arith.constant 10 : i32
    %dma_wait3A_102 = arith.constant 4 : i32
    %dma_wait3A_103 = arith.constant 0 : i32
    %dma_wait3A_104 = arith.constant 0 : i32
    %dma_wait3A_105 = arith.constant 0 : i32
    %dma_wait3A_106 = tpu.memref_slice %arg9[%dma_wait3A_102, %dma_wait3A_104, %dma_wait3A_105] : memref<8x125x128xbf16, #tpu.memory_space<vmem>> -> memref<1x125x128xbf16, #tpu.memory_space<vmem>>
    %dma_wait3A_107 = tpu.memref_squeeze %dma_wait3A_106 : memref<1x125x128xbf16, #tpu.memory_space<vmem>> -> memref<125x128xbf16, #tpu.memory_space<vmem>>
    %dma_wait3A_108 = arith.constant 0 : i32
    %dma_wait3A_109 = tpu.memref_slice %arg8[%dma_wait3A_103, %dma_wait3A_108] : memref<80x125xi32, #tpu.memory_space<vmem>> -> memref<1x125xi32, #tpu.memory_space<vmem>>
    %dma_wait3A_110 = tpu.memref_squeeze %dma_wait3A_109 : memref<1x125xi32, #tpu.memory_space<vmem>> -> memref<125xi32, #tpu.memory_space<vmem>>
    %dma_wait3A_111 = arith.constant 0 : i32
    %dma_wait3A_112 = arith.constant 0 : i32
    %dma_wait3A_113 = tpu.memref_slice %arg10[%dma_wait3A_111, %dma_wait3A_112] : memref<10000x128xbf16, #tpu.memory_space<vmem_shared>> -> memref<10000x128xbf16, #tpu.memory_space<vmem_shared>>
    tpu.wait_indirect_dma semaphore(%arg23 : memref<!tpu.dma_semaphore, #tpu.memory_space<semaphore_mem>>) src(%dma_wait3A_107 : memref<125x128xbf16, #tpu.memory_space<vmem>>) dst(%dma_wait3A_113 : memref<10000x128xbf16, #tpu.memory_space<vmem_shared>>)
    %dma_wait3A_114 = arith.constant 5 : i32
    %dma_wait3A_115 = arith.constant 0 : i32
    %dma_wait3A_116 = arith.constant 0 : i32
    %dma_wait3A_117 = arith.constant 0 : i32
    %dma_wait3A_118 = tpu.memref_slice %arg9[%dma_wait3A_114, %dma_wait3A_116, %dma_wait3A_117] : memref<8x125x128xbf16, #tpu.memory_space<vmem>> -> memref<1x125x128xbf16, #tpu.memory_space<vmem>>
    %dma_wait3A_119 = tpu.memref_squeeze %dma_wait3A_118 : memref<1x125x128xbf16, #tpu.memory_space<vmem>> -> memref<125x128xbf16, #tpu.memory_space<vmem>>
    %dma_wait3A_120 = arith.constant 0 : i32
    %dma_wait3A_121 = tpu.memref_slice %arg8[%dma_wait3A_115, %dma_wait3A_120] : memref<80x125xi32, #tpu.memory_space<vmem>> -> memref<1x125xi32, #tpu.memory_space<vmem>>
    %dma_wait3A_122 = tpu.memref_squeeze %dma_wait3A_121 : memref<1x125xi32, #tpu.memory_space<vmem>> -> memref<125xi32, #tpu.memory_space<vmem>>
    %dma_wait3A_123 = arith.constant 0 : i32
    %dma_wait3A_124 = arith.constant 0 : i32
    %dma_wait3A_125 = tpu.memref_slice %arg10[%dma_wait3A_123, %dma_wait3A_124] : memref<10000x128xbf16, #tpu.memory_space<vmem_shared>> -> memref<10000x128xbf16, #tpu.memory_space<vmem_shared>>
    tpu.wait_indirect_dma semaphore(%arg24 : memref<!tpu.dma_semaphore, #tpu.memory_space<semaphore_mem>>) src(%dma_wait3A_119 : memref<125x128xbf16, #tpu.memory_space<vmem>>) dst(%dma_wait3A_125 : memref<10000x128xbf16, #tpu.memory_space<vmem_shared>>)
    %dma_wait3A_126 = arith.constant 6 : i32
    %dma_wait3A_127 = arith.constant 0 : i32
    %dma_wait3A_128 = arith.constant 0 : i32
    %dma_wait3A_129 = arith.constant 0 : i32
    %dma_wait3A_130 = tpu.memref_slice %arg9[%dma_wait3A_126, %dma_wait3A_128, %dma_wait3A_129] : memref<8x125x128xbf16, #tpu.memory_space<vmem>> -> memref<1x125x128xbf16, #tpu.memory_space<vmem>>
    %dma_wait3A_131 = tpu.memref_squeeze %dma_wait3A_130 : memref<1x125x128xbf16, #tpu.memory_space<vmem>> -> memref<125x128xbf16, #tpu.memory_space<vmem>>
    %dma_wait3A_132 = arith.constant 0 : i32
    %dma_wait3A_133 = tpu.memref_slice %arg8[%dma_wait3A_127, %dma_wait3A_132] : memref<80x125xi32, #tpu.memory_space<vmem>> -> memref<1x125xi32, #tpu.memory_space<vmem>>
    %dma_wait3A_134 = tpu.memref_squeeze %dma_wait3A_133 : memref<1x125xi32, #tpu.memory_space<vmem>> -> memref<125xi32, #tpu.memory_space<vmem>>
    %dma_wait3A_135 = arith.constant 0 : i32
    %dma_wait3A_136 = arith.constant 0 : i32
    %dma_wait3A_137 = tpu.memref_slice %arg10[%dma_wait3A_135, %dma_wait3A_136] : memref<10000x128xbf16, #tpu.memory_space<vmem_shared>> -> memref<10000x128xbf16, #tpu.memory_space<vmem_shared>>
    tpu.wait_indirect_dma semaphore(%arg25 : memref<!tpu.dma_semaphore, #tpu.memory_space<semaphore_mem>>) src(%dma_wait3A_131 : memref<125x128xbf16, #tpu.memory_space<vmem>>) dst(%dma_wait3A_137 : memref<10000x128xbf16, #tpu.memory_space<vmem_shared>>)
    %dma_wait3A_138 = arith.constant 7 : i32
    %dma_wait3A_139 = arith.constant 0 : i32
    %dma_wait3A_140 = arith.constant 0 : i32
    %dma_wait3A_141 = arith.constant 0 : i32
    %dma_wait3A_142 = tpu.memref_slice %arg9[%dma_wait3A_138, %dma_wait3A_140, %dma_wait3A_141] : memref<8x125x128xbf16, #tpu.memory_space<vmem>> -> memref<1x125x128xbf16, #tpu.memory_space<vmem>>
    %dma_wait3A_143 = tpu.memref_squeeze %dma_wait3A_142 : memref<1x125x128xbf16, #tpu.memory_space<vmem>> -> memref<125x128xbf16, #tpu.memory_space<vmem>>
    %dma_wait3A_144 = arith.constant 0 : i32
    %dma_wait3A_145 = tpu.memref_slice %arg8[%dma_wait3A_139, %dma_wait3A_144] : memref<80x125xi32, #tpu.memory_space<vmem>> -> memref<1x125xi32, #tpu.memory_space<vmem>>
    %dma_wait3A_146 = tpu.memref_squeeze %dma_wait3A_145 : memref<1x125xi32, #tpu.memory_space<vmem>> -> memref<125xi32, #tpu.memory_space<vmem>>
    %dma_wait3A_147 = arith.constant 0 : i32
    %dma_wait3A_148 = arith.constant 0 : i32
    %dma_wait3A_149 = tpu.memref_slice %arg10[%dma_wait3A_147, %dma_wait3A_148] : memref<10000x128xbf16, #tpu.memory_space<vmem_shared>> -> memref<10000x128xbf16, #tpu.memory_space<vmem_shared>>
    tpu.wait_indirect_dma semaphore(%arg26 : memref<!tpu.dma_semaphore, #tpu.memory_space<semaphore_mem>>) src(%dma_wait3A_143 : memref<125x128xbf16, #tpu.memory_space<vmem>>) dst(%dma_wait3A_149 : memref<10000x128xbf16, #tpu.memory_space<vmem_shared>>)
    %barrier3A_150 = arith.constant 0 : index
    tpu.barrier barrier_id(%barrier3A_150)
    %mul3A_151 = arith.constant 624 : i32
    %mul3A_152 = arith.muli %arg1, %mul3A_151 : i32
    %mul3A_153 = arith.constant 624 : i32
    %mul3A_154 = arith.muli %arg1, %mul3A_153 : i32
    "tpu.region"() ({
      %run_scoped3A = tpu.sem_alloc : memref<!tpu.dma_semaphore, #tpu.memory_space<semaphore_mem>>
      %dma_start3A_160 = arith.constant 0 : i32
      %dma_start3A_161 = tpu.memref_slice %arg6[%arg0, %mul3A_154, %dma_start3A_160] : memref<2x10000x128xbf16, #tpu.memory_space<hbm>> -> memref<1x624x128xbf16, #tpu.memory_space<hbm>>
      %dma_start3A_162 = tpu.memref_squeeze %dma_start3A_161 : memref<1x624x128xbf16, #tpu.memory_space<hbm>> -> memref<624x128xbf16, #tpu.memory_space<hbm>>
      %dma_start3A_163 = arith.constant 0 : i32
      %dma_start3A_164 = tpu.memref_slice %arg10[%mul3A_152, %dma_start3A_163] : memref<10000x128xbf16, #tpu.memory_space<vmem_shared>> -> memref<624x128xbf16, #tpu.memory_space<vmem_shared>>
      tpu.enqueue_dma source(%dma_start3A_164 : memref<624x128xbf16, #tpu.memory_space<vmem_shared>>) target(%dma_start3A_162 : memref<624x128xbf16, #tpu.memory_space<hbm>>) target_semaphore(%run_scoped3A : memref<!tpu.dma_semaphore, #tpu.memory_space<semaphore_mem>>)
      %dma_wait3A_165 = arith.constant 0 : i32
      %dma_wait3A_166 = tpu.memref_slice %arg6[%arg0, %mul3A_154, %dma_wait3A_165] : memref<2x10000x128xbf16, #tpu.memory_space<hbm>> -> memref<1x624x128xbf16, #tpu.memory_space<hbm>>
      %dma_wait3A_167 = tpu.memref_squeeze %dma_wait3A_166 : memref<1x624x128xbf16, #tpu.memory_space<hbm>> -> memref<624x128xbf16, #tpu.memory_space<hbm>>
      %dma_wait3A_168 = arith.constant 0 : i32
      %dma_wait3A_169 = tpu.memref_slice %arg10[%mul3A_152, %dma_wait3A_168] : memref<10000x128xbf16, #tpu.memory_space<vmem_shared>> -> memref<624x128xbf16, #tpu.memory_space<vmem_shared>>
      tpu.wait_dma2 semaphore(%run_scoped3A : memref<!tpu.dma_semaphore, #tpu.memory_space<semaphore_mem>>) src(%dma_wait3A_169 : memref<624x128xbf16, #tpu.memory_space<vmem_shared>>) dst(%dma_wait3A_167 : memref<624x128xbf16, #tpu.memory_space<hbm>>)
      tpu.yield
    }) : () -> ()
    %eq3A_155 = arith.constant 15 : i32
    %eq3A_156 = arith.cmpi eq, %arg1, %eq3A_155 : i32
    %convert_element_type3A_157 = arith.extui %eq3A_156 : i1 to i32
    %cond3A_158 = arith.constant 0 : i32
    %cond3A_159 = arith.cmpi ne, %convert_element_type3A_157, %cond3A_158 : i32
    scf.if %cond3A_159 {
      "tpu.region"() ({
        %run_scoped3A = tpu.sem_alloc : memref<!tpu.dma_semaphore, #tpu.memory_space<semaphore_mem>>
        %dma_start3A_160 = arith.constant 9984 : i32
        %dma_start3A_161 = arith.constant 0 : i32
        %dma_start3A_162 = tpu.memref_slice %arg6[%arg0, %dma_start3A_160, %dma_start3A_161] : memref<2x10000x128xbf16, #tpu.memory_space<hbm>> -> memref<1x16x128xbf16, #tpu.memory_space<hbm>>
        %dma_start3A_163 = tpu.memref_squeeze %dma_start3A_162 : memref<1x16x128xbf16, #tpu.memory_space<hbm>> -> memref<16x128xbf16, #tpu.memory_space<hbm>>
        %dma_start3A_164 = arith.constant 9984 : i32
        %dma_start3A_165 = arith.constant 0 : i32
        %dma_start3A_166 = tpu.memref_slice %arg10[%dma_start3A_164, %dma_start3A_165] : memref<10000x128xbf16, #tpu.memory_space<vmem_shared>> -> memref<16x128xbf16, #tpu.memory_space<vmem_shared>>
        tpu.enqueue_dma source(%dma_start3A_166 : memref<16x128xbf16, #tpu.memory_space<vmem_shared>>) target(%dma_start3A_163 : memref<16x128xbf16, #tpu.memory_space<hbm>>) target_semaphore(%run_scoped3A : memref<!tpu.dma_semaphore, #tpu.memory_space<semaphore_mem>>)
        %dma_wait3A_167 = arith.constant 9984 : i32
        %dma_wait3A_168 = arith.constant 0 : i32
        %dma_wait3A_169 = tpu.memref_slice %arg6[%arg0, %dma_wait3A_167, %dma_wait3A_168] : memref<2x10000x128xbf16, #tpu.memory_space<hbm>> -> memref<1x16x128xbf16, #tpu.memory_space<hbm>>
        %dma_wait3A_170 = tpu.memref_squeeze %dma_wait3A_169 : memref<1x16x128xbf16, #tpu.memory_space<hbm>> -> memref<16x128xbf16, #tpu.memory_space<hbm>>
        %dma_wait3A_171 = arith.constant 9984 : i32
        %dma_wait3A_172 = arith.constant 0 : i32
        %dma_wait3A_173 = tpu.memref_slice %arg10[%dma_wait3A_171, %dma_wait3A_172] : memref<10000x128xbf16, #tpu.memory_space<vmem_shared>> -> memref<16x128xbf16, #tpu.memory_space<vmem_shared>>
        tpu.wait_dma2 semaphore(%run_scoped3A : memref<!tpu.dma_semaphore, #tpu.memory_space<semaphore_mem>>) src(%dma_wait3A_173 : memref<16x128xbf16, #tpu.memory_space<vmem_shared>>) dst(%dma_wait3A_170 : memref<16x128xbf16, #tpu.memory_space<hbm>>)
        tpu.yield
      }) : () -> ()
    } else {
    }
    return
  }
}

module attributes {stable_mosaic.version = 14 : i64} {
  func.func @_relu_sum_mm_kernel(%arg0: i32, %arg1: memref<2x1000x128xbf16, #tpu.memory_space<vmem>>, %arg2: memref<128x128xf32, #tpu.memory_space<vmem>>, %arg3: memref<1000x128xbf16, #tpu.memory_space<vmem>>) attributes {dimension_semantics = [#tpu.dimension_semantics<arbitrary>], iteration_bounds = array<i64: 10>, scalar_prefetch = 0 : i64, scratch_operands = 0 : i64, tpu.core_type = #tpu.core_type<tc>, window_params = [{transform_indices = @transform_0, window_bounds = array<i64: 2, 1000, 128>}, {pipeline_mode = #tpu.pipeline_mode<synchronous>, transform_indices = @transform_1, window_bounds = array<i64: 128, 128>}, {transform_indices = @transform_2, window_bounds = array<i64: 1000, 128>}]} {
    %get3A = arith.constant 0 : index
    %get3A_0 = arith.constant 0 : index
    %get3A_1 = arith.constant 0 : index
    %get3A_2 = vector.load %arg1[%get3A, %get3A_0, %get3A_1] : memref<2x1000x128xbf16, #tpu.memory_space<vmem>>, vector<1x1000x128xbf16>
    %get3A_3 = vector.shape_cast %get3A_2 : vector<1x1000x128xbf16> to vector<1000x128xbf16>
    %convert_element_type3A = arith.extf %get3A_3 : vector<1000x128xbf16> to vector<1000x128xf32>
    %get3A_4 = arith.constant 1 : index
    %get3A_5 = arith.constant 0 : index
    %get3A_6 = arith.constant 0 : index
    %get3A_7 = vector.load %arg1[%get3A_4, %get3A_5, %get3A_6] : memref<2x1000x128xbf16, #tpu.memory_space<vmem>>, vector<1x1000x128xbf16>
    %get3A_8 = vector.shape_cast %get3A_7 : vector<1x1000x128xbf16> to vector<1000x128xbf16>
    %convert_element_type3A_9 = arith.extf %get3A_8 : vector<1000x128xbf16> to vector<1000x128xf32>
    %add3A = arith.addf %convert_element_type3A, %convert_element_type3A_9 : vector<1000x128xf32>
    %get3A_10 = arith.constant 0 : index
    %get3A_11 = arith.constant 0 : index
    %get3A_12 = vector.load %arg2[%get3A_10, %get3A_11] : memref<128x128xf32, #tpu.memory_space<vmem>>, vector<128x128xf32>
    %dot_general3A = arith.constant dense<0.000000e+00> : vector<1000x128xf32>
    %dot_general3A_13 = tpu.matmul %add3A, %get3A_12, %dot_general3A {dimension_numbers = #tpu.dot_dimension_numbers<[1], [0], [0], [1], [0, 0, 1, 1], [], []>, precision = #tpu.contract_precision<fp32>, transpose_lhs_hint = false} : vector<1000x128xf32>, vector<128x128xf32>, vector<1000x128xf32> -> vector<1000x128xf32>
    %max3A = arith.constant 0.000000e+00 : f32
    %max3A_14 = vector.broadcast %max3A : f32 to vector<1000x128xf32>
    %max3A_15 = arith.maximumf %dot_general3A_13, %max3A_14 : vector<1000x128xf32>
    %convert_element_type3A_16 = arith.truncf %max3A_15 : vector<1000x128xf32> to vector<1000x128xbf16>
    %swap3A = arith.constant 0 : index
    %swap3A_17 = arith.constant 0 : index
    %swap3A_18 = vector.load %arg3[%swap3A, %swap3A_17] : memref<1000x128xbf16, #tpu.memory_space<vmem>>, vector<1000x128xbf16>
    tpu.vector_store %arg3[%swap3A, %swap3A_17], %convert_element_type3A_16 {strides = array<i32>} : memref<1000x128xbf16, #tpu.memory_space<vmem>>, vector<1000x128xbf16>,
    return
  }
  func.func @transform_0(%arg0: i32) -> (i32, i32, i32) {
    %c0_i32 = arith.constant 0 : i32
    %c0_i32_0 = arith.constant 0 : i32
    %c0_i32_1 = arith.constant 0 : i32
    return %c0_i32, %arg0, %c0_i32_0 : i32, i32, i32
  }
  func.func @transform_1(%arg0: i32) -> (i32, i32) {
    %c0_i32 = arith.constant 0 : i32
    %c0_i32_0 = arith.constant 0 : i32
    %c0_i32_1 = arith.constant 0 : i32
    return %c0_i32, %c0_i32_0 : i32, i32
  }
  func.func @transform_2(%arg0: i32) -> (i32, i32) {
    %c0_i32 = arith.constant 0 : i32
    %c0_i32_0 = arith.constant 0 : i32
    return %arg0, %c0_i32 : i32, i32
  }
}

module attributes {stable_mosaic.version = 14 : i64} {
  func.func @_relu_sum_mm_kernel(%arg0: i32, %arg1: memref<2x1000x128xbf16, #tpu.memory_space<vmem>>, %arg2: memref<128x128xf32, #tpu.memory_space<vmem>>, %arg3: memref<1000x128xf32, #tpu.memory_space<vmem>>) attributes {dimension_semantics = [#tpu.dimension_semantics<arbitrary>], iteration_bounds = array<i64: 10>, scalar_prefetch = 0 : i64, scratch_operands = 0 : i64, tpu.core_type = #tpu.core_type<tc>, window_params = [{transform_indices = @transform_0, window_bounds = array<i64: 2, 1000, 128>}, {pipeline_mode = #tpu.pipeline_mode<synchronous>, transform_indices = @transform_1, window_bounds = array<i64: 128, 128>}, {transform_indices = @transform_2, window_bounds = array<i64: 1000, 128>}]} {
    %get3A = arith.constant 0 : index
    %get3A_0 = arith.constant 0 : index
    %get3A_1 = arith.constant 0 : index
    %get3A_2 = vector.load %arg1[%get3A, %get3A_0, %get3A_1] : memref<2x1000x128xbf16, #tpu.memory_space<vmem>>, vector<1x1000x128xbf16>
    %get3A_3 = vector.shape_cast %get3A_2 : vector<1x1000x128xbf16> to vector<1000x128xbf16>
    %convert_element_type3A = arith.extf %get3A_3 : vector<1000x128xbf16> to vector<1000x128xf32>
    %get3A_4 = arith.constant 1 : index
    %get3A_5 = arith.constant 0 : index
    %get3A_6 = arith.constant 0 : index
    %get3A_7 = vector.load %arg1[%get3A_4, %get3A_5, %get3A_6] : memref<2x1000x128xbf16, #tpu.memory_space<vmem>>, vector<1x1000x128xbf16>
    %get3A_8 = vector.shape_cast %get3A_7 : vector<1x1000x128xbf16> to vector<1000x128xbf16>
    %convert_element_type3A_9 = arith.extf %get3A_8 : vector<1000x128xbf16> to vector<1000x128xf32>
    %add3A = arith.addf %convert_element_type3A, %convert_element_type3A_9 : vector<1000x128xf32>
    %get3A_10 = arith.constant 0 : index
    %get3A_11 = arith.constant 0 : index
    %get3A_12 = vector.load %arg2[%get3A_10, %get3A_11] : memref<128x128xf32, #tpu.memory_space<vmem>>, vector<128x128xf32>
    %dot_general3A = arith.constant dense<0.000000e+00> : vector<1000x128xf32>
    %dot_general3A_13 = tpu.matmul %add3A, %get3A_12, %dot_general3A {dimension_numbers = #tpu.dot_dimension_numbers<[1], [0], [0], [1], [0, 0, 1, 1], [], []>, precision = #tpu.contract_precision<fp32>, transpose_lhs_hint = false} : vector<1000x128xf32>, vector<128x128xf32>, vector<1000x128xf32> -> vector<1000x128xf32>
    %max3A = arith.constant 0.000000e+00 : f32
    %max3A_14 = vector.broadcast %max3A : f32 to vector<1000x128xf32>
    %max3A_15 = arith.maximumf %dot_general3A_13, %max3A_14 : vector<1000x128xf32>
    %swap3A = arith.constant 0 : index
    %swap3A_16 = arith.constant 0 : index
    %swap3A_17 = vector.load %arg3[%swap3A, %swap3A_16] : memref<1000x128xf32, #tpu.memory_space<vmem>>, vector<1000x128xf32>
    tpu.vector_store %arg3[%swap3A, %swap3A_16], %max3A_15 {strides = array<i32>} : memref<1000x128xf32, #tpu.memory_space<vmem>>, vector<1000x128xf32>,
    return
  }
  func.func @transform_0(%arg0: i32) -> (i32, i32, i32) {
    %c0_i32 = arith.constant 0 : i32
    %c0_i32_0 = arith.constant 0 : i32
    %c0_i32_1 = arith.constant 0 : i32
    return %c0_i32, %arg0, %c0_i32_0 : i32, i32, i32
  }
  func.func @transform_1(%arg0: i32) -> (i32, i32) {
    %c0_i32 = arith.constant 0 : i32
    %c0_i32_0 = arith.constant 0 : i32
    %c0_i32_1 = arith.constant 0 : i32
    return %c0_i32, %c0_i32_0 : i32, i32
  }
  func.func @transform_2(%arg0: i32) -> (i32, i32) {
    %c0_i32 = arith.constant 0 : i32
    %c0_i32_0 = arith.constant 0 : i32
    return %arg0, %c0_i32 : i32, i32
  }
}

</mosaic_0001>

<sc_bundles>
// kernel: kernel.6.cloned.1.call-start
scs
__scs_entry_jumppad:
0x0: {  	(pc) =	sbr.rel $0x88, $3  }
0x1: {  	(tag) =	ssettag $0x0;
	lr =	simm.s32 $0x1  }
0x2: {  	[smem:$0x3F9D] =	sst lr;
	_ =	strace $0xD0000000  }
0x3: {  	_ = 	snop  }
0x4: {  	_ = 	snop  }
0x5: {  	_ = 	snop  }
0x6: {  	_ = 	snop  }
0x7: {  	_ = 	snop  }
__scs_overlays_trampoline_lowered:
0x8: {  	[smem:$0x3FAC] =	sst s0  }
0x9: {  	[smem:$0x3FAD] =	sst s1  }
0xa: {  	[smem:$0x3FAE] =	sst s2  }
0xb: {  	[smem:$0x3FAF] =	sst s3  }
0xc: {  	[smem:$0x3FB0] =	sst s4  }
0xd: {  	[smem:$0x3FB1] =	sst s5  }
0xe: {  	[smem:$0x3FB2] =	sst s6  }
0xf: {  	[smem:$0x3FB3] =	sst s7  }
0x10: {  	[smem:$0x3FB4] =	sst s8  }
0x11: {  	[smem:$0x3FB5] =	sst s9;
	s0 =	simm.s32 @!p0 $0x0  }
0x12: {  	s1 =	sld [smem:$0x3F9B];
	s0 =	simm.s32 @p0 $0x1  }
0x13: {  	[smem:$0x3FB6] =	sst s0;
	s0 =	simm.s32 @!p1 $0x0  }
0x14: {  	s2 =	sld [smem:$0x3F9A];
	s0 =	simm.s32 @p1 $0x1  }
0x15: {  	[smem:$0x3FB7] =	sst s0;
	s0 =	simm.s32 @!p2 $0x0  }
0x16: {  	s3 =	sld [smem:$0x3FDB];
	s0 =	simm.s32 @p2 $0x1  }
0x17: {  	s4 =	simm.s32 $0x1BF5;
	[smem:$0x3FB9] =	sst s0  }
0x18: {  	s0 =	sld [smem:$0x3F9C];
	_ =	swait.ge [sflag:s4], $0x0  }
0x19: {  	s7 =	sld [smem:$0x3F9D]  }
0x1a: {  	s8 =	sadd.s32 $0xFFFFE003, lr  }
0x1b: {  	s9 =	sadd.s32 $0xFFFFFEF7, lr;
	s5 =	simm.s32 $0xFFFFFFFF;
	p2 =	slt.u32 s8, $0xFFFFF086  }
0x1c: {  	p1 =	slt.u32 s9, $0xF7A;
	s5 =	simm.s32 @!p2 $0x0  }
0x1d: {  	s5 =	simm.s32 @p1 $0x1;
	p0 =	seq.s32 s7, s2  }
0x1e: {  	s7 =	smul.u32 @!p0 $0xF7A, s2;
	p2 =	seq.s32 @!p0 s5, $0x0  }
0x1f: {  	s9 =	smul.u32 $0xF7A, s1;
	s8 =	simm.s32 @!p0 $0x1BF5;
	p2 =	por !p2, p0  }
0x20: {  	[sflag:s8] =	ssyncset.s32 @!p0 $0xFFFFF086;
	s6 =	sadd.s32 @!p0 s3, s7;
	s7 =	simm.s32 @!p0 $0x108  }
0x21: {  	s3 =	sadd.s32 s3, s9;
	s6 =	sadd.s32 @!p0 $0x88, s6;
	s7 =	simm.s32 @p2 $0x1082  }
0x22: {  	[simem:s7], [sflag:s8] =	dma.local @!p0 [hbm:s6], $0xF7A  }
0x23: {  	s9 =	sor.u32 $0xD0000000, s2;
	s6 =	simm.s32 $0x108;
	_ =	swait.ge @!p0 [sflag:s8], $0x0  }
0x24: {  	s3 =	sadd.s32 $0x88, s3;
	s6 =	simm.s32 @!p1 $0x1082;
	[sflag:s4] =	ssyncset.s32 $0xFFFFF086  }
0x25: {  	[simem:s6], [sflag:s4] =	dma.local [hbm:s3], $0xF7A  }
0x26: {  	[smem:$0x3F9D] =	sst s1;
	(tag) =	ssettag s2;
	_ =	strace s9  }
0x27: {  	s1 =	sld [smem:$0x3FAD]  }
0x28: {  	s2 =	sld [smem:$0x3FAE]  }
0x29: {  	s4 =	sld [smem:$0x3FB0]  }
0x2a: {  	p0 =	seq.s32 s5, $0x0;
	s5 =	sld [smem:$0x3FB1]  }
0x2b: {  	s6 =	sld [smem:$0x3FB2]  }
0x2c: {  	s7 =	sld [smem:$0x3FB3]  }
0x2d: {  	s3 =	simm.s32 $0x108;
	s8 =	sld [smem:$0x3FB4]  }
0x2e: {  	s3 =	simm.s32 @!p0 $0x1082;
	s9 =	sld [smem:$0x3FB5]  }
0x2f: {  	lr =	sadd.s32 s0, s3;
	s0 =	sld [smem:$0x3FAC]  }
0x30: {  	s3 =	sld [smem:$0x3FAF]  }
0x31: {  	[smem:$0x3FB8] =	sst s10  }
0x32: {  	s10 =	sld [smem:$0x3FB6];
	_ =	sdelay $0x3  }
0x33: {  	p0 =	seq.s32 s10, $0x1;
	s10 =	sld [smem:$0x3FB8];
	_ =	sdelay $0x3  }
0x34: {  	[smem:$0x3FB8] =	sst s10  }
0x35: {  	s10 =	sld [smem:$0x3FB7];
	_ =	sdelay $0x3  }
0x36: {  	p1 =	seq.s32 s10, $0x1;
	s10 =	sld [smem:$0x3FB8];
	_ =	sdelay $0x3  }
0x37: {  	[smem:$0x3FB8] =	sst s10  }
0x38: {  	s10 =	sld [smem:$0x3FB9]  }
0x39: {  	_ = 	snop;
	(pc) =	sbr.ind lr, $3  }
0x3a: {  	_ = 	snop  }
0x3b: {  	_ = 	snop  }
0x3c: {  	p2 =	seq.s32 s10, $0x1;
	s10 =	sld [smem:$0x3FB8]  }
0x3d: {  	_ =	shalt  }
0x3e: {  	_ =	shalt  }
0x3f: {  	_ =	shalt  }
0x40: {  	_ =	shalt  }
0x41: {  	_ =	shalt  }
0x42: {  	_ =	shalt  }
0x43: {  	_ =	shalt  }
0x44: {  	_ =	shalt  }
0x45: {  	_ =	shalt  }
0x46: {  	_ =	shalt  }
0x47: {  	_ =	shalt  }
0x48: {  	_ =	shalt  }
0x49: {  	_ =	shalt  }
0x4a: {  	_ =	shalt  }
0x4b: {  	_ =	shalt  }
0x4c: {  	_ =	shalt  }
0x4d: {  	_ =	shalt  }
0x4e: {  	_ =	shalt  }
0x4f: {  	_ =	shalt  }
0x50: {  	_ =	shalt  }
0x51: {  	_ =	shalt  }
0x52: {  	_ =	shalt  }
0x53: {  	_ =	shalt  }
0x54: {  	_ =	shalt  }
0x55: {  	_ =	shalt  }
0x56: {  	_ =	shalt  }
0x57: {  	_ =	shalt  }
0x58: {  	_ =	shalt  }
0x59: {  	_ =	shalt  }
0x5a: {  	_ =	shalt  }
0x5b: {  	_ =	shalt  }
0x5c: {  	_ =	shalt  }
0x5d: {  	_ =	shalt  }
0x5e: {  	_ =	shalt  }
0x5f: {  	_ =	shalt  }
0x60: {  	_ =	shalt  }
0x61: {  	_ =	shalt  }
0x62: {  	_ =	shalt  }
0x63: {  	_ =	shalt  }
0x64: {  	_ =	shalt  }
0x65: {  	_ =	shalt  }
0x66: {  	_ =	shalt  }
0x67: {  	_ =	shalt  }
0x68: {  	_ =	shalt  }
0x69: {  	_ =	shalt  }
0x6a: {  	_ =	shalt  }
0x6b: {  	_ =	shalt  }
0x6c: {  	_ =	shalt  }
0x6d: {  	_ =	shalt  }
0x6e: {  	_ =	shalt  }
0x6f: {  	_ =	shalt  }
0x70: {  	_ =	shalt  }
0x71: {  	_ =	shalt  }
0x72: {  	_ =	shalt  }
0x73: {  	_ =	shalt  }
0x74: {  	_ =	shalt  }
0x75: {  	_ =	shalt  }
0x76: {  	_ =	shalt  }
0x77: {  	_ =	shalt  }
0x78: {  	_ =	shalt  }
0x79: {  	_ =	shalt  }
0x7a: {  	_ =	shalt  }
0x7b: {  	_ =	shalt  }
0x7c: {  	_ =	shalt  }
0x7d: {  	_ =	shalt  }
0x7e: {  	_ =	shalt  }
0x7f: {  	_ =	shalt  }
0x80: {  	_ =	shalt  }
0x81: {  	_ =	shalt  }
0x82: {  	_ =	shalt  }
0x83: {  	_ =	shalt  }
0x84: {  	_ =	shalt  }
0x85: {  	_ =	shalt  }
0x86: {  	_ =	shalt  }
0x87: {  	_ =	shalt  }
.Lfunc_end0:
.L_simem_size_0:
called_computation_lowered:
.L_overlay_start_0:
0x88: {  	s2 =	sld [smem:$0x3FD9]  }
0x89: {  	s3 =	sld [smem:$0x3FFE];
	_ =	sdelay $0x1  }
0x8a: {  	s1 =	srdreg.scid  }
0x8b: {  	s0 =	sand.u32 $0x1, s1  }
0x8c: {  	s17 =	sshll.u32 s0, $0xA;
	s2 =	sadd.s32 s3, s2  }
0x8d: {  	s2 =	sadd.s32 s2, s17  }
0x8e: {  	[smem:$0x3FC4] =	sst s2  }
0x8f: {  	_ = 	snop  }
0x90: {  	s2 =	sld [smem:$0x3FD0];
	(tm) =	ssettm $0x1  }
0x91: {  	s18 =	sld [smem:$0x3FFB];
	_ =	sdelay $0x3  }
0x92: {  	_ =	strace s18  }
0x93: {  	s3 =	sld [smem:$0x3FFC];
	_ =	sdelay $0x3  }
0x94: {  	_ =	strace s3  }
0x95: {  	s3 =	sld [smem:$0x3FFD];
	_ =	sdelay $0x3  }
0x96: {  	_ =	strace s3  }
0x97: {  	_ =	strace $0x8FFFFFFF  }
0x98: {  	s19 =	sld [smem:$0x3FDB];
	_ =	sdelay $0x1  }
0x99: {  	s4 =	simm.s32 $_scs_section_size  }
0x9a: {  	s5 =	simm.s32 $_size__tile_overlayer_lowered;
	s6 =	simm.s32 $_tile_overlayer_lowered  }
0x9b: {  	s22 =	simm.s32 $0x1BFF;
	s21 =	sshll.u32 s6, $0x1;
	s3 =	sadd.s32 s4, s19  }
0x9c: {  	s7 =	simm.s32 $0x0;
	s20 =	sshll.u32 s5, $0x1;
	s5 =	sadd.s32 s21, s3  }
0x9d: {  	[timem:s7], [sflag:s22] =	dma.local [hbm:s5], s20  }
0x9e: {  	_ =	swait.ge [sflag:s22], s20  }
0x9f: {  	s4 =	ssub.s32 $0x0, s20;
	[sflag:s22] =	ssyncset.done $0x0  }
0xa0: {  	[sflag:s22] =	ssyncadd.s32 s4;
	_ =	sdelay $0x1  }
0xa1: {  	s23 =	simm.s32 $0x1B8B  }
0xa2: {  	_ =	swait.ge [sflag:s23], $0x1  }
0xa3: {  	[sflag:s23] =	ssyncset.done $0x0  }
0xa4: {  	s25 =	simm.s32 $0x1B8E;
	s24 =	sld [smem:$0x3FFE];
	[sflag:s23] =	ssyncadd.s32 $0xFFFFFFFF  }
0xa5: {  	s26 =	simm.s32 $execute0_lowered;
	[smem:$0x3FD2] =	sst s25  }
0xa6: {  	s5 =	sshll.u32 s26, $0x1;
	_ =	strace $0x80000046;
	[dreg:$0x1] =	wrdreg $0xFFFFFFFF  }
0xa7: {  	s28 =	simm.s32 $_size_execute0_lowered;
	s3 =	sadd.s32 s3, s5;
	[dreg:$0x0] =	wrdreg $0x0  }
0xa8: {  	s5 =	sshll.u32 s28, $0x1;
	[dreg:$0x2] =	wrdreg s3  }
0xa9: {  	[dreg:$0x3] =	wrdreg s5  }
0xaa: {  	[dreg:$0x4] =	wrdreg $0xC0  }
0xab: {  	_ =	task [dreg:s7], $0x5FFFF  }
0xac: {  	[dreg:$0x1] =	wrdreg $0xFFFFFFFF  }
0xad: {  	[dreg:$0x0] =	wrdreg $0x60  }
0xae: {  	[dreg:$0x2] =	wrdreg s24  }
0xaf: {  	[dreg:$0x3] =	wrdreg s2  }
0xb0: {  	[dreg:$0x4] =	wrdreg $0x14A000  }
0xb1: {  	[dreg:$0x5] =	wrdreg $0x9  }
0xb2: {  	_ =	task.clear_ibuf [dreg:s7], $0x6FFFF;
	_ =	strace $0x90000046  }
0xb3: {  	s29 =	simm.s32 $0x9;
	_ =	strace $0x80000048  }
0xb4: {  	_ =	swait.ge [sflag:s29], $0x1  }
0xb5: {  	[sflag:s29] =	ssyncadd.s32 $0xFFFFFFFF  }
0xb6: {  	_ =	strace $0x90000048  }
0xb7: {  	_ =	sfence  }
0xb8: {  	s30 =	sld [smem:$0x0];
	_ =	sdelay $0x2  }
0xb9: {  	s31 =	sshll.u32 s1, $0xD;
	s1 =	sshrl.u32 s1, $0x2  }
0xba: {  	s3 =	sand.u32 $0x4000, s31;
	s1 =	sadd.s32 s1, s30  }
0xbb: {  	s0 =	sor.u32 s3, s0;
	s1 =	sshll.u32 s1, $0x11  }
0xbc: {  	s0 =	sor.u32 s1, s0  }
0xbd: {  	s0 =	sadd.s32 $0x8F2B, s0  }
0xbe: {  	[sflag:s0] =	ssyncadd.remote.s32 $0x1  }
0xbf: {  	_ =	sfence.sel $0xFFFF  }
0xc0: {  	[dreg:$0x0] =	wrdreg $0xFFFFFFFF;
	(pc) =	sbr.abs _section_cstart, $3  }
0xc1: {  	[dreg:$0x1] =	wrdreg $0xFFFFFFFF  }
0xc2: {  	_ =	task.clear_ibuf [dreg:s7], $0x2FFFF;
	_ =	strace $0x9FFFFFFF  }
0xc3: {  	(tm) =	ssettm $0x7FFFFFFF  }
tec
execute0_lowered:
.L_overlay_start_1:
0x0: {  	(tag) =	ssettag $0x1  }
0x1: {  	s0 =	rddreg [dreg:$0x0]  }
0x2: {  	s1 =	srdreg.scid;
	s3 =	rddreg [dreg:$0x1]  }
0x3: {  	s11 =	stileid.u32;
	s2 =	rddreg [dreg:$0x2];
	s6 =	simm.s32 $0x0  }
0x4: {  	s26 =	simm.s32 $0xEC40;
	s28 =	simm.s32 $0xCD00;
	s29 =	simm.s32 $0x2  }
0x5: {  	s30 =	simm.s32 $0x10B80;
	s31 =	simm.s32 $0x4;
	s15 =	simm.s32 $0x9  }
0x6: {  	s1 =	sand.u32 $0x1, s1;
	s4 =	sshll.u32 s11, $0x1;
	[smem:$0x7FF] =	sst s6  }
0x7: {  	s18 =	smul.u32 $0x13800, s11;
	s20 =	sshll.u32 s11, $0x6;
	s6 =	sadd.s32 $0x9C000, s2  }
0x8: {  	p0 =	sne.s32 s11, $0xF;
	s4 =	sor.u32 s1, s4;
	_ =	strace $0x80000047  }
0x9: {  	s7 =	ssub.s32 $0x2, s1;
	s1 =	smul.u32 $0x138800, s1;
	[dreg:$0x5] =	wrdreg s20  }
0xa: {  	[dreg:$0x4] =	wrdreg s26;
	s26 =	simm.s32 $0x1;
	s5 =	smul.u32 $0x500, s4  }
0xb: {  	s4 =	sadd.s32 $0x14200, s0;
	s8 =	sshrl.u32 s18, $0x4;
	s9 =	sshrl.u32 s7, $0x1  }
0xc: {  	s19 =	sshrl.u32 s18, $0x1;
	s8 =	sadd.s32 s8, s0;
	s9 =	ssub.s32 s7, s9  }
0xd: {  	s10 =	sadd.s32 s19, s2;
	s7 =	sor.u32 $0x1C11, s20;
	s22 =	sadd.s32 s18, s1  }
0xe: {  	s1 =	sshrl.u32 s1, $0x4;
	s18 =	simm.s32 $0x7D;
	s19 =	simm.s32 $0x5000  }
0xf: {  	s20 =	simm.s32 $0x6;
	s8 =	sadd.s32 $0x800, s8;
	[dreg:$0x7] =	wrdreg s7  }
0x10: {  	s5 =	sadd.s32 s5, s0;
	s0 =	sadd.s32 $0x14000, s0;
	[dreg:$0x6] =	wrdreg s8  }
0x11: {  	s1 =	sadd.s32 s3, s1;
	s25 =	smax.u32 s9, $0x1;
	[dreg:$0xa] =	wrdreg s0  }
0x12: {  	s9 =	sshrl.u32 s10, $0x3;
	s10 =	sshrl.u32 @!p0 s6, $0x3;
	[dreg:$0xd] =	wrdreg s25  }
0x13: {  	s6 =	simm.s32 $0x8;
	s7 =	simm.s32 $0x0;
	[dreg:$0xe] =	wrdreg s9  }
0x14: {  	s21 =	sadd.s32 $0x31C00, s5;
	s5 =	sadd.s32 $0x27C00, s5;
	[dreg:$0xf] =	wrdreg s10  }
0x15: {  	s24 =	sadd.s32 $0x13800, s1;
	s25 =	simm.s32 $0xADC0;
	[dreg:$0x8] =	wrdreg s21  }
0x16: {  	s1 =	simm.s32 $0x12AC0;
	s0 =	simm.s32 $0x5;
	[dreg:$0x9] =	wrdreg s5  }
0x17: {  	s8 =	simm.s32 $0xC;
	s5 =	sshrl.u32 s22, $0x4;
	[dreg:$0xc] =	wrdreg s24  }
0x18: {  	s21 =	simm.s32 $0x6F40;
	s22 =	simm.s32 $0xA;
	s23 =	sadd.s32 s3, s5  }
0x19: {  	s24 =	simm.s32 $0xB;
	[dreg:$0xb] =	wrdreg s23;
	s23 =	simm.s32 $0x7  }
.LBB2_1:
0x1a: {  	[dreg:$0x10] =	wrdreg s7  }
0x1b: {  	s3 =	rddreg [dreg:$0x6]  }
0x1c: {  	s7 =	rddreg [dreg:$0x7]  }
0x1d: {  	[spmem:s9], [sflag:s7] =	dma.local [hbm:s3], $0x1380  }
0x1e: {  	s3 =	rddreg [dreg:$0x8]  }
0x1f: {  	s5 =	simm.s32 $0x0;
	s16 =	rddreg [dreg:$0x9]  }
0x20: {  	[tilespmem:s5], [sflag:$0x11] =	stream.linear.gather [hbm4b:s3+s5], $0x2800, $0x38;
	[tilespmem:$0x1E640] =	vst v63  }
0x21: {  	s17 =	simm.s32 $0x2800;
	s3 =	rddreg [dreg:$0xa]  }
0x22: {  	[tilespmem:s17], [sflag:$0x11] =	stream.linear.gather [hbm4b:s16+s5], $0x2800, $0x38;
	[tilespmem:$0x1E640] =	vst v63  }
0x23: {  	[spmem:s10], [sflag:s7] =	dma.local @!p0 [hbm:s3], $0x80  }
0x24: {  	s3 =	simm.s32 @!p0 $0x11  }
0x25: {  	_ =	swait.ge @!p0 [sflag:s3], $0x80  }
0x26: {  	[sflag:s3] =	ssyncset.done @!p0 $0x0  }
0x27: {  	s10 =	simm.s32 $0x11;
	[sflag:s3] =	ssyncadd.s32 @!p0 $0xFFFFFF80  }
0x28: {  	_ =	swait.ge [sflag:s10], $0x1380  }
0x29: {  	[sflag:s10] =	ssyncset.done $0x0  }
0x2a: {  	[sflag:s10] =	ssyncadd.s32 $0xFFFFEC80  }
0x2b: {  	_ =	swait.ge [sflag:s10], $0x2800  }
0x2c: {  	[sflag:s10] =	ssyncset.done $0x0  }
0x2d: {  	[sflag:s10] =	ssyncadd.s32 $0xFFFFD800  }
0x2e: {  	_ =	swait.ge [sflag:s10], $0x2800  }
0x2f: {  	[sflag:s10] =	ssyncset.done $0x0  }
0x30: {  	[sflag:s10] =	ssyncadd.s32 $0xFFFFD800  }
0x31: {  	[bflag:$0x0] =	sbarrier.arrive $0xFFFF  }
0x32: {  	[tilespmem:s19], [sflag:$0x1] =	stream.indirect.gather [hbm4b:s4+s18], $0x40, s5, s18, $0xb8;
	[tilespmem:$0x1E640] =	vst v63  }
0x33: {  	s11 =	simm.s32 $0x80  }
0x34: {  	[tilespmem:s21], [sflag:$0x2] =	stream.indirect.gather [hbm4b:s4+s18], $0x40, s11, s18, $0xb8;
	[tilespmem:$0x1E640] =	vst v63  }
0x35: {  	s12 =	simm.s32 $0x100;
	s13 =	simm.s32 $0x8E80  }
0x36: {  	[tilespmem:s13], [sflag:$0x3] =	stream.indirect.gather [hbm4b:s4+s18], $0x40, s12, s18, $0xb8;
	[tilespmem:$0x1E640] =	vst v63  }
0x37: {  	s14 =	simm.s32 $0x180  }
0x38: {  	[tilespmem:s25], [sflag:$0x4] =	stream.indirect.gather [hbm4b:s4+s18], $0x40, s14, s18, $0xb8;
	[tilespmem:$0x1E640] =	vst v63  }
0x39: {  	_ =	swait.ge [sflag:s26], $0x1F40  }
0x3a: {  	p1 =	por $0x1, $0x1;
	[sflag:s26] =	ssyncset.done $0x0  }
0x3b: {  	s16 =	simm.s32 $0x2800;
	s5 =	simm.s32 @!p1 $0xD;
	[sflag:s26] =	ssyncadd.s32 $0xFFFFE0C0  }
0x3c: {  	[spmem:s2] =	stream.indirect.scatter.add.bf16 [tilespmem:s19], [sflag:$0x9], $0x40, s16, s18, $0xb8;
	[tilespmem:$0x1E640] =	vst v63  }
0x3d: {  	_ =	swait.ge @!p1 [sflag:s5], $0x1F40  }
0x3e: {  	[sflag:s5] =	ssyncset.done @!p1 $0x0  }
0x3f: {  	s17 =	simm.s32 $0x200;
	[sflag:s5] =	ssyncadd.s32 @!p1 $0xFFFFE0C0  }
0x40: {  	[tilespmem:s28], [sflag:$0x5] =	stream.indirect.gather [hbm4b:s4+s18], $0x40, s17, s18, $0xb8;
	[tilespmem:$0x1E640] =	vst v63  }
0x41: {  	_ =	swait.ge [sflag:s29], $0x1F40  }
0x42: {  	[sflag:s29] =	ssyncset.done $0x0  }
0x43: {  	s9 =	simm.s32 @p1 $0xEC40;
	s7 =	simm.s32 $0x2880;
	[sflag:s29] =	ssyncadd.s32 $0xFFFFE0C0  }
0x44: {  	[spmem:s2] =	stream.indirect.scatter.add.bf16 [tilespmem:s21], [sflag:$0xA], $0x40, s7, s18, $0xb8;
	[tilespmem:$0x1E640] =	vst v63  }
0x45: {  	s3 =	simm.s32 @p1 $0x280;
	s10 =	simm.s32 @p1 $0x3;
	s5 =	simm.s32 @p1 $0x7D  }
0x46: {  	[tilespmem:s9], [sflag:$0x6] =	stream.indirect.gather @p1 [hbm4b:s4+s5], $0x40, s3, s5, $0xb8;
	[tilespmem:$0x1E640] =	vst v63  }
0x47: {  	_ =	swait.ge @p1 [sflag:s10], $0x1F40  }
0x48: {  	s3 =	simm.s32 @p1 $0x2900;
	[sflag:s10] =	ssyncset.done @p1 $0x0  }
0x49: {  	s9 =	simm.s32 @p1 $0x8E80;
	[sflag:s10] =	ssyncadd.s32 @p1 $0xFFFFE0C0;
	s10 =	simm.s32 @!p1 $0xE  }
0x4a: {  	[spmem:s2] =	stream.indirect.scatter.add.bf16 @p1 [tilespmem:s9], [sflag:$0xB], $0x40, s3, s5, $0xb8;
	[tilespmem:$0x1E640] =	vst v63  }
0x4b: {  	_ =	swait.ge @!p1 [sflag:s10], $0x1F40  }
0x4c: {  	s3 =	simm.s32 @!p1 $0x280;
	s5 =	simm.s32 @!p1 $0x7D;
	[sflag:s10] =	ssyncset.done @!p1 $0x0  }
0x4d: {  	s9 =	simm.s32 @!p1 $0xEC40;
	[sflag:s10] =	ssyncadd.s32 @!p1 $0xFFFFE0C0;
	s10 =	simm.s32 @!p1 $0x3  }
0x4e: {  	[tilespmem:s9], [sflag:$0x6] =	stream.indirect.gather @!p1 [hbm4b:s4+s5], $0x40, s3, s5, $0xb8;
	[tilespmem:$0x1E640] =	vst v63  }
0x4f: {  	_ =	swait.ge @!p1 [sflag:s10], $0x1F40  }
0x50: {  	s3 =	simm.s32 @!p1 $0x2900;
	[sflag:s10] =	ssyncset.done @!p1 $0x0  }
0x51: {  	s9 =	simm.s32 @!p1 $0x8E80;
	[sflag:s10] =	ssyncadd.s32 @!p1 $0xFFFFE0C0;
	s10 =	simm.s32 @!p1 $0xF  }
0x52: {  	[spmem:s2] =	stream.indirect.scatter.add.bf16 @!p1 [tilespmem:s9], [sflag:$0xB], $0x40, s3, s5, $0xb8;
	[tilespmem:$0x1E640] =	vst v63  }
0x53: {  	_ =	swait.ge @!p1 [sflag:s10], $0x1F40  }
0x54: {  	[sflag:s10] =	ssyncset.done @!p1 $0x0  }
0x55: {  	s9 =	simm.s32 $0x300;
	[sflag:s10] =	ssyncadd.s32 @!p1 $0xFFFFE0C0  }
0x56: {  	[tilespmem:s30], [sflag:$0x7] =	stream.indirect.gather [hbm4b:s4+s18], $0x40, s9, s18, $0xb8;
	[tilespmem:$0x1E640] =	vst v63  }
0x57: {  	_ =	swait.ge [sflag:s31], $0x1F40  }
0x58: {  	[sflag:s31] =	ssyncset.done $0x0  }
0x59: {  	s5 =	simm.s32 @!p1 $0x10;
	s10 =	simm.s32 $0x2980;
	[sflag:s31] =	ssyncadd.s32 $0xFFFFE0C0  }
0x5a: {  	[spmem:s2] =	stream.indirect.scatter.add.bf16 [tilespmem:s25], [sflag:$0xC], $0x40, s10, s18, $0xb8;
	[tilespmem:$0x1E640] =	vst v63  }
0x5b: {  	_ =	swait.ge @!p1 [sflag:s5], $0x1F40  }
0x5c: {  	[sflag:s5] =	ssyncset.done @!p1 $0x0  }
0x5d: {  	s11 =	simm.s32 $0x380;
	[sflag:s5] =	ssyncadd.s32 @!p1 $0xFFFFE0C0  }
0x5e: {  	[tilespmem:s1], [sflag:$0x8] =	stream.indirect.gather [hbm4b:s4+s18], $0x40, s11, s18, $0xb8;
	[tilespmem:$0x1E640] =	vst v63  }
0x5f: {  	_ =	swait.ge [sflag:s0], $0x1F40  }
0x60: {  	[sflag:s0] =	ssyncset.done $0x0  }
0x61: {  	s12 =	simm.s32 $0x2A00;
	[sflag:s0] =	ssyncadd.s32 $0xFFFFE0C0  }
0x62: {  	[spmem:s2] =	stream.indirect.scatter.add.bf16 [tilespmem:s28], [sflag:$0xD], $0x40, s12, s18, $0xb8;
	[tilespmem:$0x1E640] =	vst v63  }
0x63: {  	p1 =	por $0x0, $0x0;
	_ =	swait.ge [sflag:s15], $0x1F40  }
0x64: {  	s3 =	simm.s32 @!p1 $0x5000;
	[sflag:s15] =	ssyncset.done $0x0  }
0x65: {  	s5 =	simm.s32 @!p1 $0x400;
	s9 =	simm.s32 @!p1 $0x7D;
	[sflag:s15] =	ssyncadd.s32 $0xFFFFE0C0  }
0x66: {  	[tilespmem:s3], [sflag:$0x1] =	stream.indirect.gather @!p1 [hbm4b:s4+s9], $0x40, s5, s9, $0xb8;
	[tilespmem:$0x1E640] =	vst v63  }
0x67: {  	_ =	swait.ge [sflag:s20], $0x1F40  }
0x68: {  	[sflag:s20] =	ssyncset.done $0x0  }
0x69: {  	s14 =	simm.s32 $0x2A80;
	s13 =	rddreg [dreg:$0x4];
	[sflag:s20] =	ssyncadd.s32 $0xFFFFE0C0  }
0x6a: {  	[spmem:s2] =	stream.indirect.scatter.add.bf16 [tilespmem:s13], [sflag:$0xE], $0x40, s14, s18, $0xb8;
	[tilespmem:$0x1E640] =	vst v63  }
0x6b: {  	p1 =	por $0x0, $0x0;
	_ =	swait.ge [sflag:s22], $0x1F40  }
0x6c: {  	s3 =	simm.s32 @!p1 $0x6F40;
	[sflag:s22] =	ssyncset.done $0x0  }
0x6d: {  	s5 =	simm.s32 @!p1 $0x480;
	s9 =	simm.s32 @!p1 $0x7D;
	[sflag:s22] =	ssyncadd.s32 $0xFFFFE0C0  }
0x6e: {  	[tilespmem:s3], [sflag:$0x2] =	stream.indirect.gather @!p1 [hbm4b:s4+s9], $0x40, s5, s9, $0xb8;
	[tilespmem:$0x1E640] =	vst v63  }
0x6f: {  	_ =	swait.ge [sflag:s23], $0x1F40  }
0x70: {  	[sflag:s23] =	ssyncset.done $0x0  }
0x71: {  	s16 =	simm.s32 $0x2B00;
	[sflag:s23] =	ssyncadd.s32 $0xFFFFE0C0  }
0x72: {  	[spmem:s2] =	stream.indirect.scatter.add.bf16 [tilespmem:s30], [sflag:$0xF], $0x40, s16, s18, $0xb8;
	[tilespmem:$0x1E640] =	vst v63  }
0x73: {  	p1 =	por $0x0, $0x0;
	_ =	swait.ge [sflag:s24], $0x1F40  }
0x74: {  	s3 =	simm.s32 @!p1 $0x8E80;
	[sflag:s24] =	ssyncset.done $0x0  }
0x75: {  	s5 =	simm.s32 @!p1 $0x500;
	s9 =	simm.s32 @!p1 $0x7D;
	[sflag:s24] =	ssyncadd.s32 $0xFFFFE0C0  }
0x76: {  	[tilespmem:s3], [sflag:$0x3] =	stream.indirect.gather @!p1 [hbm4b:s4+s9], $0x40, s5, s9, $0xb8;
	[tilespmem:$0x1E640] =	vst v63  }
0x77: {  	_ =	swait.ge [sflag:s6], $0x1F40  }
0x78: {  	p2 =	por $0x0, $0x0;
	[sflag:s6] =	ssyncset.done $0x0  }
0x79: {  	s17 =	simm.s32 $0x2B80;
	s11 =	simm.s32 @!p2 $0xADC0;
	[sflag:s6] =	ssyncadd.s32 $0xFFFFE0C0  }
0x7a: {  	[spmem:s2] =	stream.indirect.scatter.add.bf16 [tilespmem:s1], [sflag:$0x10], $0x40, s17, s18, $0xb8;
	[tilespmem:$0x1E640] =	vst v63  }
0x7b: {  	s12 =	simm.s32 @!p2 $0x7D;
	s3 =	simm.s32 $0x1000;
	_ =	swait.ge [sflag:s8], $0x1F40  }
0x7c: {  	s5 =	simm.s32 @!p2 $0x580;
	s9 =	simm.s32 $0x7;
	[sflag:s8] =	ssyncset.done $0x0  }
.LBB2_2:
0x7d: {  	[sflag:s8] =	ssyncadd.s32 $0xFFFFE0C0  }
0x7e: {  	[tilespmem:s11], [sflag:$0x4] =	stream.indirect.gather @!p2 [hbm4b:s4+s12], $0x40, s5, s12, $0xb8;
	[tilespmem:$0x1E640] =	vst v63  }
0x7f: {  	s10 =	smov.u32 s3;
	_ =	swait.ge [sflag:s26], $0x1F40  }
0x80: {  	s11 =	sshra.s32 s10, $0x2;
	p2 =	seq.s32 s10, $0x0;
	[sflag:s26] =	ssyncset.done $0x0  }
0x81: {  	s17 =	sadd.s32 $0x2800, s11;
	s12 =	simm.s32 @!p2 $0xD;
	[sflag:s26] =	ssyncadd.s32 $0xFFFFE0C0  }
0x82: {  	[spmem:s2] =	stream.indirect.scatter.add.bf16 [tilespmem:s19], [sflag:$0x9], $0x40, s17, s18, $0xb8;
	[tilespmem:$0x1E640] =	vst v63  }
0x83: {  	_ =	swait.ge @!p2 [sflag:s12], $0x1F40  }
0x84: {  	[sflag:s12] =	ssyncset.done @!p2 $0x0  }
0x85: {  	s14 =	sadd.s32 $0x200, s11;
	[sflag:s12] =	ssyncadd.s32 @!p2 $0xFFFFE0C0  }
0x86: {  	[tilespmem:s28], [sflag:$0x5] =	stream.indirect.gather [hbm4b:s4+s18], $0x40, s14, s18, $0xb8;
	[tilespmem:$0x1E640] =	vst v63  }
0x87: {  	_ =	swait.ge [sflag:s29], $0x1F40  }
0x88: {  	s7 =	sshra.s32 @p2 s10, $0x2;
	[sflag:s29] =	ssyncset.done $0x0  }
0x89: {  	s13 =	simm.s32 @p2 $0xEC40;
	s14 =	sadd.s32 $0x2880, s11;
	[sflag:s29] =	ssyncadd.s32 $0xFFFFE0C0  }
0x8a: {  	[spmem:s2] =	stream.indirect.scatter.add.bf16 [tilespmem:s21], [sflag:$0xA], $0x40, s14, s18, $0xb8;
	[tilespmem:$0x1E640] =	vst v63  }
0x8b: {  	s5 =	sadd.s32 @p2 $0x280, s7;
	s17 =	simm.s32 @p2 $0x7D;
	s14 =	simm.s32 @p2 $0x3  }
0x8c: {  	[tilespmem:s13], [sflag:$0x6] =	stream.indirect.gather @p2 [hbm4b:s4+s17], $0x40, s5, s17, $0xb8;
	[tilespmem:$0x1E640] =	vst v63  }
0x8d: {  	_ =	swait.ge @p2 [sflag:s14], $0x1F40  }
0x8e: {  	s7 =	sadd.s32 @p2 $0x2900, s7;
	[sflag:s14] =	ssyncset.done @p2 $0x0  }
0x8f: {  	s5 =	simm.s32 @p2 $0x8E80;
	s13 =	simm.s32 @!p2 $0xE;
	[sflag:s14] =	ssyncadd.s32 @p2 $0xFFFFE0C0  }
0x90: {  	[spmem:s2] =	stream.indirect.scatter.add.bf16 @p2 [tilespmem:s5], [sflag:$0xB], $0x40, s7, s17, $0xb8;
	[tilespmem:$0x1E640] =	vst v63  }
0x91: {  	s16 =	sshra.s32 @!p2 s10, $0x2;
	_ =	swait.ge @!p2 [sflag:s13], $0x1F40  }
0x92: {  	s12 =	sadd.s32 @!p2 $0x280, s16;
	s5 =	simm.s32 @!p2 $0x7D;
	[sflag:s13] =	ssyncset.done @!p2 $0x0  }
0x93: {  	s7 =	simm.s32 @!p2 $0xEC40;
	[sflag:s13] =	ssyncadd.s32 @!p2 $0xFFFFE0C0;
	s13 =	simm.s32 @!p2 $0x3  }
0x94: {  	[tilespmem:s7], [sflag:$0x6] =	stream.indirect.gather @!p2 [hbm4b:s4+s5], $0x40, s12, s5, $0xb8;
	[tilespmem:$0x1E640] =	vst v63  }
0x95: {  	_ =	swait.ge @!p2 [sflag:s13], $0x1F40  }
0x96: {  	s16 =	sadd.s32 @!p2 $0x2900, s16;
	[sflag:s13] =	ssyncset.done @!p2 $0x0  }
0x97: {  	s7 =	simm.s32 @!p2 $0x8E80;
	s12 =	simm.s32 @!p2 $0xF;
	[sflag:s13] =	ssyncadd.s32 @!p2 $0xFFFFE0C0  }
0x98: {  	[spmem:s2] =	stream.indirect.scatter.add.bf16 @!p2 [tilespmem:s7], [sflag:$0xB], $0x40, s16, s5, $0xb8;
	[tilespmem:$0x1E640] =	vst v63  }
0x99: {  	_ =	swait.ge @!p2 [sflag:s12], $0x1F40  }
0x9a: {  	[sflag:s12] =	ssyncset.done @!p2 $0x0  }
0x9b: {  	s7 =	sadd.s32 $0x300, s11;
	[sflag:s12] =	ssyncadd.s32 @!p2 $0xFFFFE0C0  }
0x9c: {  	[tilespmem:s30], [sflag:$0x7] =	stream.indirect.gather [hbm4b:s4+s18], $0x40, s7, s18, $0xb8;
	[tilespmem:$0x1E640] =	vst v63  }
0x9d: {  	_ =	swait.ge [sflag:s31], $0x1F40  }
0x9e: {  	[sflag:s31] =	ssyncset.done $0x0  }
0x9f: {  	s13 =	sadd.s32 $0x2980, s11;
	s7 =	simm.s32 @!p2 $0x10;
	[sflag:s31] =	ssyncadd.s32 $0xFFFFE0C0  }
0xa0: {  	[spmem:s2] =	stream.indirect.scatter.add.bf16 [tilespmem:s25], [sflag:$0xC], $0x40, s13, s18, $0xb8;
	[tilespmem:$0x1E640] =	vst v63  }
0xa1: {  	_ =	swait.ge @!p2 [sflag:s7], $0x1F40  }
0xa2: {  	[sflag:s7] =	ssyncset.done @!p2 $0x0  }
0xa3: {  	s14 =	sadd.s32 $0x380, s11;
	[sflag:s7] =	ssyncadd.s32 @!p2 $0xFFFFE0C0  }
0xa4: {  	[tilespmem:s1], [sflag:$0x8] =	stream.indirect.gather [hbm4b:s4+s18], $0x40, s14, s18, $0xb8;
	[tilespmem:$0x1E640] =	vst v63  }
0xa5: {  	_ =	swait.ge [sflag:s0], $0x1F40  }
0xa6: {  	s9 =	sadd.s32 $0x8, s9;
	[sflag:s0] =	ssyncset.done $0x0  }
0xa7: {  	s17 =	sadd.s32 $0xFFFFFFFD, s9;
	s16 =	sadd.s32 $0x2A00, s11;
	[sflag:s0] =	ssyncadd.s32 $0xFFFFE0C0  }
0xa8: {  	[spmem:s2] =	stream.indirect.scatter.add.bf16 [tilespmem:s28], [sflag:$0xD], $0x40, s16, s18, $0xb8;
	[tilespmem:$0x1E640] =	vst v63  }
0xa9: {  	p2 =	sgt.u32 s17, $0x4B;
	_ =	swait.ge [sflag:s15], $0x1F40  }
0xaa: {  	s5 =	sshra.s32 @!p2 s10, $0x2;
	s7 =	simm.s32 @!p2 $0x5000;
	[sflag:s15] =	ssyncset.done $0x0  }
0xab: {  	s12 =	simm.s32 @!p2 $0x7D;
	s5 =	sadd.s32 @!p2 $0x400, s5;
	[sflag:s15] =	ssyncadd.s32 $0xFFFFE0C0  }
0xac: {  	[tilespmem:s7], [sflag:$0x1] =	stream.indirect.gather @!p2 [hbm4b:s4+s12], $0x40, s5, s12, $0xb8;
	[tilespmem:$0x1E640] =	vst v63  }
0xad: {  	_ =	swait.ge [sflag:s20], $0x1F40  }
0xae: {  	s13 =	sadd.s32 $0xFFFFFFFE, s9;
	s12 =	sadd.s32 $0x2A80, s11;
	[sflag:s20] =	ssyncset.done $0x0  }
0xaf: {  	p2 =	sgt.u32 s13, $0x4B;
	s7 =	rddreg [dreg:$0x4];
	[sflag:s20] =	ssyncadd.s32 $0xFFFFE0C0  }
0xb0: {  	[spmem:s2] =	stream.indirect.scatter.add.bf16 [tilespmem:s7], [sflag:$0xE], $0x40, s12, s18, $0xb8;
	[tilespmem:$0x1E640] =	vst v63  }
0xb1: {  	s5 =	sshra.s32 @!p2 s10, $0x2;
	_ =	swait.ge [sflag:s22], $0x1F40  }
0xb2: {  	s5 =	sadd.s32 @!p2 $0x480, s5;
	[sflag:s22] =	ssyncset.done $0x0  }
0xb3: {  	s7 =	simm.s32 @!p2 $0x6F40;
	s12 =	simm.s32 @!p2 $0x7D;
	[sflag:s22] =	ssyncadd.s32 $0xFFFFE0C0  }
0xb4: {  	[tilespmem:s7], [sflag:$0x2] =	stream.indirect.gather @!p2 [hbm4b:s4+s12], $0x40, s5, s12, $0xb8;
	[tilespmem:$0x1E640] =	vst v63  }
0xb5: {  	_ =	swait.ge [sflag:s23], $0x1F40  }
0xb6: {  	[sflag:s23] =	ssyncset.done $0x0  }
0xb7: {  	s14 =	sadd.s32 $0x2B00, s11;
	s16 =	sadd.s32 $0xFFFFFFFF, s9;
	[sflag:s23] =	ssyncadd.s32 $0xFFFFE0C0  }
0xb8: {  	[spmem:s2] =	stream.indirect.scatter.add.bf16 [tilespmem:s30], [sflag:$0xF], $0x40, s14, s18, $0xb8;
	[tilespmem:$0x1E640] =	vst v63  }
0xb9: {  	s3 =	sadd.s32 $0x1000, s3;
	p2 =	sgt.u32 s16, $0x4B;
	_ =	swait.ge [sflag:s24], $0x1F40  }
0xba: {  	s5 =	sshra.s32 @!p2 s10, $0x2;
	s7 =	simm.s32 @!p2 $0x8E80;
	[sflag:s24] =	ssyncset.done $0x0  }
0xbb: {  	s12 =	simm.s32 @!p2 $0x7D;
	s5 =	sadd.s32 @!p2 $0x500, s5;
	[sflag:s24] =	ssyncadd.s32 $0xFFFFE0C0  }
0xbc: {  	[tilespmem:s7], [sflag:$0x3] =	stream.indirect.gather @!p2 [hbm4b:s4+s12], $0x40, s5, s12, $0xb8;
	[tilespmem:$0x1E640] =	vst v63  }
0xbd: {  	p1 =	sne.s32 s3, $0xA000;
	_ =	swait.ge [sflag:s6], $0x1F40  }
.Ltmp0:
0xbe: {  	[sflag:s6] =	ssyncset.done $0x0;
	(pc) =	sbr.rel @p1 .LBB2_2-.Ltmp0, $4  }
0xbf: {  	s17 =	sadd.s32 $0x2B80, s11;
	p2 =	sgt.u32 s9, $0x4B;
	[sflag:s6] =	ssyncadd.s32 $0xFFFFE0C0  }
0xc0: {  	[spmem:s2] =	stream.indirect.scatter.add.bf16 [tilespmem:s1], [sflag:$0x10], $0x40, s17, s18, $0xb8;
	[tilespmem:$0x1E640] =	vst v63  }
0xc1: {  	s5 =	sshra.s32 @!p2 s10, $0x2;
	s11 =	simm.s32 @!p2 $0xADC0;
	_ =	swait.ge [sflag:s8], $0x1F40  }
0xc2: {  	s12 =	simm.s32 @!p2 $0x7D;
	s5 =	sadd.s32 @!p2 $0x580, s5;
	[sflag:s8] =	ssyncset.done $0x0  }
0xc3: {  	[sflag:s8] =	ssyncadd.s32 $0xFFFFE0C0;
	s3 =	simm.s32 $0xD  }
0xc4: {  	[tilespmem:s11], [sflag:$0x4] =	stream.indirect.gather @!p2 [hbm4b:s4+s12], $0x40, s5, s12, $0xb8;
	[tilespmem:$0x1E640] =	vst v63  }
0xc5: {  	_ =	swait.ge [sflag:s3], $0x1F40  }
0xc6: {  	[sflag:s3] =	ssyncset.done $0x0  }
0xc7: {  	s10 =	simm.s32 $0xE;
	[sflag:s3] =	ssyncadd.s32 $0xFFFFE0C0  }
0xc8: {  	_ =	swait.ge [sflag:s10], $0x1F40  }
0xc9: {  	[sflag:s10] =	ssyncset.done $0x0  }
0xca: {  	s11 =	simm.s32 $0xF;
	[sflag:s10] =	ssyncadd.s32 $0xFFFFE0C0  }
0xcb: {  	_ =	swait.ge [sflag:s11], $0x1F40  }
0xcc: {  	[sflag:s11] =	ssyncset.done $0x0  }
0xcd: {  	s12 =	simm.s32 $0x10;
	[sflag:s11] =	ssyncadd.s32 $0xFFFFE0C0  }
0xce: {  	_ =	swait.ge [sflag:s12], $0x1F40  }
0xcf: {  	[sflag:s12] =	ssyncset.done $0x0  }
0xd0: {  	[sflag:s12] =	ssyncadd.s32 $0xFFFFE0C0  }
0xd1: {  	[bflag:$0x0] =	sbarrier.arrive $0xFFFF  }
0xd2: {  	s13 =	rddreg [dreg:$0x5]  }
0xd3: {  	s14 =	rddreg [dreg:$0xb]  }
0xd4: {  	s16 =	simm.s32 $0x12;
	s9 =	rddreg [dreg:$0xe];
	s3 =	sor.u32 $0x1C12, s13  }
0xd5: {  	[hbm:s14], [sflag:s3] =	dma.local [spmem:s9], $0x1380  }
0xd6: {  	_ =	swait.ge [sflag:s16], $0x1380  }
0xd7: {  	[sflag:s16] =	ssyncset.done $0x0;
	s5 =	rddreg [dreg:$0xc]  }
0xd8: {  	s10 =	rddreg [dreg:$0xf];
	[sflag:s16] =	ssyncadd.s32 $0xFFFFEC80  }
0xd9: {  	[hbm:s5], [sflag:s3] =	dma.local @!p0 [spmem:s10], $0x80  }
0xda: {  	s3 =	simm.s32 @!p0 $0x12  }
0xdb: {  	_ =	swait.ge @!p0 [sflag:s3], $0x80  }
0xdc: {  	s7 =	rddreg [dreg:$0x10]  }
0xdd: {  	s17 =	rddreg [dreg:$0xd];
	s7 =	sadd.s32 $0x1, s7  }
0xde: {  	p1 =	sne.s32 s7, s17  }
.Ltmp1:
0xdf: {  	_ = 	snop;
	(pc) =	sbr.rel @p1 .LBB2_1-.Ltmp1, $3  }
0xe0: {  	_ =	sdelay $0x1  }
0xe1: {  	[sflag:s3] =	ssyncset.done @!p0 $0x0  }
0xe2: {  	[sflag:s3] =	ssyncadd.s32 @!p0 $0xFFFFFF80  }
0xe3: {  	_ =	sfence.sel $0x180000  }
0xe4: {  	[bflag:$0x0] =	sbarrier.arrive $0xFFFF  }
0xe5: {  	_ =	strace $0x90000047  }
0xe6: {  	s0 =	stileid.u32;
	[bflag:$0x2] =	sbarrier.arrive $0xFFFF  }
0xe7: {  	p0 =	sne.s32 s0, $0x0;
	s0 =	rddreg [dreg:$0x3]  }
0xe8: {  	s0 =	sadd.s32 @!p0 $0x100000, s0  }
0xe9: {  	[sflag:s0] =	ssyncadd.tile.s32 @!p0 $0x1;
	_ =	shalt  }
.Lfunc_end2:
_tile_overlayer_lowered:
.L_overlay_start_2:
0xea: {  	(tag) =	ssettag $0x2  }
0xeb: {  	s0 =	rddreg [dreg:$0x0];
	s2 =	stileid.u32  }
0xec: {  	s1 =	rddreg [dreg:$0x1];
	p0 =	sne.s32 s2, $0x0  }
0xed: {  	s3 =	rddreg [dreg:$0x2];
	[bflag:$0x3] =	sbarrier.arrive $0xFFFF;
	s2 =	simm.s32 @!p0 $0x1C12  }
0xee: {  	[timem:s3], [sflag:s2] =	dma.local @!p0 [hbm:s0], s1  }
0xef: {  	s0 =	simm.s32 @!p0 $0x12  }
0xf0: {  	_ =	swait.ge @!p0 [sflag:s0], s1  }
0xf1: {  	s1 =	ssub.s32 @!p0 $0x0, s1;
	[sflag:s0] =	ssyncset.done @!p0 $0x0  }
0xf2: {  	[sflag:s0] =	ssyncadd.s32 @!p0 s1  }
0xf3: {  	[bflag:$0x3] =	sbarrier.arrive $0xFFFF  }
0xf4: {  	_ =	shalt  }

// kernel: kernel.9.cloned.1.call-start
scs
__scs_entry_jumppad:
0x0: {  	(pc) =	sbr.rel $0x88, $3  }
0x1: {  	(tag) =	ssettag $0x0;
	lr =	simm.s32 $0x1  }
0x2: {  	[smem:$0x3F9D] =	sst lr;
	_ =	strace $0xD0000000  }
0x3: {  	_ = 	snop  }
0x4: {  	_ = 	snop  }
0x5: {  	_ = 	snop  }
0x6: {  	_ = 	snop  }
0x7: {  	_ = 	snop  }
__scs_overlays_trampoline_lowered:
0x8: {  	[smem:$0x3FAC] =	sst s0  }
0x9: {  	[smem:$0x3FAD] =	sst s1  }
0xa: {  	[smem:$0x3FAE] =	sst s2  }
0xb: {  	[smem:$0x3FAF] =	sst s3  }
0xc: {  	[smem:$0x3FB0] =	sst s4  }
0xd: {  	[smem:$0x3FB1] =	sst s5  }
0xe: {  	[smem:$0x3FB2] =	sst s6  }
0xf: {  	[smem:$0x3FB3] =	sst s7  }
0x10: {  	[smem:$0x3FB4] =	sst s8  }
0x11: {  	[smem:$0x3FB5] =	sst s9;
	s0 =	simm.s32 @!p0 $0x0  }
0x12: {  	s1 =	sld [smem:$0x3F9B];
	s0 =	simm.s32 @p0 $0x1  }
0x13: {  	[smem:$0x3FB6] =	sst s0;
	s0 =	simm.s32 @!p1 $0x0  }
0x14: {  	s2 =	sld [smem:$0x3F9A];
	s0 =	simm.s32 @p1 $0x1  }
0x15: {  	[smem:$0x3FB7] =	sst s0;
	s0 =	simm.s32 @!p2 $0x0  }
0x16: {  	s3 =	sld [smem:$0x3FDB];
	s0 =	simm.s32 @p2 $0x1  }
0x17: {  	s4 =	simm.s32 $0x1BF5;
	[smem:$0x3FB9] =	sst s0  }
0x18: {  	s0 =	sld [smem:$0x3F9C];
	_ =	swait.ge [sflag:s4], $0x0  }
0x19: {  	s7 =	sld [smem:$0x3F9D]  }
0x1a: {  	s8 =	sadd.s32 $0xFFFFE003, lr  }
0x1b: {  	s9 =	sadd.s32 $0xFFFFFEF7, lr;
	s5 =	simm.s32 $0xFFFFFFFF;
	p2 =	slt.u32 s8, $0xFFFFF086  }
0x1c: {  	p1 =	slt.u32 s9, $0xF7A;
	s5 =	simm.s32 @!p2 $0x0  }
0x1d: {  	s5 =	simm.s32 @p1 $0x1;
	p0 =	seq.s32 s7, s2  }
0x1e: {  	s7 =	smul.u32 @!p0 $0xF7A, s2;
	p2 =	seq.s32 @!p0 s5, $0x0  }
0x1f: {  	s9 =	smul.u32 $0xF7A, s1;
	s8 =	simm.s32 @!p0 $0x1BF5;
	p2 =	por !p2, p0  }
0x20: {  	[sflag:s8] =	ssyncset.s32 @!p0 $0xFFFFF086;
	s6 =	sadd.s32 @!p0 s3, s7;
	s7 =	simm.s32 @!p0 $0x108  }
0x21: {  	s3 =	sadd.s32 s3, s9;
	s6 =	sadd.s32 @!p0 $0x88, s6;
	s7 =	simm.s32 @p2 $0x1082  }
0x22: {  	[simem:s7], [sflag:s8] =	dma.local @!p0 [hbm:s6], $0xF7A  }
0x23: {  	s9 =	sor.u32 $0xD0000000, s2;
	s6 =	simm.s32 $0x108;
	_ =	swait.ge @!p0 [sflag:s8], $0x0  }
0x24: {  	s3 =	sadd.s32 $0x88, s3;
	s6 =	simm.s32 @!p1 $0x1082;
	[sflag:s4] =	ssyncset.s32 $0xFFFFF086  }
0x25: {  	[simem:s6], [sflag:s4] =	dma.local [hbm:s3], $0xF7A  }
0x26: {  	[smem:$0x3F9D] =	sst s1;
	(tag) =	ssettag s2;
	_ =	strace s9  }
0x27: {  	s1 =	sld [smem:$0x3FAD]  }
0x28: {  	s2 =	sld [smem:$0x3FAE]  }
0x29: {  	s4 =	sld [smem:$0x3FB0]  }
0x2a: {  	p0 =	seq.s32 s5, $0x0;
	s5 =	sld [smem:$0x3FB1]  }
0x2b: {  	s6 =	sld [smem:$0x3FB2]  }
0x2c: {  	s7 =	sld [smem:$0x3FB3]  }
0x2d: {  	s3 =	simm.s32 $0x108;
	s8 =	sld [smem:$0x3FB4]  }
0x2e: {  	s3 =	simm.s32 @!p0 $0x1082;
	s9 =	sld [smem:$0x3FB5]  }
0x2f: {  	lr =	sadd.s32 s0, s3;
	s0 =	sld [smem:$0x3FAC]  }
0x30: {  	s3 =	sld [smem:$0x3FAF]  }
0x31: {  	[smem:$0x3FB8] =	sst s10  }
0x32: {  	s10 =	sld [smem:$0x3FB6];
	_ =	sdelay $0x3  }
0x33: {  	p0 =	seq.s32 s10, $0x1;
	s10 =	sld [smem:$0x3FB8];
	_ =	sdelay $0x3  }
0x34: {  	[smem:$0x3FB8] =	sst s10  }
0x35: {  	s10 =	sld [smem:$0x3FB7];
	_ =	sdelay $0x3  }
0x36: {  	p1 =	seq.s32 s10, $0x1;
	s10 =	sld [smem:$0x3FB8];
	_ =	sdelay $0x3  }
0x37: {  	[smem:$0x3FB8] =	sst s10  }
0x38: {  	s10 =	sld [smem:$0x3FB9]  }
0x39: {  	_ = 	snop;
	(pc) =	sbr.ind lr, $3  }
0x3a: {  	_ = 	snop  }
0x3b: {  	_ = 	snop  }
0x3c: {  	p2 =	seq.s32 s10, $0x1;
	s10 =	sld [smem:$0x3FB8]  }
0x3d: {  	_ =	shalt  }
0x3e: {  	_ =	shalt  }
0x3f: {  	_ =	shalt  }
0x40: {  	_ =	shalt  }
0x41: {  	_ =	shalt  }
0x42: {  	_ =	shalt  }
0x43: {  	_ =	shalt  }
0x44: {  	_ =	shalt  }
0x45: {  	_ =	shalt  }
0x46: {  	_ =	shalt  }
0x47: {  	_ =	shalt  }
0x48: {  	_ =	shalt  }
0x49: {  	_ =	shalt  }
0x4a: {  	_ =	shalt  }
0x4b: {  	_ =	shalt  }
0x4c: {  	_ =	shalt  }
0x4d: {  	_ =	shalt  }
0x4e: {  	_ =	shalt  }
0x4f: {  	_ =	shalt  }
0x50: {  	_ =	shalt  }
0x51: {  	_ =	shalt  }
0x52: {  	_ =	shalt  }
0x53: {  	_ =	shalt  }
0x54: {  	_ =	shalt  }
0x55: {  	_ =	shalt  }
0x56: {  	_ =	shalt  }
0x57: {  	_ =	shalt  }
0x58: {  	_ =	shalt  }
0x59: {  	_ =	shalt  }
0x5a: {  	_ =	shalt  }
0x5b: {  	_ =	shalt  }
0x5c: {  	_ =	shalt  }
0x5d: {  	_ =	shalt  }
0x5e: {  	_ =	shalt  }
0x5f: {  	_ =	shalt  }
0x60: {  	_ =	shalt  }
0x61: {  	_ =	shalt  }
0x62: {  	_ =	shalt  }
0x63: {  	_ =	shalt  }
0x64: {  	_ =	shalt  }
0x65: {  	_ =	shalt  }
0x66: {  	_ =	shalt  }
0x67: {  	_ =	shalt  }
0x68: {  	_ =	shalt  }
0x69: {  	_ =	shalt  }
0x6a: {  	_ =	shalt  }
0x6b: {  	_ =	shalt  }
0x6c: {  	_ =	shalt  }
0x6d: {  	_ =	shalt  }
0x6e: {  	_ =	shalt  }
0x6f: {  	_ =	shalt  }
0x70: {  	_ =	shalt  }
0x71: {  	_ =	shalt  }
0x72: {  	_ =	shalt  }
0x73: {  	_ =	shalt  }
0x74: {  	_ =	shalt  }
0x75: {  	_ =	shalt  }
0x76: {  	_ =	shalt  }
0x77: {  	_ =	shalt  }
0x78: {  	_ =	shalt  }
0x79: {  	_ =	shalt  }
0x7a: {  	_ =	shalt  }
0x7b: {  	_ =	shalt  }
0x7c: {  	_ =	shalt  }
0x7d: {  	_ =	shalt  }
0x7e: {  	_ =	shalt  }
0x7f: {  	_ =	shalt  }
0x80: {  	_ =	shalt  }
0x81: {  	_ =	shalt  }
0x82: {  	_ =	shalt  }
0x83: {  	_ =	shalt  }
0x84: {  	_ =	shalt  }
0x85: {  	_ =	shalt  }
0x86: {  	_ =	shalt  }
0x87: {  	_ =	shalt  }
.Lfunc_end0:
.L_simem_size_0:
called_computation.1_lowered:
.L_overlay_start_0:
0x88: {  	s2 =	sld [smem:$0x3FD9]  }
0x89: {  	s3 =	sld [smem:$0x3FFE];
	_ =	sdelay $0x1  }
0x8a: {  	s1 =	srdreg.scid  }
0x8b: {  	s0 =	sand.u32 $0x1, s1  }
0x8c: {  	s17 =	sshll.u32 s0, $0xA;
	s2 =	sadd.s32 s3, s2  }
0x8d: {  	s2 =	sadd.s32 s2, s17  }
0x8e: {  	[smem:$0x3FC4] =	sst s2  }
0x8f: {  	_ = 	snop  }
0x90: {  	s2 =	sld [smem:$0x3FD0];
	(tm) =	ssettm $0x1  }
0x91: {  	s18 =	sld [smem:$0x3FFB];
	_ =	sdelay $0x3  }
0x92: {  	_ =	strace s18  }
0x93: {  	s3 =	sld [smem:$0x3FFC];
	_ =	sdelay $0x3  }
0x94: {  	_ =	strace s3  }
0x95: {  	s3 =	sld [smem:$0x3FFD];
	_ =	sdelay $0x3  }
0x96: {  	_ =	strace s3  }
0x97: {  	_ =	strace $0x8FFFFFFF  }
0x98: {  	s19 =	sld [smem:$0x3FDB];
	_ =	sdelay $0x1  }
0x99: {  	s4 =	simm.s32 $_scs_section_size  }
0x9a: {  	s5 =	simm.s32 $_size__tile_overlayer_lowered;
	s6 =	simm.s32 $_tile_overlayer_lowered  }
0x9b: {  	s22 =	simm.s32 $0x1BFF;
	s21 =	sshll.u32 s6, $0x1;
	s3 =	sadd.s32 s4, s19  }
0x9c: {  	s7 =	simm.s32 $0x0;
	s20 =	sshll.u32 s5, $0x1;
	s5 =	sadd.s32 s21, s3  }
0x9d: {  	[timem:s7], [sflag:s22] =	dma.local [hbm:s5], s20  }
0x9e: {  	_ =	swait.ge [sflag:s22], s20  }
0x9f: {  	s4 =	ssub.s32 $0x0, s20;
	[sflag:s22] =	ssyncset.done $0x0  }
0xa0: {  	[sflag:s22] =	ssyncadd.s32 s4;
	_ =	sdelay $0x1  }
0xa1: {  	s23 =	simm.s32 $0x1B8B  }
0xa2: {  	_ =	swait.ge [sflag:s23], $0x1  }
0xa3: {  	[sflag:s23] =	ssyncset.done $0x0  }
0xa4: {  	s25 =	simm.s32 $0x1B8E;
	s24 =	sld [smem:$0x3FFE];
	[sflag:s23] =	ssyncadd.s32 $0xFFFFFFFF  }
0xa5: {  	s26 =	simm.s32 $execute0_lowered;
	[smem:$0x3FD2] =	sst s25  }
0xa6: {  	s5 =	sshll.u32 s26, $0x1;
	_ =	strace $0x80000049;
	[dreg:$0x1] =	wrdreg $0xFFFFFFFF  }
0xa7: {  	s28 =	simm.s32 $_size_execute0_lowered;
	s3 =	sadd.s32 s3, s5;
	[dreg:$0x0] =	wrdreg $0x0  }
0xa8: {  	s5 =	sshll.u32 s28, $0x1;
	[dreg:$0x2] =	wrdreg s3  }
0xa9: {  	[dreg:$0x3] =	wrdreg s5  }
0xaa: {  	[dreg:$0x4] =	wrdreg $0xC0  }
0xab: {  	_ =	task [dreg:s7], $0x5FFFF  }
0xac: {  	[dreg:$0x1] =	wrdreg $0xFFFFFFFF  }
0xad: {  	[dreg:$0x0] =	wrdreg $0x60  }
0xae: {  	[dreg:$0x2] =	wrdreg s24  }
0xaf: {  	[dreg:$0x3] =	wrdreg s2  }
0xb0: {  	[dreg:$0x4] =	wrdreg $0x14A000  }
0xb1: {  	[dreg:$0x5] =	wrdreg $0x9  }
0xb2: {  	_ =	task.clear_ibuf [dreg:s7], $0x6FFFF;
	_ =	strace $0x90000049  }
0xb3: {  	s29 =	simm.s32 $0x9;
	_ =	strace $0x8000004B  }
0xb4: {  	_ =	swait.ge [sflag:s29], $0x1  }
0xb5: {  	[sflag:s29] =	ssyncadd.s32 $0xFFFFFFFF  }
0xb6: {  	_ =	strace $0x9000004B  }
0xb7: {  	_ =	sfence  }
0xb8: {  	s30 =	sld [smem:$0x0];
	_ =	sdelay $0x2  }
0xb9: {  	s31 =	sshll.u32 s1, $0xD;
	s1 =	sshrl.u32 s1, $0x2  }
0xba: {  	s3 =	sand.u32 $0x4000, s31;
	s1 =	sadd.s32 s1, s30  }
0xbb: {  	s0 =	sor.u32 s3, s0;
	s1 =	sshll.u32 s1, $0x11  }
0xbc: {  	s0 =	sor.u32 s1, s0  }
0xbd: {  	s0 =	sadd.s32 $0x8F2B, s0  }
0xbe: {  	[sflag:s0] =	ssyncadd.remote.s32 $0x1  }
0xbf: {  	_ =	sfence.sel $0xFFFF  }
0xc0: {  	[dreg:$0x0] =	wrdreg $0xFFFFFFFF;
	(pc) =	sbr.abs _section_cstart, $3  }
0xc1: {  	[dreg:$0x1] =	wrdreg $0xFFFFFFFF  }
0xc2: {  	_ =	task.clear_ibuf [dreg:s7], $0x2FFFF;
	_ =	strace $0x9FFFFFFF  }
0xc3: {  	(tm) =	ssettm $0x7FFFFFFF  }
tec
execute0_lowered:
.L_overlay_start_1:
0x0: {  	(tag) =	ssettag $0x1  }
0x1: {  	s0 =	rddreg [dreg:$0x0]  }
0x2: {  	s1 =	srdreg.scid;
	s3 =	rddreg [dreg:$0x1]  }
0x3: {  	s11 =	stileid.u32;
	s2 =	rddreg [dreg:$0x2];
	s6 =	simm.s32 $0x0  }
0x4: {  	s26 =	simm.s32 $0xEC40;
	s28 =	simm.s32 $0xCD00;
	s29 =	simm.s32 $0x2  }
0x5: {  	s30 =	simm.s32 $0x10B80;
	s31 =	simm.s32 $0x4;
	s15 =	simm.s32 $0x9  }
0x6: {  	s1 =	sand.u32 $0x1, s1;
	s4 =	sshll.u32 s11, $0x1;
	[smem:$0x7FF] =	sst s6  }
0x7: {  	s18 =	smul.u32 $0x13800, s11;
	s20 =	sshll.u32 s11, $0x6;
	s6 =	sadd.s32 $0x9C000, s2  }
0x8: {  	p0 =	sne.s32 s11, $0xF;
	s4 =	sor.u32 s1, s4;
	_ =	strace $0x8000004A  }
0x9: {  	s7 =	ssub.s32 $0x2, s1;
	s1 =	smul.u32 $0x138800, s1;
	[dreg:$0x5] =	wrdreg s20  }
0xa: {  	[dreg:$0x4] =	wrdreg s26;
	s26 =	simm.s32 $0x1;
	s5 =	smul.u32 $0x500, s4  }
0xb: {  	s4 =	sadd.s32 $0x14200, s0;
	s8 =	sshrl.u32 s18, $0x4;
	s9 =	sshrl.u32 s7, $0x1  }
0xc: {  	s19 =	sshrl.u32 s18, $0x1;
	s8 =	sadd.s32 s8, s0;
	s9 =	ssub.s32 s7, s9  }
0xd: {  	s10 =	sadd.s32 s19, s2;
	s7 =	sor.u32 $0x1C11, s20;
	s22 =	sadd.s32 s18, s1  }
0xe: {  	s1 =	sshrl.u32 s1, $0x4;
	s18 =	simm.s32 $0x7D;
	s19 =	simm.s32 $0x5000  }
0xf: {  	s20 =	simm.s32 $0x6;
	s8 =	sadd.s32 $0x800, s8;
	[dreg:$0x7] =	wrdreg s7  }
0x10: {  	s5 =	sadd.s32 s5, s0;
	s0 =	sadd.s32 $0x14000, s0;
	[dreg:$0x6] =	wrdreg s8  }
0x11: {  	s1 =	sadd.s32 s3, s1;
	s25 =	smax.u32 s9, $0x1;
	[dreg:$0xa] =	wrdreg s0  }
0x12: {  	s9 =	sshrl.u32 s10, $0x3;
	s10 =	sshrl.u32 @!p0 s6, $0x3;
	[dreg:$0xd] =	wrdreg s25  }
0x13: {  	s6 =	simm.s32 $0x8;
	s7 =	simm.s32 $0x0;
	[dreg:$0xe] =	wrdreg s9  }
0x14: {  	s21 =	sadd.s32 $0x31C00, s5;
	s5 =	sadd.s32 $0x27C00, s5;
	[dreg:$0xf] =	wrdreg s10  }
0x15: {  	s24 =	sadd.s32 $0x13800, s1;
	s25 =	simm.s32 $0xADC0;
	[dreg:$0x8] =	wrdreg s21  }
0x16: {  	s1 =	simm.s32 $0x12AC0;
	s0 =	simm.s32 $0x5;
	[dreg:$0x9] =	wrdreg s5  }
0x17: {  	s8 =	simm.s32 $0xC;
	s5 =	sshrl.u32 s22, $0x4;
	[dreg:$0xc] =	wrdreg s24  }
0x18: {  	s21 =	simm.s32 $0x6F40;
	s22 =	simm.s32 $0xA;
	s23 =	sadd.s32 s3, s5  }
0x19: {  	s24 =	simm.s32 $0xB;
	[dreg:$0xb] =	wrdreg s23;
	s23 =	simm.s32 $0x7  }
.LBB2_1:
0x1a: {  	[dreg:$0x10] =	wrdreg s7  }
0x1b: {  	s3 =	rddreg [dreg:$0x6]  }
0x1c: {  	s7 =	rddreg [dreg:$0x7]  }
0x1d: {  	[spmem:s9], [sflag:s7] =	dma.local [hbm:s3], $0x1380  }
0x1e: {  	s3 =	rddreg [dreg:$0x8]  }
0x1f: {  	s5 =	simm.s32 $0x0;
	s16 =	rddreg [dreg:$0x9]  }
0x20: {  	[tilespmem:s5], [sflag:$0x11] =	stream.linear.gather [hbm4b:s3+s5], $0x2800, $0x38;
	[tilespmem:$0x1E640] =	vst v63  }
0x21: {  	s17 =	simm.s32 $0x2800;
	s3 =	rddreg [dreg:$0xa]  }
0x22: {  	[tilespmem:s17], [sflag:$0x11] =	stream.linear.gather [hbm4b:s16+s5], $0x2800, $0x38;
	[tilespmem:$0x1E640] =	vst v63  }
0x23: {  	[spmem:s10], [sflag:s7] =	dma.local @!p0 [hbm:s3], $0x80  }
0x24: {  	s3 =	simm.s32 @!p0 $0x11  }
0x25: {  	_ =	swait.ge @!p0 [sflag:s3], $0x80  }
0x26: {  	[sflag:s3] =	ssyncset.done @!p0 $0x0  }
0x27: {  	s10 =	simm.s32 $0x11;
	[sflag:s3] =	ssyncadd.s32 @!p0 $0xFFFFFF80  }
0x28: {  	_ =	swait.ge [sflag:s10], $0x1380  }
0x29: {  	[sflag:s10] =	ssyncset.done $0x0  }
0x2a: {  	[sflag:s10] =	ssyncadd.s32 $0xFFFFEC80  }
0x2b: {  	_ =	swait.ge [sflag:s10], $0x2800  }
0x2c: {  	[sflag:s10] =	ssyncset.done $0x0  }
0x2d: {  	[sflag:s10] =	ssyncadd.s32 $0xFFFFD800  }
0x2e: {  	_ =	swait.ge [sflag:s10], $0x2800  }
0x2f: {  	[sflag:s10] =	ssyncset.done $0x0  }
0x30: {  	[sflag:s10] =	ssyncadd.s32 $0xFFFFD800  }
0x31: {  	[bflag:$0x0] =	sbarrier.arrive $0xFFFF  }
0x32: {  	[tilespmem:s19], [sflag:$0x1] =	stream.indirect.gather [hbm4b:s4+s18], $0x40, s5, s18, $0xb8;
	[tilespmem:$0x1E640] =	vst v63  }
0x33: {  	s11 =	simm.s32 $0x80  }
0x34: {  	[tilespmem:s21], [sflag:$0x2] =	stream.indirect.gather [hbm4b:s4+s18], $0x40, s11, s18, $0xb8;
	[tilespmem:$0x1E640] =	vst v63  }
0x35: {  	s12 =	simm.s32 $0x100;
	s13 =	simm.s32 $0x8E80  }
0x36: {  	[tilespmem:s13], [sflag:$0x3] =	stream.indirect.gather [hbm4b:s4+s18], $0x40, s12, s18, $0xb8;
	[tilespmem:$0x1E640] =	vst v63  }
0x37: {  	s14 =	simm.s32 $0x180  }
0x38: {  	[tilespmem:s25], [sflag:$0x4] =	stream.indirect.gather [hbm4b:s4+s18], $0x40, s14, s18, $0xb8;
	[tilespmem:$0x1E640] =	vst v63  }
0x39: {  	_ =	swait.ge [sflag:s26], $0x1F40  }
0x3a: {  	p1 =	por $0x1, $0x1;
	[sflag:s26] =	ssyncset.done $0x0  }
0x3b: {  	s16 =	simm.s32 $0x2800;
	s5 =	simm.s32 @!p1 $0xD;
	[sflag:s26] =	ssyncadd.s32 $0xFFFFE0C0  }
0x3c: {  	[spmem:s2] =	stream.indirect.scatter.add.bf16 [tilespmem:s19], [sflag:$0x9], $0x40, s16, s18, $0xb8;
	[tilespmem:$0x1E640] =	vst v63  }
0x3d: {  	_ =	swait.ge @!p1 [sflag:s5], $0x1F40  }
0x3e: {  	[sflag:s5] =	ssyncset.done @!p1 $0x0  }
0x3f: {  	s17 =	simm.s32 $0x200;
	[sflag:s5] =	ssyncadd.s32 @!p1 $0xFFFFE0C0  }
0x40: {  	[tilespmem:s28], [sflag:$0x5] =	stream.indirect.gather [hbm4b:s4+s18], $0x40, s17, s18, $0xb8;
	[tilespmem:$0x1E640] =	vst v63  }
0x41: {  	_ =	swait.ge [sflag:s29], $0x1F40  }
0x42: {  	[sflag:s29] =	ssyncset.done $0x0  }
0x43: {  	s9 =	simm.s32 @p1 $0xEC40;
	s7 =	simm.s32 $0x2880;
	[sflag:s29] =	ssyncadd.s32 $0xFFFFE0C0  }
0x44: {  	[spmem:s2] =	stream.indirect.scatter.add.bf16 [tilespmem:s21], [sflag:$0xA], $0x40, s7, s18, $0xb8;
	[tilespmem:$0x1E640] =	vst v63  }
0x45: {  	s3 =	simm.s32 @p1 $0x280;
	s10 =	simm.s32 @p1 $0x3;
	s5 =	simm.s32 @p1 $0x7D  }
0x46: {  	[tilespmem:s9], [sflag:$0x6] =	stream.indirect.gather @p1 [hbm4b:s4+s5], $0x40, s3, s5, $0xb8;
	[tilespmem:$0x1E640] =	vst v63  }
0x47: {  	_ =	swait.ge @p1 [sflag:s10], $0x1F40  }
0x48: {  	s3 =	simm.s32 @p1 $0x2900;
	[sflag:s10] =	ssyncset.done @p1 $0x0  }
0x49: {  	s9 =	simm.s32 @p1 $0x8E80;
	[sflag:s10] =	ssyncadd.s32 @p1 $0xFFFFE0C0;
	s10 =	simm.s32 @!p1 $0xE  }
0x4a: {  	[spmem:s2] =	stream.indirect.scatter.add.bf16 @p1 [tilespmem:s9], [sflag:$0xB], $0x40, s3, s5, $0xb8;
	[tilespmem:$0x1E640] =	vst v63  }
0x4b: {  	_ =	swait.ge @!p1 [sflag:s10], $0x1F40  }
0x4c: {  	s3 =	simm.s32 @!p1 $0x280;
	s5 =	simm.s32 @!p1 $0x7D;
	[sflag:s10] =	ssyncset.done @!p1 $0x0  }
0x4d: {  	s9 =	simm.s32 @!p1 $0xEC40;
	[sflag:s10] =	ssyncadd.s32 @!p1 $0xFFFFE0C0;
	s10 =	simm.s32 @!p1 $0x3  }
0x4e: {  	[tilespmem:s9], [sflag:$0x6] =	stream.indirect.gather @!p1 [hbm4b:s4+s5], $0x40, s3, s5, $0xb8;
	[tilespmem:$0x1E640] =	vst v63  }
0x4f: {  	_ =	swait.ge @!p1 [sflag:s10], $0x1F40  }
0x50: {  	s3 =	simm.s32 @!p1 $0x2900;
	[sflag:s10] =	ssyncset.done @!p1 $0x0  }
0x51: {  	s9 =	simm.s32 @!p1 $0x8E80;
	[sflag:s10] =	ssyncadd.s32 @!p1 $0xFFFFE0C0;
	s10 =	simm.s32 @!p1 $0xF  }
0x52: {  	[spmem:s2] =	stream.indirect.scatter.add.bf16 @!p1 [tilespmem:s9], [sflag:$0xB], $0x40, s3, s5, $0xb8;
	[tilespmem:$0x1E640] =	vst v63  }
0x53: {  	_ =	swait.ge @!p1 [sflag:s10], $0x1F40  }
0x54: {  	[sflag:s10] =	ssyncset.done @!p1 $0x0  }
0x55: {  	s9 =	simm.s32 $0x300;
	[sflag:s10] =	ssyncadd.s32 @!p1 $0xFFFFE0C0  }
0x56: {  	[tilespmem:s30], [sflag:$0x7] =	stream.indirect.gather [hbm4b:s4+s18], $0x40, s9, s18, $0xb8;
	[tilespmem:$0x1E640] =	vst v63  }
0x57: {  	_ =	swait.ge [sflag:s31], $0x1F40  }
0x58: {  	[sflag:s31] =	ssyncset.done $0x0  }
0x59: {  	s5 =	simm.s32 @!p1 $0x10;
	s10 =	simm.s32 $0x2980;
	[sflag:s31] =	ssyncadd.s32 $0xFFFFE0C0  }
0x5a: {  	[spmem:s2] =	stream.indirect.scatter.add.bf16 [tilespmem:s25], [sflag:$0xC], $0x40, s10, s18, $0xb8;
	[tilespmem:$0x1E640] =	vst v63  }
0x5b: {  	_ =	swait.ge @!p1 [sflag:s5], $0x1F40  }
0x5c: {  	[sflag:s5] =	ssyncset.done @!p1 $0x0  }
0x5d: {  	s11 =	simm.s32 $0x380;
	[sflag:s5] =	ssyncadd.s32 @!p1 $0xFFFFE0C0  }
0x5e: {  	[tilespmem:s1], [sflag:$0x8] =	stream.indirect.gather [hbm4b:s4+s18], $0x40, s11, s18, $0xb8;
	[tilespmem:$0x1E640] =	vst v63  }
0x5f: {  	_ =	swait.ge [sflag:s0], $0x1F40  }
0x60: {  	[sflag:s0] =	ssyncset.done $0x0  }
0x61: {  	s12 =	simm.s32 $0x2A00;
	[sflag:s0] =	ssyncadd.s32 $0xFFFFE0C0  }
0x62: {  	[spmem:s2] =	stream.indirect.scatter.add.bf16 [tilespmem:s28], [sflag:$0xD], $0x40, s12, s18, $0xb8;
	[tilespmem:$0x1E640] =	vst v63  }
0x63: {  	p1 =	por $0x0, $0x0;
	_ =	swait.ge [sflag:s15], $0x1F40  }
0x64: {  	s3 =	simm.s32 @!p1 $0x5000;
	[sflag:s15] =	ssyncset.done $0x0  }
0x65: {  	s5 =	simm.s32 @!p1 $0x400;
	s9 =	simm.s32 @!p1 $0x7D;
	[sflag:s15] =	ssyncadd.s32 $0xFFFFE0C0  }
0x66: {  	[tilespmem:s3], [sflag:$0x1] =	stream.indirect.gather @!p1 [hbm4b:s4+s9], $0x40, s5, s9, $0xb8;
	[tilespmem:$0x1E640] =	vst v63  }
0x67: {  	_ =	swait.ge [sflag:s20], $0x1F40  }
0x68: {  	[sflag:s20] =	ssyncset.done $0x0  }
0x69: {  	s14 =	simm.s32 $0x2A80;
	s13 =	rddreg [dreg:$0x4];
	[sflag:s20] =	ssyncadd.s32 $0xFFFFE0C0  }
0x6a: {  	[spmem:s2] =	stream.indirect.scatter.add.bf16 [tilespmem:s13], [sflag:$0xE], $0x40, s14, s18, $0xb8;
	[tilespmem:$0x1E640] =	vst v63  }
0x6b: {  	p1 =	por $0x0, $0x0;
	_ =	swait.ge [sflag:s22], $0x1F40  }
0x6c: {  	s3 =	simm.s32 @!p1 $0x6F40;
	[sflag:s22] =	ssyncset.done $0x0  }
0x6d: {  	s5 =	simm.s32 @!p1 $0x480;
	s9 =	simm.s32 @!p1 $0x7D;
	[sflag:s22] =	ssyncadd.s32 $0xFFFFE0C0  }
0x6e: {  	[tilespmem:s3], [sflag:$0x2] =	stream.indirect.gather @!p1 [hbm4b:s4+s9], $0x40, s5, s9, $0xb8;
	[tilespmem:$0x1E640] =	vst v63  }
0x6f: {  	_ =	swait.ge [sflag:s23], $0x1F40  }
0x70: {  	[sflag:s23] =	ssyncset.done $0x0  }
0x71: {  	s16 =	simm.s32 $0x2B00;
	[sflag:s23] =	ssyncadd.s32 $0xFFFFE0C0  }
0x72: {  	[spmem:s2] =	stream.indirect.scatter.add.bf16 [tilespmem:s30], [sflag:$0xF], $0x40, s16, s18, $0xb8;
	[tilespmem:$0x1E640] =	vst v63  }
0x73: {  	p1 =	por $0x0, $0x0;
	_ =	swait.ge [sflag:s24], $0x1F40  }
0x74: {  	s3 =	simm.s32 @!p1 $0x8E80;
	[sflag:s24] =	ssyncset.done $0x0  }
0x75: {  	s5 =	simm.s32 @!p1 $0x500;
	s9 =	simm.s32 @!p1 $0x7D;
	[sflag:s24] =	ssyncadd.s32 $0xFFFFE0C0  }
0x76: {  	[tilespmem:s3], [sflag:$0x3] =	stream.indirect.gather @!p1 [hbm4b:s4+s9], $0x40, s5, s9, $0xb8;
	[tilespmem:$0x1E640] =	vst v63  }
0x77: {  	_ =	swait.ge [sflag:s6], $0x1F40  }
0x78: {  	p2 =	por $0x0, $0x0;
	[sflag:s6] =	ssyncset.done $0x0  }
0x79: {  	s17 =	simm.s32 $0x2B80;
	s11 =	simm.s32 @!p2 $0xADC0;
	[sflag:s6] =	ssyncadd.s32 $0xFFFFE0C0  }
0x7a: {  	[spmem:s2] =	stream.indirect.scatter.add.bf16 [tilespmem:s1], [sflag:$0x10], $0x40, s17, s18, $0xb8;
	[tilespmem:$0x1E640] =	vst v63  }
0x7b: {  	s12 =	simm.s32 @!p2 $0x7D;
	s3 =	simm.s32 $0x1000;
	_ =	swait.ge [sflag:s8], $0x1F40  }
0x7c: {  	s5 =	simm.s32 @!p2 $0x580;
	s9 =	simm.s32 $0x7;
	[sflag:s8] =	ssyncset.done $0x0  }
.LBB2_2:
0x7d: {  	[sflag:s8] =	ssyncadd.s32 $0xFFFFE0C0  }
0x7e: {  	[tilespmem:s11], [sflag:$0x4] =	stream.indirect.gather @!p2 [hbm4b:s4+s12], $0x40, s5, s12, $0xb8;
	[tilespmem:$0x1E640] =	vst v63  }
0x7f: {  	s10 =	smov.u32 s3;
	_ =	swait.ge [sflag:s26], $0x1F40  }
0x80: {  	s11 =	sshra.s32 s10, $0x2;
	p2 =	seq.s32 s10, $0x0;
	[sflag:s26] =	ssyncset.done $0x0  }
0x81: {  	s17 =	sadd.s32 $0x2800, s11;
	s12 =	simm.s32 @!p2 $0xD;
	[sflag:s26] =	ssyncadd.s32 $0xFFFFE0C0  }
0x82: {  	[spmem:s2] =	stream.indirect.scatter.add.bf16 [tilespmem:s19], [sflag:$0x9], $0x40, s17, s18, $0xb8;
	[tilespmem:$0x1E640] =	vst v63  }
0x83: {  	_ =	swait.ge @!p2 [sflag:s12], $0x1F40  }
0x84: {  	[sflag:s12] =	ssyncset.done @!p2 $0x0  }
0x85: {  	s14 =	sadd.s32 $0x200, s11;
	[sflag:s12] =	ssyncadd.s32 @!p2 $0xFFFFE0C0  }
0x86: {  	[tilespmem:s28], [sflag:$0x5] =	stream.indirect.gather [hbm4b:s4+s18], $0x40, s14, s18, $0xb8;
	[tilespmem:$0x1E640] =	vst v63  }
0x87: {  	_ =	swait.ge [sflag:s29], $0x1F40  }
0x88: {  	s7 =	sshra.s32 @p2 s10, $0x2;
	[sflag:s29] =	ssyncset.done $0x0  }
0x89: {  	s13 =	simm.s32 @p2 $0xEC40;
	s14 =	sadd.s32 $0x2880, s11;
	[sflag:s29] =	ssyncadd.s32 $0xFFFFE0C0  }
0x8a: {  	[spmem:s2] =	stream.indirect.scatter.add.bf16 [tilespmem:s21], [sflag:$0xA], $0x40, s14, s18, $0xb8;
	[tilespmem:$0x1E640] =	vst v63  }
0x8b: {  	s5 =	sadd.s32 @p2 $0x280, s7;
	s17 =	simm.s32 @p2 $0x7D;
	s14 =	simm.s32 @p2 $0x3  }
0x8c: {  	[tilespmem:s13], [sflag:$0x6] =	stream.indirect.gather @p2 [hbm4b:s4+s17], $0x40, s5, s17, $0xb8;
	[tilespmem:$0x1E640] =	vst v63  }
0x8d: {  	_ =	swait.ge @p2 [sflag:s14], $0x1F40  }
0x8e: {  	s7 =	sadd.s32 @p2 $0x2900, s7;
	[sflag:s14] =	ssyncset.done @p2 $0x0  }
0x8f: {  	s5 =	simm.s32 @p2 $0x8E80;
	s13 =	simm.s32 @!p2 $0xE;
	[sflag:s14] =	ssyncadd.s32 @p2 $0xFFFFE0C0  }
0x90: {  	[spmem:s2] =	stream.indirect.scatter.add.bf16 @p2 [tilespmem:s5], [sflag:$0xB], $0x40, s7, s17, $0xb8;
	[tilespmem:$0x1E640] =	vst v63  }
0x91: {  	s16 =	sshra.s32 @!p2 s10, $0x2;
	_ =	swait.ge @!p2 [sflag:s13], $0x1F40  }
0x92: {  	s12 =	sadd.s32 @!p2 $0x280, s16;
	s5 =	simm.s32 @!p2 $0x7D;
	[sflag:s13] =	ssyncset.done @!p2 $0x0  }
0x93: {  	s7 =	simm.s32 @!p2 $0xEC40;
	[sflag:s13] =	ssyncadd.s32 @!p2 $0xFFFFE0C0;
	s13 =	simm.s32 @!p2 $0x3  }
0x94: {  	[tilespmem:s7], [sflag:$0x6] =	stream.indirect.gather @!p2 [hbm4b:s4+s5], $0x40, s12, s5, $0xb8;
	[tilespmem:$0x1E640] =	vst v63  }
0x95: {  	_ =	swait.ge @!p2 [sflag:s13], $0x1F40  }
0x96: {  	s16 =	sadd.s32 @!p2 $0x2900, s16;
	[sflag:s13] =	ssyncset.done @!p2 $0x0  }
0x97: {  	s7 =	simm.s32 @!p2 $0x8E80;
	s12 =	simm.s32 @!p2 $0xF;
	[sflag:s13] =	ssyncadd.s32 @!p2 $0xFFFFE0C0  }
0x98: {  	[spmem:s2] =	stream.indirect.scatter.add.bf16 @!p2 [tilespmem:s7], [sflag:$0xB], $0x40, s16, s5, $0xb8;
	[tilespmem:$0x1E640] =	vst v63  }
0x99: {  	_ =	swait.ge @!p2 [sflag:s12], $0x1F40  }
0x9a: {  	[sflag:s12] =	ssyncset.done @!p2 $0x0  }
0x9b: {  	s7 =	sadd.s32 $0x300, s11;
	[sflag:s12] =	ssyncadd.s32 @!p2 $0xFFFFE0C0  }
0x9c: {  	[tilespmem:s30], [sflag:$0x7] =	stream.indirect.gather [hbm4b:s4+s18], $0x40, s7, s18, $0xb8;
	[tilespmem:$0x1E640] =	vst v63  }
0x9d: {  	_ =	swait.ge [sflag:s31], $0x1F40  }
0x9e: {  	[sflag:s31] =	ssyncset.done $0x0  }
0x9f: {  	s13 =	sadd.s32 $0x2980, s11;
	s7 =	simm.s32 @!p2 $0x10;
	[sflag:s31] =	ssyncadd.s32 $0xFFFFE0C0  }
0xa0: {  	[spmem:s2] =	stream.indirect.scatter.add.bf16 [tilespmem:s25], [sflag:$0xC], $0x40, s13, s18, $0xb8;
	[tilespmem:$0x1E640] =	vst v63  }
0xa1: {  	_ =	swait.ge @!p2 [sflag:s7], $0x1F40  }
0xa2: {  	[sflag:s7] =	ssyncset.done @!p2 $0x0  }
0xa3: {  	s14 =	sadd.s32 $0x380, s11;
	[sflag:s7] =	ssyncadd.s32 @!p2 $0xFFFFE0C0  }
0xa4: {  	[tilespmem:s1], [sflag:$0x8] =	stream.indirect.gather [hbm4b:s4+s18], $0x40, s14, s18, $0xb8;
	[tilespmem:$0x1E640] =	vst v63  }
0xa5: {  	_ =	swait.ge [sflag:s0], $0x1F40  }
0xa6: {  	s9 =	sadd.s32 $0x8, s9;
	[sflag:s0] =	ssyncset.done $0x0  }
0xa7: {  	s17 =	sadd.s32 $0xFFFFFFFD, s9;
	s16 =	sadd.s32 $0x2A00, s11;
	[sflag:s0] =	ssyncadd.s32 $0xFFFFE0C0  }
0xa8: {  	[spmem:s2] =	stream.indirect.scatter.add.bf16 [tilespmem:s28], [sflag:$0xD], $0x40, s16, s18, $0xb8;
	[tilespmem:$0x1E640] =	vst v63  }
0xa9: {  	p2 =	sgt.u32 s17, $0x4B;
	_ =	swait.ge [sflag:s15], $0x1F40  }
0xaa: {  	s5 =	sshra.s32 @!p2 s10, $0x2;
	s7 =	simm.s32 @!p2 $0x5000;
	[sflag:s15] =	ssyncset.done $0x0  }
0xab: {  	s12 =	simm.s32 @!p2 $0x7D;
	s5 =	sadd.s32 @!p2 $0x400, s5;
	[sflag:s15] =	ssyncadd.s32 $0xFFFFE0C0  }
0xac: {  	[tilespmem:s7], [sflag:$0x1] =	stream.indirect.gather @!p2 [hbm4b:s4+s12], $0x40, s5, s12, $0xb8;
	[tilespmem:$0x1E640] =	vst v63  }
0xad: {  	_ =	swait.ge [sflag:s20], $0x1F40  }
0xae: {  	s13 =	sadd.s32 $0xFFFFFFFE, s9;
	s12 =	sadd.s32 $0x2A80, s11;
	[sflag:s20] =	ssyncset.done $0x0  }
0xaf: {  	p2 =	sgt.u32 s13, $0x4B;
	s7 =	rddreg [dreg:$0x4];
	[sflag:s20] =	ssyncadd.s32 $0xFFFFE0C0  }
0xb0: {  	[spmem:s2] =	stream.indirect.scatter.add.bf16 [tilespmem:s7], [sflag:$0xE], $0x40, s12, s18, $0xb8;
	[tilespmem:$0x1E640] =	vst v63  }
0xb1: {  	s5 =	sshra.s32 @!p2 s10, $0x2;
	_ =	swait.ge [sflag:s22], $0x1F40  }
0xb2: {  	s5 =	sadd.s32 @!p2 $0x480, s5;
	[sflag:s22] =	ssyncset.done $0x0  }
0xb3: {  	s7 =	simm.s32 @!p2 $0x6F40;
	s12 =	simm.s32 @!p2 $0x7D;
	[sflag:s22] =	ssyncadd.s32 $0xFFFFE0C0  }
0xb4: {  	[tilespmem:s7], [sflag:$0x2] =	stream.indirect.gather @!p2 [hbm4b:s4+s12], $0x40, s5, s12, $0xb8;
	[tilespmem:$0x1E640] =	vst v63  }
0xb5: {  	_ =	swait.ge [sflag:s23], $0x1F40  }
0xb6: {  	[sflag:s23] =	ssyncset.done $0x0  }
0xb7: {  	s14 =	sadd.s32 $0x2B00, s11;
	s16 =	sadd.s32 $0xFFFFFFFF, s9;
	[sflag:s23] =	ssyncadd.s32 $0xFFFFE0C0  }
0xb8: {  	[spmem:s2] =	stream.indirect.scatter.add.bf16 [tilespmem:s30], [sflag:$0xF], $0x40, s14, s18, $0xb8;
	[tilespmem:$0x1E640] =	vst v63  }
0xb9: {  	s3 =	sadd.s32 $0x1000, s3;
	p2 =	sgt.u32 s16, $0x4B;
	_ =	swait.ge [sflag:s24], $0x1F40  }
0xba: {  	s5 =	sshra.s32 @!p2 s10, $0x2;
	s7 =	simm.s32 @!p2 $0x8E80;
	[sflag:s24] =	ssyncset.done $0x0  }
0xbb: {  	s12 =	simm.s32 @!p2 $0x7D;
	s5 =	sadd.s32 @!p2 $0x500, s5;
	[sflag:s24] =	ssyncadd.s32 $0xFFFFE0C0  }
0xbc: {  	[tilespmem:s7], [sflag:$0x3] =	stream.indirect.gather @!p2 [hbm4b:s4+s12], $0x40, s5, s12, $0xb8;
	[tilespmem:$0x1E640] =	vst v63  }
0xbd: {  	p1 =	sne.s32 s3, $0xA000;
	_ =	swait.ge [sflag:s6], $0x1F40  }
.Ltmp0:
0xbe: {  	[sflag:s6] =	ssyncset.done $0x0;
	(pc) =	sbr.rel @p1 .LBB2_2-.Ltmp0, $4  }
0xbf: {  	s17 =	sadd.s32 $0x2B80, s11;
	p2 =	sgt.u32 s9, $0x4B;
	[sflag:s6] =	ssyncadd.s32 $0xFFFFE0C0  }
0xc0: {  	[spmem:s2] =	stream.indirect.scatter.add.bf16 [tilespmem:s1], [sflag:$0x10], $0x40, s17, s18, $0xb8;
	[tilespmem:$0x1E640] =	vst v63  }
0xc1: {  	s5 =	sshra.s32 @!p2 s10, $0x2;
	s11 =	simm.s32 @!p2 $0xADC0;
	_ =	swait.ge [sflag:s8], $0x1F40  }
0xc2: {  	s12 =	simm.s32 @!p2 $0x7D;
	s5 =	sadd.s32 @!p2 $0x580, s5;
	[sflag:s8] =	ssyncset.done $0x0  }
0xc3: {  	[sflag:s8] =	ssyncadd.s32 $0xFFFFE0C0;
	s3 =	simm.s32 $0xD  }
0xc4: {  	[tilespmem:s11], [sflag:$0x4] =	stream.indirect.gather @!p2 [hbm4b:s4+s12], $0x40, s5, s12, $0xb8;
	[tilespmem:$0x1E640] =	vst v63  }
0xc5: {  	_ =	swait.ge [sflag:s3], $0x1F40  }
0xc6: {  	[sflag:s3] =	ssyncset.done $0x0  }
0xc7: {  	s10 =	simm.s32 $0xE;
	[sflag:s3] =	ssyncadd.s32 $0xFFFFE0C0  }
0xc8: {  	_ =	swait.ge [sflag:s10], $0x1F40  }
0xc9: {  	[sflag:s10] =	ssyncset.done $0x0  }
0xca: {  	s11 =	simm.s32 $0xF;
	[sflag:s10] =	ssyncadd.s32 $0xFFFFE0C0  }
0xcb: {  	_ =	swait.ge [sflag:s11], $0x1F40  }
0xcc: {  	[sflag:s11] =	ssyncset.done $0x0  }
0xcd: {  	s12 =	simm.s32 $0x10;
	[sflag:s11] =	ssyncadd.s32 $0xFFFFE0C0  }
0xce: {  	_ =	swait.ge [sflag:s12], $0x1F40  }
0xcf: {  	[sflag:s12] =	ssyncset.done $0x0  }
0xd0: {  	[sflag:s12] =	ssyncadd.s32 $0xFFFFE0C0  }
0xd1: {  	[bflag:$0x0] =	sbarrier.arrive $0xFFFF  }
0xd2: {  	s13 =	rddreg [dreg:$0x5]  }
0xd3: {  	s14 =	rddreg [dreg:$0xb]  }
0xd4: {  	s16 =	simm.s32 $0x12;
	s9 =	rddreg [dreg:$0xe];
	s3 =	sor.u32 $0x1C12, s13  }
0xd5: {  	[hbm:s14], [sflag:s3] =	dma.local [spmem:s9], $0x1380  }
0xd6: {  	_ =	swait.ge [sflag:s16], $0x1380  }
0xd7: {  	[sflag:s16] =	ssyncset.done $0x0;
	s5 =	rddreg [dreg:$0xc]  }
0xd8: {  	s10 =	rddreg [dreg:$0xf];
	[sflag:s16] =	ssyncadd.s32 $0xFFFFEC80  }
0xd9: {  	[hbm:s5], [sflag:s3] =	dma.local @!p0 [spmem:s10], $0x80  }
0xda: {  	s3 =	simm.s32 @!p0 $0x12  }
0xdb: {  	_ =	swait.ge @!p0 [sflag:s3], $0x80  }
0xdc: {  	s7 =	rddreg [dreg:$0x10]  }
0xdd: {  	s17 =	rddreg [dreg:$0xd];
	s7 =	sadd.s32 $0x1, s7  }
0xde: {  	p1 =	sne.s32 s7, s17  }
.Ltmp1:
0xdf: {  	_ = 	snop;
	(pc) =	sbr.rel @p1 .LBB2_1-.Ltmp1, $3  }
0xe0: {  	_ =	sdelay $0x1  }
0xe1: {  	[sflag:s3] =	ssyncset.done @!p0 $0x0  }
0xe2: {  	[sflag:s3] =	ssyncadd.s32 @!p0 $0xFFFFFF80  }
0xe3: {  	_ =	sfence.sel $0x180000  }
0xe4: {  	[bflag:$0x0] =	sbarrier.arrive $0xFFFF  }
0xe5: {  	_ =	strace $0x9000004A  }
0xe6: {  	s0 =	stileid.u32;
	[bflag:$0x2] =	sbarrier.arrive $0xFFFF  }
0xe7: {  	p0 =	sne.s32 s0, $0x0;
	s0 =	rddreg [dreg:$0x3]  }
0xe8: {  	s0 =	sadd.s32 @!p0 $0x100000, s0  }
0xe9: {  	[sflag:s0] =	ssyncadd.tile.s32 @!p0 $0x1;
	_ =	shalt  }
.Lfunc_end2:
_tile_overlayer_lowered:
.L_overlay_start_2:
0xea: {  	(tag) =	ssettag $0x2  }
0xeb: {  	s0 =	rddreg [dreg:$0x0];
	s2 =	stileid.u32  }
0xec: {  	s1 =	rddreg [dreg:$0x1];
	p0 =	sne.s32 s2, $0x0  }
0xed: {  	s3 =	rddreg [dreg:$0x2];
	[bflag:$0x3] =	sbarrier.arrive $0xFFFF;
	s2 =	simm.s32 @!p0 $0x1C12  }
0xee: {  	[timem:s3], [sflag:s2] =	dma.local @!p0 [hbm:s0], s1  }
0xef: {  	s0 =	simm.s32 @!p0 $0x12  }
0xf0: {  	_ =	swait.ge @!p0 [sflag:s0], s1  }
0xf1: {  	s1 =	ssub.s32 @!p0 $0x0, s1;
	[sflag:s0] =	ssyncset.done @!p0 $0x0  }
0xf2: {  	[sflag:s0] =	ssyncadd.s32 @!p0 s1  }
0xf3: {  	[bflag:$0x3] =	sbarrier.arrive $0xFFFF  }
0xf4: {  	_ =	shalt  }

</sc_bundles>
